<compile_context>
chip_gen: v7x
topology: tpu7x:2x2x1
jax: 0.10.2.dev20260603
libtpu: 0.0.44.dev20260713+nightly
codegen_flags: <defaults>
</compile_context>

<pallas_src>
import functools

import jax
import jax.numpy as jnp
from jax import lax
from jax.experimental import pallas as pl
from jax.experimental.pallas import tpu as pltpu
from jax.experimental.pallas import tpu_sc as plsc

B = 1024
D = 512
Q = 100000
K = 32
CLASSES = 1000
OUT_PAD = 1024
COL_TILE = 2048
NW = 32
ROWS_PER_W = B // NW
VPG = 16
GROUP = VPG * 16
NGROUPS = Q // GROUP
TAIL_VREGS = (Q - NGROUPS * GROUP) // 16
NEG = -1e30
INV_T = 10.0



def _mm_body(x_ref, m_ref, o_ref, xn_ref):
    @pl.when(pl.program_id(0) == 0)
    def _():
        xx = x_ref[...]
        n = jnp.sqrt(jnp.sum(xx * xx, axis=1, keepdims=True))
        xn_ref[...] = xx / jnp.maximum(n, 1e-12)

    o_ref[...] = lax.dot_general(
        xn_ref[...], m_ref[...],
        dimension_numbers=(((1,), (1,)), ((), ())),
        preferred_element_type=jnp.float32,
    )


def _dist_matmul(x, memory):
    grid = (pl.cdiv(Q, COL_TILE),)
    return pl.pallas_call(
        _mm_body,
        grid=grid,
        in_specs=[
            pl.BlockSpec((B, D), lambda c: (0, 0)),
            pl.BlockSpec((COL_TILE, D), lambda c: (c, 0)),
        ],
        out_specs=pl.BlockSpec((B, COL_TILE), lambda c: (0, c)),
        out_shape=jax.ShapeDtypeStruct((B, Q), jnp.float32),
        scratch_shapes=[pltpu.VMEM((B, D), jnp.float32)],
    )(x, memory)



_GDN = lax.GatherDimensionNumbers(
    offset_dims=(), collapsed_slice_dims=(0,), start_index_map=(0,))


def _splat(v, lanes):
    return lax.gather(v, lanes.reshape(16, 1), _GDN, (1,),
                      mode=lax.GatherScatterMode.PROMISE_IN_BOUNDS)


def _sc_body(dist_hbm, lbl_hbm, out_hbm, buf, topv, topi, th, lblbuf,
             acc, rowout):
    wid = lax.axis_index("s") * 2 + lax.axis_index("c")
    iota = lax.iota(jnp.int32, 16)
    zeros16 = jnp.zeros((16,), jnp.float32)
    lane0 = jnp.zeros((16,), jnp.int32)
    lane15 = jnp.full((16,), 15, jnp.int32)

    def zero_acc(i, carry):
        acc[pl.ds(i * 16, 16)] = zeros16
        return carry

    lax.fori_loop(0, OUT_PAD // 16, zero_acc, 0)

    def merge_vreg(base):
        v = buf[pl.ds(base, 16)]
        cnt = plsc.all_reduce_population_count(v > th[...])

        @pl.when(cnt[0] > 0)
        def _():
            gi = iota + base
            sv, si = plsc.sort_key_val(v, gi)
            rv = lax.rev(sv, (0,))
            ri = lax.rev(si, (0,))
            lo_v = topv[pl.ds(0, 16)]
            lo_i = topi[pl.ds(0, 16)]
            hi_v = topv[pl.ds(16, 16)]
            hi_i = topi[pl.ds(16, 16)]
            m1 = rv > lo_v
            nv = jnp.where(m1, rv, lo_v)
            ni = jnp.where(m1, ri, lo_i)
            m2 = nv > hi_v
            lv = jnp.where(m2, hi_v, nv)
            li = jnp.where(m2, hi_i, ni)
            hv = jnp.where(m2, nv, hi_v)
            hi2 = jnp.where(m2, ni, hi_i)
            lv, li = plsc.sort_key_val(lv, li)
            hv, hi2 = plsc.sort_key_val(hv, hi2)
            topv[pl.ds(0, 16)] = lv
            topi[pl.ds(0, 16)] = li
            topv[pl.ds(16, 16)] = hv
            topi[pl.ds(16, 16)] = hi2
            th[...] = _splat(lv, lane0)

    def do_row(rr, carry):
        r = wid * ROWS_PER_W + rr
        pltpu.sync_copy(dist_hbm.at[r], buf)
        topv[pl.ds(0, 16)] = jnp.full((16,), NEG, jnp.float32)
        topv[pl.ds(16, 16)] = jnp.full((16,), NEG, jnp.float32)
        topi[pl.ds(0, 16)] = jnp.zeros((16,), jnp.int32)
        topi[pl.ds(16, 16)] = jnp.zeros((16,), jnp.int32)
        th[...] = jnp.full((16,), NEG, jnp.float32)

        def group(g, gcarry):
            base = g * GROUP
            vs = [buf[pl.ds(base + 16 * j, 16)] for j in range(VPG)]
            while len(vs) > 1:
                vs = [jnp.maximum(vs[i], vs[i + 1]) if i + 1 < len(vs)
                      else vs[i] for i in range(0, len(vs), 2)]

            gcnt = plsc.all_reduce_population_count(vs[0] > th[...])

            @pl.when(gcnt[0] > 0)
            def _():
                for j in range(VPG):
                    merge_vreg(base + 16 * j)

            return gcarry

        lax.fori_loop(0, 1, group, 0)
        for j in range(TAIL_VREGS):
            merge_vreg(NGROUPS * GROUP + 16 * j)

        lo_v = topv[pl.ds(0, 16)]
        hi_v = topv[pl.ds(16, 16)]
        mx = _splat(hi_v, lane15)
        el = jnp.exp((lo_v - mx) * INV_T)
        eh = jnp.exp((hi_v - mx) * INV_T)
        csum = plsc.cumsum(el + eh)
        s = _splat(csum, lane15)
        wl = el / s
        wh = eh / s

        pltpu.sync_copy(lbl_hbm.at[topi], lblbuf)
        ll = lblbuf[pl.ds(0, 16)]
        lh = lblbuf[pl.ds(16, 16)]

        for j in range(16):
            mj = iota == j
            plsc.addupdate_scatter(acc, [ll], wl, mask=mj)
            plsc.addupdate_scatter(acc, [lh], wh, mask=mj)

        def clamp(i, ccarry):
            rowout[pl.ds(i * 16, 16)] = jnp.minimum(
                acc[pl.ds(i * 16, 16)] + 1e-5, 1.0)
            return ccarry

        lax.fori_loop(0, OUT_PAD // 16, clamp, 0)
        plsc.store_scatter(acc, [ll], zeros16)
        plsc.store_scatter(acc, [lh], zeros16)
        pltpu.sync_copy(rowout, out_hbm.at[r])
        return carry

    lax.fori_loop(0, ROWS_PER_W, do_row, 0)


def _sc_topk(dist, memory_label):
    mesh = plsc.VectorSubcoreMesh(core_axis_name="c", subcore_axis_name="s",
                                  num_cores=2, num_subcores=16)
    fn = pl.kernel(
        _sc_body,
        out_type=jax.ShapeDtypeStruct((B, OUT_PAD), jnp.float32),
        mesh=mesh,
        compiler_params=pltpu.CompilerParams(needs_layout_passes=False),
        scratch_types=[
            pltpu.VMEM((Q,), jnp.float32),
            pltpu.VMEM((K,), jnp.float32),
            pltpu.VMEM((K,), jnp.int32),
            pltpu.VMEM((16,), jnp.float32),
            pltpu.VMEM((K,), jnp.int32),
            pltpu.VMEM((OUT_PAD,), jnp.float32),
            pltpu.VMEM((OUT_PAD,), jnp.float32),
        ],
    )
    return fn(dist, memory_label)


def kernel(x, memory, memory_label):
    dist = _dist_matmul(x, memory)
    out = _sc_topk(dist, memory_label)
    return out[:, :CLASSES]

# --- scband reference (transcript-rebuilt; emitter-appended) ---
"""Pipeline reference for scband-knn-88553635709459 (READ-ONLY COPY).

The authoritative reference and input builder live on the scoring server;
editing this copy changes nothing except your own understanding.
"""

import jax, jax.numpy as jnp
import numpy as np
import math

FEATURE_DIM = 512
QUEUE_SIZE = 100000
TEMPERATURE = 0.1
K = 32
CLASSES = 1000
EPS_BALL = 1.1  # > 1, so forward always takes the top-k branch
BATCH = 1024


def setup_inputs(seed: int = 0) -> dict:
    key = jax.random.key(seed)
    k1, k2, k3 = jax.random.split(key, 3)
    x = jax.random.normal(k1, (BATCH, FEATURE_DIM), dtype=jnp.float32)
    # memory buffer init: torch.rand(Q, D).mul_(2*stdv).add_(-stdv)
    stdv = 1.0 / math.sqrt(FEATURE_DIM / 3)
    memory = jax.random.uniform(k2, (QUEUE_SIZE, FEATURE_DIM), dtype=jnp.float32) * (2 * stdv) - stdv
    memory_label = jax.random.randint(k3, (QUEUE_SIZE,), 0, CLASSES, dtype=jnp.int32)
    return {"x": x, "memory": memory, "memory_label": memory_label}


def reference(x, memory, memory_label):
    # F.normalize(x, dim=1)
    xn = x / jnp.clip(jnp.linalg.norm(x, axis=1, keepdims=True), 1e-12, None)
    # dist = xn @ memory.T  -> [B, Q]
    dist = jnp.dot(xn, memory.T)
    # eps_ball = 1.1 > 1, so the top-k branch is always taken
    sim_weight, sim_indices = jax.lax.top_k(dist, K)  # [B, K]
    # gather labels of top-k neighbors
    sim_labels = jnp.take(memory_label, sim_indices)  # [B, K]
    sim_weight = jax.nn.softmax(sim_weight / TEMPERATURE, axis=1)
    # one-hot scatter of neighbor labels
    one_hot_label = jax.nn.one_hot(sim_labels, CLASSES, dtype=jnp.float32)  # [B, K, C]
    pred_scores = jnp.sum(one_hot_label * sim_weight[..., None], axis=1)  # [B, C]
    pred_scores = jnp.minimum(pred_scores + 1e-05, 1.0)
    return pred_scores

if __name__ == "__main__":
    import jax
    _d = setup_inputs()
    print(jax.jit(kernel)(*tuple(_d.values())))

</pallas_src>

<mosaic_0001>
#map = affine_map<(d0, d1) -> (0, 0)>
#map1 = affine_map<(d0, d1) -> (0)>
module attributes {stable_mosaic.version = 14 : i64} {
  func.func @_sc_body(%arg0: i32, %arg1: i32, %arg2: memref<1024x100000xf32, #tpu.memory_space<hbm>>, %arg3: memref<100000xi32, #tpu.memory_space<hbm>>, %arg4: memref<1024x1024xf32, #tpu.memory_space<hbm>>, %arg5: memref<100000xf32, #tpu.memory_space<vmem>>, %arg6: memref<32xf32, #tpu.memory_space<vmem>>, %arg7: memref<32xi32, #tpu.memory_space<vmem>>, %arg8: memref<16xf32, #tpu.memory_space<vmem>>, %arg9: memref<32xi32, #tpu.memory_space<vmem>>, %arg10: memref<1024xf32, #tpu.memory_space<vmem>>, %arg11: memref<1024xf32, #tpu.memory_space<vmem>>) attributes {dimension_semantics = [#tpu.dimension_semantics<core_parallel>, #tpu.dimension_semantics<subcore_parallel>], iteration_bounds = array<i64: 2, 16>, scalar_prefetch = 0 : i64, scratch_operands = 7 : i64, tpu.core_type = #tpu.core_type<sc_vector_subcore>, window_params = [{transform_indices = #map}, {transform_indices = #map1}, {transform_indices = #map}]} {
    %mul3A = arith.constant 2 : i32
    %mul3A_0 = arith.muli %arg1, %mul3A : i32
    %add3A = arith.addi %mul3A_0, %arg0 : i32
    %iota3A = tpu.iota {dimensions = array<i32: 0>} : vector<16xi32>
    %broadcast_in_dim3A = arith.constant 0.000000e+00 : f32
    %broadcast_in_dim3A_1 = vector.broadcast %broadcast_in_dim3A : f32 to vector<16xf32>
    %broadcast_in_dim3A_2 = arith.constant 0 : i32
    %broadcast_in_dim3A_3 = vector.broadcast %broadcast_in_dim3A_2 : i32 to vector<16xi32>
    %broadcast_in_dim3A_4 = arith.constant 15 : i32
    %broadcast_in_dim3A_5 = vector.broadcast %broadcast_in_dim3A_4 : i32 to vector<16xi32>
    %scan3A = arith.constant 0 : i32
    %scan3A_6 = arith.constant 0 : i32
    %scan3A_7 = arith.constant 64 : i32
    %scan3A_8 = arith.addi %scan3A_6, %scan3A_7 : i32
    %scan3A_9 = arith.constant 1 : i32
    scf.for %scan3A_17 = %scan3A_6 to %scan3A_8 step %scan3A_9  : i32 {
      %mul3A_18 = arith.constant 16 : i32
      %mul3A_19 = arith.muli %scan3A_17, %mul3A_18 : i32
      %swap3A = arith.index_cast %mul3A_19 : i32 to index
      %swap3A_20 = tpu.vector_load %arg10[%swap3A] {strides = array<i32>} : memref<1024xf32, #tpu.memory_space<vmem>>, vector<16xf32>,
      tpu.vector_store %arg10[%swap3A], %broadcast_in_dim3A_1 {strides = array<i32>} : memref<1024xf32, #tpu.memory_space<vmem>>, vector<16xf32>,
    }
    %scan3A_10 = arith.constant 64 : i32
    %scan3A_11 = arith.constant 0 : i32
    %scan3A_12 = arith.constant 0 : i32
    %scan3A_13 = arith.constant 32 : i32
    %scan3A_14 = arith.addi %scan3A_12, %scan3A_13 : i32
    %scan3A_15 = arith.constant 1 : i32
    scf.for %scan3A_17 = %scan3A_12 to %scan3A_14 step %scan3A_15  : i32 {
      %mul3A_18 = arith.constant 32 : i32
      %mul3A_19 = arith.muli %add3A, %mul3A_18 : i32
      %add3A_20 = arith.addi %mul3A_19, %scan3A_17 : i32
      "tpu.region"() ({
        %run_scoped3A = tpu.sem_alloc : memref<!tpu.dma_semaphore, #tpu.memory_space<semaphore_mem>>
        %dma_start3A = arith.constant 0 : i32
        %dma_start3A_334 = tpu.memref_slice %arg2[%add3A_20, %dma_start3A] : memref<1024x100000xf32, #tpu.memory_space<hbm>> -> memref<1x100000xf32, #tpu.memory_space<hbm>>
        %dma_start3A_335 = tpu.memref_squeeze %dma_start3A_334 : memref<1x100000xf32, #tpu.memory_space<hbm>> -> memref<100000xf32, #tpu.memory_space<hbm>>
        %dma_start3A_336 = arith.constant 0 : i32
        %dma_start3A_337 = tpu.memref_slice %arg2[%add3A_20, %dma_start3A_336] : memref<1024x100000xf32, #tpu.memory_space<hbm>> -> memref<1x100000xf32, #tpu.memory_space<hbm>>
        %dma_start3A_338 = tpu.memref_squeeze %dma_start3A_337 : memref<1x100000xf32, #tpu.memory_space<hbm>> -> memref<100000xf32, #tpu.memory_space<hbm>>
        tpu.enqueue_dma source(%dma_start3A_338 : memref<100000xf32, #tpu.memory_space<hbm>>) target(%arg5 : memref<100000xf32, #tpu.memory_space<vmem>>) target_semaphore(%run_scoped3A : memref<!tpu.dma_semaphore, #tpu.memory_space<semaphore_mem>>)
        %dma_wait3A = arith.constant 0 : i32
        %dma_wait3A_339 = tpu.memref_slice %arg2[%add3A_20, %dma_wait3A] : memref<1024x100000xf32, #tpu.memory_space<hbm>> -> memref<1x100000xf32, #tpu.memory_space<hbm>>
        %dma_wait3A_340 = tpu.memref_squeeze %dma_wait3A_339 : memref<1x100000xf32, #tpu.memory_space<hbm>> -> memref<100000xf32, #tpu.memory_space<hbm>>
        %dma_wait3A_341 = arith.constant 0 : i32
        %dma_wait3A_342 = tpu.memref_slice %arg2[%add3A_20, %dma_wait3A_341] : memref<1024x100000xf32, #tpu.memory_space<hbm>> -> memref<1x100000xf32, #tpu.memory_space<hbm>>
        %dma_wait3A_343 = tpu.memref_squeeze %dma_wait3A_342 : memref<1x100000xf32, #tpu.memory_space<hbm>> -> memref<100000xf32, #tpu.memory_space<hbm>>
        tpu.wait_dma2 semaphore(%run_scoped3A : memref<!tpu.dma_semaphore, #tpu.memory_space<semaphore_mem>>) src(%dma_wait3A_343 : memref<100000xf32, #tpu.memory_space<hbm>>) dst(%arg5 : memref<100000xf32, #tpu.memory_space<vmem>>)
        tpu.yield
      }) : () -> ()
      %broadcast_in_dim3A_21 = arith.constant -1.000000e+30 : f32
      %broadcast_in_dim3A_22 = vector.broadcast %broadcast_in_dim3A_21 : f32 to vector<16xf32>
      %swap3A = arith.constant 0 : index
      %swap3A_23 = tpu.vector_load %arg6[%swap3A] {strides = array<i32>} : memref<32xf32, #tpu.memory_space<vmem>>, vector<16xf32>,
      tpu.vector_store %arg6[%swap3A], %broadcast_in_dim3A_22 {strides = array<i32>} : memref<32xf32, #tpu.memory_space<vmem>>, vector<16xf32>,
      %broadcast_in_dim3A_24 = arith.constant -1.000000e+30 : f32
      %broadcast_in_dim3A_25 = vector.broadcast %broadcast_in_dim3A_24 : f32 to vector<16xf32>
      %swap3A_26 = arith.constant 16 : index
      %swap3A_27 = tpu.vector_load %arg6[%swap3A_26] {strides = array<i32>} : memref<32xf32, #tpu.memory_space<vmem>>, vector<16xf32>,
      tpu.vector_store %arg6[%swap3A_26], %broadcast_in_dim3A_25 {strides = array<i32>} : memref<32xf32, #tpu.memory_space<vmem>>, vector<16xf32>,
      %broadcast_in_dim3A_28 = arith.constant 0 : i32
      %broadcast_in_dim3A_29 = vector.broadcast %broadcast_in_dim3A_28 : i32 to vector<16xi32>
      %swap3A_30 = arith.constant 0 : index
      %swap3A_31 = tpu.vector_load %arg7[%swap3A_30] {strides = array<i32>} : memref<32xi32, #tpu.memory_space<vmem>>, vector<16xi32>,
      tpu.vector_store %arg7[%swap3A_30], %broadcast_in_dim3A_29 {strides = array<i32>} : memref<32xi32, #tpu.memory_space<vmem>>, vector<16xi32>,
      %broadcast_in_dim3A_32 = arith.constant 0 : i32
      %broadcast_in_dim3A_33 = vector.broadcast %broadcast_in_dim3A_32 : i32 to vector<16xi32>
      %swap3A_34 = arith.constant 16 : index
      %swap3A_35 = tpu.vector_load %arg7[%swap3A_34] {strides = array<i32>} : memref<32xi32, #tpu.memory_space<vmem>>, vector<16xi32>,
      tpu.vector_store %arg7[%swap3A_34], %broadcast_in_dim3A_33 {strides = array<i32>} : memref<32xi32, #tpu.memory_space<vmem>>, vector<16xi32>,
      %broadcast_in_dim3A_36 = arith.constant -1.000000e+30 : f32
      %broadcast_in_dim3A_37 = vector.broadcast %broadcast_in_dim3A_36 : f32 to vector<16xf32>
      %swap3A_38 = arith.constant 0 : index
      %swap3A_39 = tpu.vector_load %arg8[%swap3A_38] {strides = array<i32>} : memref<16xf32, #tpu.memory_space<vmem>>, vector<16xf32>,
      tpu.vector_store %arg8[%swap3A_38], %broadcast_in_dim3A_37 {strides = array<i32>} : memref<16xf32, #tpu.memory_space<vmem>>, vector<16xf32>,
      %scan3A_40 = arith.constant 0 : i32
      %scan3A_41 = arith.constant 0 : i32
      %mul3A_42 = arith.constant 256 : i32
      %mul3A_43 = arith.muli %scan3A_41, %mul3A_42 : i32
      %add3A_44 = arith.constant 0 : i32
      %add3A_45 = arith.addi %mul3A_43, %add3A_44 : i32
      %get3A = arith.index_cast %add3A_45 : i32 to index
      %get3A_46 = tpu.vector_load %arg5[%get3A] {strides = array<i32>} : memref<100000xf32, #tpu.memory_space<vmem>>, vector<16xf32>,
      %add3A_47 = arith.constant 16 : i32
      %add3A_48 = arith.addi %mul3A_43, %add3A_47 : i32
      %get3A_49 = arith.index_cast %add3A_48 : i32 to index
      %get3A_50 = tpu.vector_load %arg5[%get3A_49] {strides = array<i32>} : memref<100000xf32, #tpu.memory_space<vmem>>, vector<16xf32>,
      %add3A_51 = arith.constant 32 : i32
      %add3A_52 = arith.addi %mul3A_43, %add3A_51 : i32
      %get3A_53 = arith.index_cast %add3A_52 : i32 to index
      %get3A_54 = tpu.vector_load %arg5[%get3A_53] {strides = array<i32>} : memref<100000xf32, #tpu.memory_space<vmem>>, vector<16xf32>,
      %add3A_55 = arith.constant 48 : i32
      %add3A_56 = arith.addi %mul3A_43, %add3A_55 : i32
      %get3A_57 = arith.index_cast %add3A_56 : i32 to index
      %get3A_58 = tpu.vector_load %arg5[%get3A_57] {strides = array<i32>} : memref<100000xf32, #tpu.memory_space<vmem>>, vector<16xf32>,
      %add3A_59 = arith.constant 64 : i32
      %add3A_60 = arith.addi %mul3A_43, %add3A_59 : i32
      %get3A_61 = arith.index_cast %add3A_60 : i32 to index
      %get3A_62 = tpu.vector_load %arg5[%get3A_61] {strides = array<i32>} : memref<100000xf32, #tpu.memory_space<vmem>>, vector<16xf32>,
      %add3A_63 = arith.constant 80 : i32
      %add3A_64 = arith.addi %mul3A_43, %add3A_63 : i32
      %get3A_65 = arith.index_cast %add3A_64 : i32 to index
      %get3A_66 = tpu.vector_load %arg5[%get3A_65] {strides = array<i32>} : memref<100000xf32, #tpu.memory_space<vmem>>, vector<16xf32>,
      %add3A_67 = arith.constant 96 : i32
      %add3A_68 = arith.addi %mul3A_43, %add3A_67 : i32
      %get3A_69 = arith.index_cast %add3A_68 : i32 to index
      %get3A_70 = tpu.vector_load %arg5[%get3A_69] {strides = array<i32>} : memref<100000xf32, #tpu.memory_space<vmem>>, vector<16xf32>,
      %add3A_71 = arith.constant 112 : i32
      %add3A_72 = arith.addi %mul3A_43, %add3A_71 : i32
      %get3A_73 = arith.index_cast %add3A_72 : i32 to index
      %get3A_74 = tpu.vector_load %arg5[%get3A_73] {strides = array<i32>} : memref<100000xf32, #tpu.memory_space<vmem>>, vector<16xf32>,
      %add3A_75 = arith.constant 128 : i32
      %add3A_76 = arith.addi %mul3A_43, %add3A_75 : i32
      %get3A_77 = arith.index_cast %add3A_76 : i32 to index
      %get3A_78 = tpu.vector_load %arg5[%get3A_77] {strides = array<i32>} : memref<100000xf32, #tpu.memory_space<vmem>>, vector<16xf32>,
      %add3A_79 = arith.constant 144 : i32
      %add3A_80 = arith.addi %mul3A_43, %add3A_79 : i32
      %get3A_81 = arith.index_cast %add3A_80 : i32 to index
      %get3A_82 = tpu.vector_load %arg5[%get3A_81] {strides = array<i32>} : memref<100000xf32, #tpu.memory_space<vmem>>, vector<16xf32>,
      %add3A_83 = arith.constant 160 : i32
      %add3A_84 = arith.addi %mul3A_43, %add3A_83 : i32
      %get3A_85 = arith.index_cast %add3A_84 : i32 to index
      %get3A_86 = tpu.vector_load %arg5[%get3A_85] {strides = array<i32>} : memref<100000xf32, #tpu.memory_space<vmem>>, vector<16xf32>,
      %add3A_87 = arith.constant 176 : i32
      %add3A_88 = arith.addi %mul3A_43, %add3A_87 : i32
      %get3A_89 = arith.index_cast %add3A_88 : i32 to index
      %get3A_90 = tpu.vector_load %arg5[%get3A_89] {strides = array<i32>} : memref<100000xf32, #tpu.memory_space<vmem>>, vector<16xf32>,
      %add3A_91 = arith.constant 192 : i32
      %add3A_92 = arith.addi %mul3A_43, %add3A_91 : i32
      %get3A_93 = arith.index_cast %add3A_92 : i32 to index
      %get3A_94 = tpu.vector_load %arg5[%get3A_93] {strides = array<i32>} : memref<100000xf32, #tpu.memory_space<vmem>>, vector<16xf32>,
      %add3A_95 = arith.constant 208 : i32
      %add3A_96 = arith.addi %mul3A_43, %add3A_95 : i32
      %get3A_97 = arith.index_cast %add3A_96 : i32 to index
      %get3A_98 = tpu.vector_load %arg5[%get3A_97] {strides = array<i32>} : memref<100000xf32, #tpu.memory_space<vmem>>, vector<16xf32>,
      %add3A_99 = arith.constant 224 : i32
      %add3A_100 = arith.addi %mul3A_43, %add3A_99 : i32
      %get3A_101 = arith.index_cast %add3A_100 : i32 to index
      %get3A_102 = tpu.vector_load %arg5[%get3A_101] {strides = array<i32>} : memref<100000xf32, #tpu.memory_space<vmem>>, vector<16xf32>,
      %add3A_103 = arith.constant 240 : i32
      %add3A_104 = arith.addi %mul3A_43, %add3A_103 : i32
      %get3A_105 = arith.index_cast %add3A_104 : i32 to index
      %get3A_106 = tpu.vector_load %arg5[%get3A_105] {strides = array<i32>} : memref<100000xf32, #tpu.memory_space<vmem>>, vector<16xf32>,
      %max3A = arith.maximumf %get3A_46, %get3A_50 : vector<16xf32>
      %max3A_107 = arith.maximumf %get3A_54, %get3A_58 : vector<16xf32>
      %max3A_108 = arith.maximumf %get3A_62, %get3A_66 : vector<16xf32>
      %max3A_109 = arith.maximumf %get3A_70, %get3A_74 : vector<16xf32>
      %max3A_110 = arith.maximumf %get3A_78, %get3A_82 : vector<16xf32>
      %max3A_111 = arith.maximumf %get3A_86, %get3A_90 : vector<16xf32>
      %max3A_112 = arith.maximumf %get3A_94, %get3A_98 : vector<16xf32>
      %max3A_113 = arith.maximumf %get3A_102, %get3A_106 : vector<16xf32>
      %max3A_114 = arith.maximumf %max3A, %max3A_107 : vector<16xf32>
      %max3A_115 = arith.maximumf %max3A_108, %max3A_109 : vector<16xf32>
      %max3A_116 = arith.maximumf %max3A_110, %max3A_111 : vector<16xf32>
      %max3A_117 = arith.maximumf %max3A_112, %max3A_113 : vector<16xf32>
      %max3A_118 = arith.maximumf %max3A_114, %max3A_115 : vector<16xf32>
      %max3A_119 = arith.maximumf %max3A_116, %max3A_117 : vector<16xf32>
      %max3A_120 = arith.maximumf %max3A_118, %max3A_119 : vector<16xf32>
      %get3A_121 = arith.constant 0 : index
      %get3A_122 = tpu.vector_load %arg8[%get3A_121] {strides = array<i32>} : memref<16xf32, #tpu.memory_space<vmem>>, vector<16xf32>,
      %gt3A = arith.cmpf ogt, %max3A_120, %get3A_122 : vector<16xf32>
      %all_reduce_population_count3A = tpu.all_reduce %gt3A {dim = 0 : i64, kind = #tpu.reduction_kind<sum>} : vector<16xi1> -> vector<16xi32>
      %slice3A = vector.extract_strided_slice %all_reduce_population_count3A {offsets = [0], sizes = [1], strides = [1]} : vector<16xi32> to vector<1xi32>
      %squeeze3A = vector.extract %slice3A[0] : i32 from vector<1xi32>
      %gt3A_123 = arith.constant 0 : i32
      %gt3A_124 = arith.cmpi sgt, %squeeze3A, %gt3A_123 : i32
      %convert_element_type3A = arith.extui %gt3A_124 : i1 to i32
      %cond3A = arith.constant 0 : i32
      %cond3A_125 = arith.cmpi ne, %convert_element_type3A, %cond3A : i32
      scf.if %cond3A_125 {
        %add3A_334 = arith.constant 0 : i32
        %add3A_335 = arith.addi %mul3A_43, %add3A_334 : i32
        %get3A_336 = arith.index_cast %add3A_335 : i32 to index
        %get3A_337 = tpu.vector_load %arg5[%get3A_336] {strides = array<i32>} : memref<100000xf32, #tpu.memory_space<vmem>>, vector<16xf32>,
        %get3A_338 = arith.constant 0 : index
        %get3A_339 = tpu.vector_load %arg8[%get3A_338] {strides = array<i32>} : memref<16xf32, #tpu.memory_space<vmem>>, vector<16xf32>,
        %gt3A_340 = arith.cmpf ogt, %get3A_337, %get3A_339 : vector<16xf32>
        %all_reduce_population_count3A_341 = tpu.all_reduce %gt3A_340 {dim = 0 : i64, kind = #tpu.reduction_kind<sum>} : vector<16xi1> -> vector<16xi32>
        %slice3A_342 = vector.extract_strided_slice %all_reduce_population_count3A_341 {offsets = [0], sizes = [1], strides = [1]} : vector<16xi32> to vector<1xi32>
        %squeeze3A_343 = vector.extract %slice3A_342[0] : i32 from vector<1xi32>
        %gt3A_344 = arith.constant 0 : i32
        %gt3A_345 = arith.cmpi sgt, %squeeze3A_343, %gt3A_344 : i32
        %convert_element_type3A_346 = arith.extui %gt3A_345 : i1 to i32
        %cond3A_347 = arith.constant 0 : i32
        %cond3A_348 = arith.cmpi ne, %convert_element_type3A_346, %cond3A_347 : i32
        scf.if %cond3A_348 {
          %add3A_574 = vector.broadcast %add3A_335 : i32 to vector<16xi32>
          %add3A_575 = arith.addi %iota3A, %add3A_574 : vector<16xi32>
          %masked_sort3A = arith.constant dense<true> : vector<16xi1>
          %masked_sort3A_576, %masked_sort3A_577, %masked_sort3A_578 = tpu.sort %get3A_337, %add3A_575 masked %masked_sort3A : (vector<16xf32>, vector<16xi32>, vector<16xi1>) -> (vector<16xi1>, vector<16xf32>, vector<16xi32>)
          %rev3A = arith.constant 15 : i32
          %rev3A_579 = vector.broadcast %rev3A : i32 to vector<16xi32>
          %rev3A_580 = tpu.iota {dimensions = array<i32: 0>} : vector<16xi32>
          %rev3A_581 = arith.subi %rev3A_579, %rev3A_580 : vector<16xi32>
          %rev3A_582 = tpu.dynamic_gather %masked_sort3A_577[%rev3A_581] in [0] : vector<16xf32>, vector<16xi32> -> vector<16xf32>
          %rev3A_583 = arith.constant 15 : i32
          %rev3A_584 = vector.broadcast %rev3A_583 : i32 to vector<16xi32>
          %rev3A_585 = tpu.iota {dimensions = array<i32: 0>} : vector<16xi32>
          %rev3A_586 = arith.subi %rev3A_584, %rev3A_585 : vector<16xi32>
          %rev3A_587 = tpu.dynamic_gather %masked_sort3A_578[%rev3A_586] in [0] : vector<16xi32>, vector<16xi32> -> vector<16xi32>
          %get3A_588 = arith.constant 0 : index
          %get3A_589 = tpu.vector_load %arg6[%get3A_588] {strides = array<i32>} : memref<32xf32, #tpu.memory_space<vmem>>, vector<16xf32>,
          %get3A_590 = arith.constant 0 : index
          %get3A_591 = tpu.vector_load %arg7[%get3A_590] {strides = array<i32>} : memref<32xi32, #tpu.memory_space<vmem>>, vector<16xi32>,
          %get3A_592 = arith.constant 16 : index
          %get3A_593 = tpu.vector_load %arg6[%get3A_592] {strides = array<i32>} : memref<32xf32, #tpu.memory_space<vmem>>, vector<16xf32>,
          %get3A_594 = arith.constant 16 : index
          %get3A_595 = tpu.vector_load %arg7[%get3A_594] {strides = array<i32>} : memref<32xi32, #tpu.memory_space<vmem>>, vector<16xi32>,
          %gt3A_596 = arith.cmpf ogt, %rev3A_582, %get3A_589 : vector<16xf32>
          %select_n3A = arith.select %gt3A_596, %rev3A_582, %get3A_589 : vector<16xi1>, vector<16xf32>
          %select_n3A_597 = arith.select %gt3A_596, %rev3A_587, %get3A_591 : vector<16xi1>, vector<16xi32>
          %gt3A_598 = arith.cmpf ogt, %select_n3A, %get3A_593 : vector<16xf32>
          %select_n3A_599 = arith.select %gt3A_598, %get3A_593, %select_n3A : vector<16xi1>, vector<16xf32>
          %select_n3A_600 = arith.select %gt3A_598, %get3A_595, %select_n3A_597 : vector<16xi1>, vector<16xi32>
          %select_n3A_601 = arith.select %gt3A_598, %select_n3A, %get3A_593 : vector<16xi1>, vector<16xf32>
          %select_n3A_602 = arith.select %gt3A_598, %select_n3A_597, %get3A_595 : vector<16xi1>, vector<16xi32>
          %masked_sort3A_603 = arith.constant dense<true> : vector<16xi1>
          %masked_sort3A_604, %masked_sort3A_605, %masked_sort3A_606 = tpu.sort %select_n3A_599, %select_n3A_600 masked %masked_sort3A_603 : (vector<16xf32>, vector<16xi32>, vector<16xi1>) -> (vector<16xi1>, vector<16xf32>, vector<16xi32>)
          %masked_sort3A_607 = arith.constant dense<true> : vector<16xi1>
          %masked_sort3A_608, %masked_sort3A_609, %masked_sort3A_610 = tpu.sort %select_n3A_601, %select_n3A_602 masked %masked_sort3A_607 : (vector<16xf32>, vector<16xi32>, vector<16xi1>) -> (vector<16xi1>, vector<16xf32>, vector<16xi32>)
          %swap3A_611 = arith.constant 0 : index
          %swap3A_612 = tpu.vector_load %arg6[%swap3A_611] {strides = array<i32>} : memref<32xf32, #tpu.memory_space<vmem>>, vector<16xf32>,
          tpu.vector_store %arg6[%swap3A_611], %masked_sort3A_605 {strides = array<i32>} : memref<32xf32, #tpu.memory_space<vmem>>, vector<16xf32>,
          %swap3A_613 = arith.constant 0 : index
          %swap3A_614 = tpu.vector_load %arg7[%swap3A_613] {strides = array<i32>} : memref<32xi32, #tpu.memory_space<vmem>>, vector<16xi32>,
          tpu.vector_store %arg7[%swap3A_613], %masked_sort3A_606 {strides = array<i32>} : memref<32xi32, #tpu.memory_space<vmem>>, vector<16xi32>,
          %swap3A_615 = arith.constant 16 : index
          %swap3A_616 = tpu.vector_load %arg6[%swap3A_615] {strides = array<i32>} : memref<32xf32, #tpu.memory_space<vmem>>, vector<16xf32>,
          tpu.vector_store %arg6[%swap3A_615], %masked_sort3A_609 {strides = array<i32>} : memref<32xf32, #tpu.memory_space<vmem>>, vector<16xf32>,
          %swap3A_617 = arith.constant 16 : index
          %swap3A_618 = tpu.vector_load %arg7[%swap3A_617] {strides = array<i32>} : memref<32xi32, #tpu.memory_space<vmem>>, vector<16xi32>,
          tpu.vector_store %arg7[%swap3A_617], %masked_sort3A_610 {strides = array<i32>} : memref<32xi32, #tpu.memory_space<vmem>>, vector<16xi32>,
          %reshape3A_619 = vector.shape_cast %broadcast_in_dim3A_3 : vector<16xi32> to vector<16x1xi32>
          %gather3A_620 = vector.shape_cast %reshape3A_619 : vector<16x1xi32> to vector<16xi32>
          %gather3A_621 = tpu.dynamic_gather %masked_sort3A_605[%gather3A_620] in [0] : vector<16xf32>, vector<16xi32> -> vector<16xf32>
          %swap3A_622 = arith.constant 0 : index
          %swap3A_623 = tpu.vector_load %arg8[%swap3A_622] {strides = array<i32>} : memref<16xf32, #tpu.memory_space<vmem>>, vector<16xf32>,
          tpu.vector_store %arg8[%swap3A_622], %gather3A_621 {strides = array<i32>} : memref<16xf32, #tpu.memory_space<vmem>>, vector<16xf32>,
        } else {
        }
        %add3A_349 = arith.constant 16 : i32
        %add3A_350 = arith.addi %mul3A_43, %add3A_349 : i32
        %get3A_351 = arith.index_cast %add3A_350 : i32 to index
        %get3A_352 = tpu.vector_load %arg5[%get3A_351] {strides = array<i32>} : memref<100000xf32, #tpu.memory_space<vmem>>, vector<16xf32>,
        %get3A_353 = arith.constant 0 : index
        %get3A_354 = tpu.vector_load %arg8[%get3A_353] {strides = array<i32>} : memref<16xf32, #tpu.memory_space<vmem>>, vector<16xf32>,
        %gt3A_355 = arith.cmpf ogt, %get3A_352, %get3A_354 : vector<16xf32>
        %all_reduce_population_count3A_356 = tpu.all_reduce %gt3A_355 {dim = 0 : i64, kind = #tpu.reduction_kind<sum>} : vector<16xi1> -> vector<16xi32>
        %slice3A_357 = vector.extract_strided_slice %all_reduce_population_count3A_356 {offsets = [0], sizes = [1], strides = [1]} : vector<16xi32> to vector<1xi32>
        %squeeze3A_358 = vector.extract %slice3A_357[0] : i32 from vector<1xi32>
        %gt3A_359 = arith.constant 0 : i32
        %gt3A_360 = arith.cmpi sgt, %squeeze3A_358, %gt3A_359 : i32
        %convert_element_type3A_361 = arith.extui %gt3A_360 : i1 to i32
        %cond3A_362 = arith.constant 0 : i32
        %cond3A_363 = arith.cmpi ne, %convert_element_type3A_361, %cond3A_362 : i32
        scf.if %cond3A_363 {
          %add3A_574 = vector.broadcast %add3A_350 : i32 to vector<16xi32>
          %add3A_575 = arith.addi %iota3A, %add3A_574 : vector<16xi32>
          %masked_sort3A = arith.constant dense<true> : vector<16xi1>
          %masked_sort3A_576, %masked_sort3A_577, %masked_sort3A_578 = tpu.sort %get3A_352, %add3A_575 masked %masked_sort3A : (vector<16xf32>, vector<16xi32>, vector<16xi1>) -> (vector<16xi1>, vector<16xf32>, vector<16xi32>)
          %rev3A = arith.constant 15 : i32
          %rev3A_579 = vector.broadcast %rev3A : i32 to vector<16xi32>
          %rev3A_580 = tpu.iota {dimensions = array<i32: 0>} : vector<16xi32>
          %rev3A_581 = arith.subi %rev3A_579, %rev3A_580 : vector<16xi32>
          %rev3A_582 = tpu.dynamic_gather %masked_sort3A_577[%rev3A_581] in [0] : vector<16xf32>, vector<16xi32> -> vector<16xf32>
          %rev3A_583 = arith.constant 15 : i32
          %rev3A_584 = vector.broadcast %rev3A_583 : i32 to vector<16xi32>
          %rev3A_585 = tpu.iota {dimensions = array<i32: 0>} : vector<16xi32>
          %rev3A_586 = arith.subi %rev3A_584, %rev3A_585 : vector<16xi32>
          %rev3A_587 = tpu.dynamic_gather %masked_sort3A_578[%rev3A_586] in [0] : vector<16xi32>, vector<16xi32> -> vector<16xi32>
          %get3A_588 = arith.constant 0 : index
          %get3A_589 = tpu.vector_load %arg6[%get3A_588] {strides = array<i32>} : memref<32xf32, #tpu.memory_space<vmem>>, vector<16xf32>,
          %get3A_590 = arith.constant 0 : index
          %get3A_591 = tpu.vector_load %arg7[%get3A_590] {strides = array<i32>} : memref<32xi32, #tpu.memory_space<vmem>>, vector<16xi32>,
          %get3A_592 = arith.constant 16 : index
          %get3A_593 = tpu.vector_load %arg6[%get3A_592] {strides = array<i32>} : memref<32xf32, #tpu.memory_space<vmem>>, vector<16xf32>,
          %get3A_594 = arith.constant 16 : index
          %get3A_595 = tpu.vector_load %arg7[%get3A_594] {strides = array<i32>} : memref<32xi32, #tpu.memory_space<vmem>>, vector<16xi32>,
          %gt3A_596 = arith.cmpf ogt, %rev3A_582, %get3A_589 : vector<16xf32>
          %select_n3A = arith.select %gt3A_596, %rev3A_582, %get3A_589 : vector<16xi1>, vector<16xf32>
          %select_n3A_597 = arith.select %gt3A_596, %rev3A_587, %get3A_591 : vector<16xi1>, vector<16xi32>
          %gt3A_598 = arith.cmpf ogt, %select_n3A, %get3A_593 : vector<16xf32>
          %select_n3A_599 = arith.select %gt3A_598, %get3A_593, %select_n3A : vector<16xi1>, vector<16xf32>
          %select_n3A_600 = arith.select %gt3A_598, %get3A_595, %select_n3A_597 : vector<16xi1>, vector<16xi32>
          %select_n3A_601 = arith.select %gt3A_598, %select_n3A, %get3A_593 : vector<16xi1>, vector<16xf32>
          %select_n3A_602 = arith.select %gt3A_598, %select_n3A_597, %get3A_595 : vector<16xi1>, vector<16xi32>
          %masked_sort3A_603 = arith.constant dense<true> : vector<16xi1>
          %masked_sort3A_604, %masked_sort3A_605, %masked_sort3A_606 = tpu.sort %select_n3A_599, %select_n3A_600 masked %masked_sort3A_603 : (vector<16xf32>, vector<16xi32>, vector<16xi1>) -> (vector<16xi1>, vector<16xf32>, vector<16xi32>)
          %masked_sort3A_607 = arith.constant dense<true> : vector<16xi1>
          %masked_sort3A_608, %masked_sort3A_609, %masked_sort3A_610 = tpu.sort %select_n3A_601, %select_n3A_602 masked %masked_sort3A_607 : (vector<16xf32>, vector<16xi32>, vector<16xi1>) -> (vector<16xi1>, vector<16xf32>, vector<16xi32>)
          %swap3A_611 = arith.constant 0 : index
          %swap3A_612 = tpu.vector_load %arg6[%swap3A_611] {strides = array<i32>} : memref<32xf32, #tpu.memory_space<vmem>>, vector<16xf32>,
          tpu.vector_store %arg6[%swap3A_611], %masked_sort3A_605 {strides = array<i32>} : memref<32xf32, #tpu.memory_space<vmem>>, vector<16xf32>,
          %swap3A_613 = arith.constant 0 : index
          %swap3A_614 = tpu.vector_load %arg7[%swap3A_613] {strides = array<i32>} : memref<32xi32, #tpu.memory_space<vmem>>, vector<16xi32>,
          tpu.vector_store %arg7[%swap3A_613], %masked_sort3A_606 {strides = array<i32>} : memref<32xi32, #tpu.memory_space<vmem>>, vector<16xi32>,
          %swap3A_615 = arith.constant 16 : index
          %swap3A_616 = tpu.vector_load %arg6[%swap3A_615] {strides = array<i32>} : memref<32xf32, #tpu.memory_space<vmem>>, vector<16xf32>,
          tpu.vector_store %arg6[%swap3A_615], %masked_sort3A_609 {strides = array<i32>} : memref<32xf32, #tpu.memory_space<vmem>>, vector<16xf32>,
          %swap3A_617 = arith.constant 16 : index
          %swap3A_618 = tpu.vector_load %arg7[%swap3A_617] {strides = array<i32>} : memref<32xi32, #tpu.memory_space<vmem>>, vector<16xi32>,
          tpu.vector_store %arg7[%swap3A_617], %masked_sort3A_610 {strides = array<i32>} : memref<32xi32, #tpu.memory_space<vmem>>, vector<16xi32>,
          %reshape3A_619 = vector.shape_cast %broadcast_in_dim3A_3 : vector<16xi32> to vector<16x1xi32>
          %gather3A_620 = vector.shape_cast %reshape3A_619 : vector<16x1xi32> to vector<16xi32>
          %gather3A_621 = tpu.dynamic_gather %masked_sort3A_605[%gather3A_620] in [0] : vector<16xf32>, vector<16xi32> -> vector<16xf32>
          %swap3A_622 = arith.constant 0 : index
          %swap3A_623 = tpu.vector_load %arg8[%swap3A_622] {strides = array<i32>} : memref<16xf32, #tpu.memory_space<vmem>>, vector<16xf32>,
          tpu.vector_store %arg8[%swap3A_622], %gather3A_621 {strides = array<i32>} : memref<16xf32, #tpu.memory_space<vmem>>, vector<16xf32>,
        } else {
        }
        %add3A_364 = arith.constant 32 : i32
        %add3A_365 = arith.addi %mul3A_43, %add3A_364 : i32
        %get3A_366 = arith.index_cast %add3A_365 : i32 to index
        %get3A_367 = tpu.vector_load %arg5[%get3A_366] {strides = array<i32>} : memref<100000xf32, #tpu.memory_space<vmem>>, vector<16xf32>,
        %get3A_368 = arith.constant 0 : index
        %get3A_369 = tpu.vector_load %arg8[%get3A_368] {strides = array<i32>} : memref<16xf32, #tpu.memory_space<vmem>>, vector<16xf32>,
        %gt3A_370 = arith.cmpf ogt, %get3A_367, %get3A_369 : vector<16xf32>
        %all_reduce_population_count3A_371 = tpu.all_reduce %gt3A_370 {dim = 0 : i64, kind = #tpu.reduction_kind<sum>} : vector<16xi1> -> vector<16xi32>
        %slice3A_372 = vector.extract_strided_slice %all_reduce_population_count3A_371 {offsets = [0], sizes = [1], strides = [1]} : vector<16xi32> to vector<1xi32>
        %squeeze3A_373 = vector.extract %slice3A_372[0] : i32 from vector<1xi32>
        %gt3A_374 = arith.constant 0 : i32
        %gt3A_375 = arith.cmpi sgt, %squeeze3A_373, %gt3A_374 : i32
        %convert_element_type3A_376 = arith.extui %gt3A_375 : i1 to i32
        %cond3A_377 = arith.constant 0 : i32
        %cond3A_378 = arith.cmpi ne, %convert_element_type3A_376, %cond3A_377 : i32
        scf.if %cond3A_378 {
          %add3A_574 = vector.broadcast %add3A_365 : i32 to vector<16xi32>
          %add3A_575 = arith.addi %iota3A, %add3A_574 : vector<16xi32>
          %masked_sort3A = arith.constant dense<true> : vector<16xi1>
          %masked_sort3A_576, %masked_sort3A_577, %masked_sort3A_578 = tpu.sort %get3A_367, %add3A_575 masked %masked_sort3A : (vector<16xf32>, vector<16xi32>, vector<16xi1>) -> (vector<16xi1>, vector<16xf32>, vector<16xi32>)
          %rev3A = arith.constant 15 : i32
          %rev3A_579 = vector.broadcast %rev3A : i32 to vector<16xi32>
          %rev3A_580 = tpu.iota {dimensions = array<i32: 0>} : vector<16xi32>
          %rev3A_581 = arith.subi %rev3A_579, %rev3A_580 : vector<16xi32>
          %rev3A_582 = tpu.dynamic_gather %masked_sort3A_577[%rev3A_581] in [0] : vector<16xf32>, vector<16xi32> -> vector<16xf32>
          %rev3A_583 = arith.constant 15 : i32
          %rev3A_584 = vector.broadcast %rev3A_583 : i32 to vector<16xi32>
          %rev3A_585 = tpu.iota {dimensions = array<i32: 0>} : vector<16xi32>
          %rev3A_586 = arith.subi %rev3A_584, %rev3A_585 : vector<16xi32>
          %rev3A_587 = tpu.dynamic_gather %masked_sort3A_578[%rev3A_586] in [0] : vector<16xi32>, vector<16xi32> -> vector<16xi32>
          %get3A_588 = arith.constant 0 : index
          %get3A_589 = tpu.vector_load %arg6[%get3A_588] {strides = array<i32>} : memref<32xf32, #tpu.memory_space<vmem>>, vector<16xf32>,
          %get3A_590 = arith.constant 0 : index
          %get3A_591 = tpu.vector_load %arg7[%get3A_590] {strides = array<i32>} : memref<32xi32, #tpu.memory_space<vmem>>, vector<16xi32>,
          %get3A_592 = arith.constant 16 : index
          %get3A_593 = tpu.vector_load %arg6[%get3A_592] {strides = array<i32>} : memref<32xf32, #tpu.memory_space<vmem>>, vector<16xf32>,
          %get3A_594 = arith.constant 16 : index
          %get3A_595 = tpu.vector_load %arg7[%get3A_594] {strides = array<i32>} : memref<32xi32, #tpu.memory_space<vmem>>, vector<16xi32>,
          %gt3A_596 = arith.cmpf ogt, %rev3A_582, %get3A_589 : vector<16xf32>
          %select_n3A = arith.select %gt3A_596, %rev3A_582, %get3A_589 : vector<16xi1>, vector<16xf32>
          %select_n3A_597 = arith.select %gt3A_596, %rev3A_587, %get3A_591 : vector<16xi1>, vector<16xi32>
          %gt3A_598 = arith.cmpf ogt, %select_n3A, %get3A_593 : vector<16xf32>
          %select_n3A_599 = arith.select %gt3A_598, %get3A_593, %select_n3A : vector<16xi1>, vector<16xf32>
          %select_n3A_600 = arith.select %gt3A_598, %get3A_595, %select_n3A_597 : vector<16xi1>, vector<16xi32>
          %select_n3A_601 = arith.select %gt3A_598, %select_n3A, %get3A_593 : vector<16xi1>, vector<16xf32>
          %select_n3A_602 = arith.select %gt3A_598, %select_n3A_597, %get3A_595 : vector<16xi1>, vector<16xi32>
          %masked_sort3A_603 = arith.constant dense<true> : vector<16xi1>
          %masked_sort3A_604, %masked_sort3A_605, %masked_sort3A_606 = tpu.sort %select_n3A_599, %select_n3A_600 masked %masked_sort3A_603 : (vector<16xf32>, vector<16xi32>, vector<16xi1>) -> (vector<16xi1>, vector<16xf32>, vector<16xi32>)
          %masked_sort3A_607 = arith.constant dense<true> : vector<16xi1>
          %masked_sort3A_608, %masked_sort3A_609, %masked_sort3A_610 = tpu.sort %select_n3A_601, %select_n3A_602 masked %masked_sort3A_607 : (vector<16xf32>, vector<16xi32>, vector<16xi1>) -> (vector<16xi1>, vector<16xf32>, vector<16xi32>)
          %swap3A_611 = arith.constant 0 : index
          %swap3A_612 = tpu.vector_load %arg6[%swap3A_611] {strides = array<i32>} : memref<32xf32, #tpu.memory_space<vmem>>, vector<16xf32>,
          tpu.vector_store %arg6[%swap3A_611], %masked_sort3A_605 {strides = array<i32>} : memref<32xf32, #tpu.memory_space<vmem>>, vector<16xf32>,
          %swap3A_613 = arith.constant 0 : index
          %swap3A_614 = tpu.vector_load %arg7[%swap3A_613] {strides = array<i32>} : memref<32xi32, #tpu.memory_space<vmem>>, vector<16xi32>,
          tpu.vector_store %arg7[%swap3A_613], %masked_sort3A_606 {strides = array<i32>} : memref<32xi32, #tpu.memory_space<vmem>>, vector<16xi32>,
          %swap3A_615 = arith.constant 16 : index
          %swap3A_616 = tpu.vector_load %arg6[%swap3A_615] {strides = array<i32>} : memref<32xf32, #tpu.memory_space<vmem>>, vector<16xf32>,
          tpu.vector_store %arg6[%swap3A_615], %masked_sort3A_609 {strides = array<i32>} : memref<32xf32, #tpu.memory_space<vmem>>, vector<16xf32>,
          %swap3A_617 = arith.constant 16 : index
          %swap3A_618 = tpu.vector_load %arg7[%swap3A_617] {strides = array<i32>} : memref<32xi32, #tpu.memory_space<vmem>>, vector<16xi32>,
          tpu.vector_store %arg7[%swap3A_617], %masked_sort3A_610 {strides = array<i32>} : memref<32xi32, #tpu.memory_space<vmem>>, vector<16xi32>,
          %reshape3A_619 = vector.shape_cast %broadcast_in_dim3A_3 : vector<16xi32> to vector<16x1xi32>
          %gather3A_620 = vector.shape_cast %reshape3A_619 : vector<16x1xi32> to vector<16xi32>
          %gather3A_621 = tpu.dynamic_gather %masked_sort3A_605[%gather3A_620] in [0] : vector<16xf32>, vector<16xi32> -> vector<16xf32>
          %swap3A_622 = arith.constant 0 : index
          %swap3A_623 = tpu.vector_load %arg8[%swap3A_622] {strides = array<i32>} : memref<16xf32, #tpu.memory_space<vmem>>, vector<16xf32>,
          tpu.vector_store %arg8[%swap3A_622], %gather3A_621 {strides = array<i32>} : memref<16xf32, #tpu.memory_space<vmem>>, vector<16xf32>,
        } else {
        }
        %add3A_379 = arith.constant 48 : i32
        %add3A_380 = arith.addi %mul3A_43, %add3A_379 : i32
        %get3A_381 = arith.index_cast %add3A_380 : i32 to index
        %get3A_382 = tpu.vector_load %arg5[%get3A_381] {strides = array<i32>} : memref<100000xf32, #tpu.memory_space<vmem>>, vector<16xf32>,
        %get3A_383 = arith.constant 0 : index
        %get3A_384 = tpu.vector_load %arg8[%get3A_383] {strides = array<i32>} : memref<16xf32, #tpu.memory_space<vmem>>, vector<16xf32>,
        %gt3A_385 = arith.cmpf ogt, %get3A_382, %get3A_384 : vector<16xf32>
        %all_reduce_population_count3A_386 = tpu.all_reduce %gt3A_385 {dim = 0 : i64, kind = #tpu.reduction_kind<sum>} : vector<16xi1> -> vector<16xi32>
        %slice3A_387 = vector.extract_strided_slice %all_reduce_population_count3A_386 {offsets = [0], sizes = [1], strides = [1]} : vector<16xi32> to vector<1xi32>
        %squeeze3A_388 = vector.extract %slice3A_387[0] : i32 from vector<1xi32>
        %gt3A_389 = arith.constant 0 : i32
        %gt3A_390 = arith.cmpi sgt, %squeeze3A_388, %gt3A_389 : i32
        %convert_element_type3A_391 = arith.extui %gt3A_390 : i1 to i32
        %cond3A_392 = arith.constant 0 : i32
        %cond3A_393 = arith.cmpi ne, %convert_element_type3A_391, %cond3A_392 : i32
        scf.if %cond3A_393 {
          %add3A_574 = vector.broadcast %add3A_380 : i32 to vector<16xi32>
          %add3A_575 = arith.addi %iota3A, %add3A_574 : vector<16xi32>
          %masked_sort3A = arith.constant dense<true> : vector<16xi1>
          %masked_sort3A_576, %masked_sort3A_577, %masked_sort3A_578 = tpu.sort %get3A_382, %add3A_575 masked %masked_sort3A : (vector<16xf32>, vector<16xi32>, vector<16xi1>) -> (vector<16xi1>, vector<16xf32>, vector<16xi32>)
          %rev3A = arith.constant 15 : i32
          %rev3A_579 = vector.broadcast %rev3A : i32 to vector<16xi32>
          %rev3A_580 = tpu.iota {dimensions = array<i32: 0>} : vector<16xi32>
          %rev3A_581 = arith.subi %rev3A_579, %rev3A_580 : vector<16xi32>
          %rev3A_582 = tpu.dynamic_gather %masked_sort3A_577[%rev3A_581] in [0] : vector<16xf32>, vector<16xi32> -> vector<16xf32>
          %rev3A_583 = arith.constant 15 : i32
          %rev3A_584 = vector.broadcast %rev3A_583 : i32 to vector<16xi32>
          %rev3A_585 = tpu.iota {dimensions = array<i32: 0>} : vector<16xi32>
          %rev3A_586 = arith.subi %rev3A_584, %rev3A_585 : vector<16xi32>
          %rev3A_587 = tpu.dynamic_gather %masked_sort3A_578[%rev3A_586] in [0] : vector<16xi32>, vector<16xi32> -> vector<16xi32>
          %get3A_588 = arith.constant 0 : index
          %get3A_589 = tpu.vector_load %arg6[%get3A_588] {strides = array<i32>} : memref<32xf32, #tpu.memory_space<vmem>>, vector<16xf32>,
          %get3A_590 = arith.constant 0 : index
          %get3A_591 = tpu.vector_load %arg7[%get3A_590] {strides = array<i32>} : memref<32xi32, #tpu.memory_space<vmem>>, vector<16xi32>,
          %get3A_592 = arith.constant 16 : index
          %get3A_593 = tpu.vector_load %arg6[%get3A_592] {strides = array<i32>} : memref<32xf32, #tpu.memory_space<vmem>>, vector<16xf32>,
          %get3A_594 = arith.constant 16 : index
          %get3A_595 = tpu.vector_load %arg7[%get3A_594] {strides = array<i32>} : memref<32xi32, #tpu.memory_space<vmem>>, vector<16xi32>,
          %gt3A_596 = arith.cmpf ogt, %rev3A_582, %get3A_589 : vector<16xf32>
          %select_n3A = arith.select %gt3A_596, %rev3A_582, %get3A_589 : vector<16xi1>, vector<16xf32>
          %select_n3A_597 = arith.select %gt3A_596, %rev3A_587, %get3A_591 : vector<16xi1>, vector<16xi32>
          %gt3A_598 = arith.cmpf ogt, %select_n3A, %get3A_593 : vector<16xf32>
          %select_n3A_599 = arith.select %gt3A_598, %get3A_593, %select_n3A : vector<16xi1>, vector<16xf32>
          %select_n3A_600 = arith.select %gt3A_598, %get3A_595, %select_n3A_597 : vector<16xi1>, vector<16xi32>
          %select_n3A_601 = arith.select %gt3A_598, %select_n3A, %get3A_593 : vector<16xi1>, vector<16xf32>
          %select_n3A_602 = arith.select %gt3A_598, %select_n3A_597, %get3A_595 : vector<16xi1>, vector<16xi32>
          %masked_sort3A_603 = arith.constant dense<true> : vector<16xi1>
          %masked_sort3A_604, %masked_sort3A_605, %masked_sort3A_606 = tpu.sort %select_n3A_599, %select_n3A_600 masked %masked_sort3A_603 : (vector<16xf32>, vector<16xi32>, vector<16xi1>) -> (vector<16xi1>, vector<16xf32>, vector<16xi32>)
          %masked_sort3A_607 = arith.constant dense<true> : vector<16xi1>
          %masked_sort3A_608, %masked_sort3A_609, %masked_sort3A_610 = tpu.sort %select_n3A_601, %select_n3A_602 masked %masked_sort3A_607 : (vector<16xf32>, vector<16xi32>, vector<16xi1>) -> (vector<16xi1>, vector<16xf32>, vector<16xi32>)
          %swap3A_611 = arith.constant 0 : index
          %swap3A_612 = tpu.vector_load %arg6[%swap3A_611] {strides = array<i32>} : memref<32xf32, #tpu.memory_space<vmem>>, vector<16xf32>,
          tpu.vector_store %arg6[%swap3A_611], %masked_sort3A_605 {strides = array<i32>} : memref<32xf32, #tpu.memory_space<vmem>>, vector<16xf32>,
          %swap3A_613 = arith.constant 0 : index
          %swap3A_614 = tpu.vector_load %arg7[%swap3A_613] {strides = array<i32>} : memref<32xi32, #tpu.memory_space<vmem>>, vector<16xi32>,
          tpu.vector_store %arg7[%swap3A_613], %masked_sort3A_606 {strides = array<i32>} : memref<32xi32, #tpu.memory_space<vmem>>, vector<16xi32>,
          %swap3A_615 = arith.constant 16 : index
          %swap3A_616 = tpu.vector_load %arg6[%swap3A_615] {strides = array<i32>} : memref<32xf32, #tpu.memory_space<vmem>>, vector<16xf32>,
          tpu.vector_store %arg6[%swap3A_615], %masked_sort3A_609 {strides = array<i32>} : memref<32xf32, #tpu.memory_space<vmem>>, vector<16xf32>,
          %swap3A_617 = arith.constant 16 : index
          %swap3A_618 = tpu.vector_load %arg7[%swap3A_617] {strides = array<i32>} : memref<32xi32, #tpu.memory_space<vmem>>, vector<16xi32>,
          tpu.vector_store %arg7[%swap3A_617], %masked_sort3A_610 {strides = array<i32>} : memref<32xi32, #tpu.memory_space<vmem>>, vector<16xi32>,
          %reshape3A_619 = vector.shape_cast %broadcast_in_dim3A_3 : vector<16xi32> to vector<16x1xi32>
          %gather3A_620 = vector.shape_cast %reshape3A_619 : vector<16x1xi32> to vector<16xi32>
          %gather3A_621 = tpu.dynamic_gather %masked_sort3A_605[%gather3A_620] in [0] : vector<16xf32>, vector<16xi32> -> vector<16xf32>
          %swap3A_622 = arith.constant 0 : index
          %swap3A_623 = tpu.vector_load %arg8[%swap3A_622] {strides = array<i32>} : memref<16xf32, #tpu.memory_space<vmem>>, vector<16xf32>,
          tpu.vector_store %arg8[%swap3A_622], %gather3A_621 {strides = array<i32>} : memref<16xf32, #tpu.memory_space<vmem>>, vector<16xf32>,
        } else {
        }
        %add3A_394 = arith.constant 64 : i32
        %add3A_395 = arith.addi %mul3A_43, %add3A_394 : i32
        %get3A_396 = arith.index_cast %add3A_395 : i32 to index
        %get3A_397 = tpu.vector_load %arg5[%get3A_396] {strides = array<i32>} : memref<100000xf32, #tpu.memory_space<vmem>>, vector<16xf32>,
        %get3A_398 = arith.constant 0 : index
        %get3A_399 = tpu.vector_load %arg8[%get3A_398] {strides = array<i32>} : memref<16xf32, #tpu.memory_space<vmem>>, vector<16xf32>,
        %gt3A_400 = arith.cmpf ogt, %get3A_397, %get3A_399 : vector<16xf32>
        %all_reduce_population_count3A_401 = tpu.all_reduce %gt3A_400 {dim = 0 : i64, kind = #tpu.reduction_kind<sum>} : vector<16xi1> -> vector<16xi32>
        %slice3A_402 = vector.extract_strided_slice %all_reduce_population_count3A_401 {offsets = [0], sizes = [1], strides = [1]} : vector<16xi32> to vector<1xi32>
        %squeeze3A_403 = vector.extract %slice3A_402[0] : i32 from vector<1xi32>
        %gt3A_404 = arith.constant 0 : i32
        %gt3A_405 = arith.cmpi sgt, %squeeze3A_403, %gt3A_404 : i32
        %convert_element_type3A_406 = arith.extui %gt3A_405 : i1 to i32
        %cond3A_407 = arith.constant 0 : i32
        %cond3A_408 = arith.cmpi ne, %convert_element_type3A_406, %cond3A_407 : i32
        scf.if %cond3A_408 {
          %add3A_574 = vector.broadcast %add3A_395 : i32 to vector<16xi32>
          %add3A_575 = arith.addi %iota3A, %add3A_574 : vector<16xi32>
          %masked_sort3A = arith.constant dense<true> : vector<16xi1>
          %masked_sort3A_576, %masked_sort3A_577, %masked_sort3A_578 = tpu.sort %get3A_397, %add3A_575 masked %masked_sort3A : (vector<16xf32>, vector<16xi32>, vector<16xi1>) -> (vector<16xi1>, vector<16xf32>, vector<16xi32>)
          %rev3A = arith.constant 15 : i32
          %rev3A_579 = vector.broadcast %rev3A : i32 to vector<16xi32>
          %rev3A_580 = tpu.iota {dimensions = array<i32: 0>} : vector<16xi32>
          %rev3A_581 = arith.subi %rev3A_579, %rev3A_580 : vector<16xi32>
          %rev3A_582 = tpu.dynamic_gather %masked_sort3A_577[%rev3A_581] in [0] : vector<16xf32>, vector<16xi32> -> vector<16xf32>
          %rev3A_583 = arith.constant 15 : i32
          %rev3A_584 = vector.broadcast %rev3A_583 : i32 to vector<16xi32>
          %rev3A_585 = tpu.iota {dimensions = array<i32: 0>} : vector<16xi32>
          %rev3A_586 = arith.subi %rev3A_584, %rev3A_585 : vector<16xi32>
          %rev3A_587 = tpu.dynamic_gather %masked_sort3A_578[%rev3A_586] in [0] : vector<16xi32>, vector<16xi32> -> vector<16xi32>
          %get3A_588 = arith.constant 0 : index
          %get3A_589 = tpu.vector_load %arg6[%get3A_588] {strides = array<i32>} : memref<32xf32, #tpu.memory_space<vmem>>, vector<16xf32>,
          %get3A_590 = arith.constant 0 : index
          %get3A_591 = tpu.vector_load %arg7[%get3A_590] {strides = array<i32>} : memref<32xi32, #tpu.memory_space<vmem>>, vector<16xi32>,
          %get3A_592 = arith.constant 16 : index
          %get3A_593 = tpu.vector_load %arg6[%get3A_592] {strides = array<i32>} : memref<32xf32, #tpu.memory_space<vmem>>, vector<16xf32>,
          %get3A_594 = arith.constant 16 : index
          %get3A_595 = tpu.vector_load %arg7[%get3A_594] {strides = array<i32>} : memref<32xi32, #tpu.memory_space<vmem>>, vector<16xi32>,
          %gt3A_596 = arith.cmpf ogt, %rev3A_582, %get3A_589 : vector<16xf32>
          %select_n3A = arith.select %gt3A_596, %rev3A_582, %get3A_589 : vector<16xi1>, vector<16xf32>
          %select_n3A_597 = arith.select %gt3A_596, %rev3A_587, %get3A_591 : vector<16xi1>, vector<16xi32>
          %gt3A_598 = arith.cmpf ogt, %select_n3A, %get3A_593 : vector<16xf32>
          %select_n3A_599 = arith.select %gt3A_598, %get3A_593, %select_n3A : vector<16xi1>, vector<16xf32>
          %select_n3A_600 = arith.select %gt3A_598, %get3A_595, %select_n3A_597 : vector<16xi1>, vector<16xi32>
          %select_n3A_601 = arith.select %gt3A_598, %select_n3A, %get3A_593 : vector<16xi1>, vector<16xf32>
          %select_n3A_602 = arith.select %gt3A_598, %select_n3A_597, %get3A_595 : vector<16xi1>, vector<16xi32>
          %masked_sort3A_603 = arith.constant dense<true> : vector<16xi1>
          %masked_sort3A_604, %masked_sort3A_605, %masked_sort3A_606 = tpu.sort %select_n3A_599, %select_n3A_600 masked %masked_sort3A_603 : (vector<16xf32>, vector<16xi32>, vector<16xi1>) -> (vector<16xi1>, vector<16xf32>, vector<16xi32>)
          %masked_sort3A_607 = arith.constant dense<true> : vector<16xi1>
          %masked_sort3A_608, %masked_sort3A_609, %masked_sort3A_610 = tpu.sort %select_n3A_601, %select_n3A_602 masked %masked_sort3A_607 : (vector<16xf32>, vector<16xi32>, vector<16xi1>) -> (vector<16xi1>, vector<16xf32>, vector<16xi32>)
          %swap3A_611 = arith.constant 0 : index
          %swap3A_612 = tpu.vector_load %arg6[%swap3A_611] {strides = array<i32>} : memref<32xf32, #tpu.memory_space<vmem>>, vector<16xf32>,
          tpu.vector_store %arg6[%swap3A_611], %masked_sort3A_605 {strides = array<i32>} : memref<32xf32, #tpu.memory_space<vmem>>, vector<16xf32>,
          %swap3A_613 = arith.constant 0 : index
          %swap3A_614 = tpu.vector_load %arg7[%swap3A_613] {strides = array<i32>} : memref<32xi32, #tpu.memory_space<vmem>>, vector<16xi32>,
          tpu.vector_store %arg7[%swap3A_613], %masked_sort3A_606 {strides = array<i32>} : memref<32xi32, #tpu.memory_space<vmem>>, vector<16xi32>,
          %swap3A_615 = arith.constant 16 : index
          %swap3A_616 = tpu.vector_load %arg6[%swap3A_615] {strides = array<i32>} : memref<32xf32, #tpu.memory_space<vmem>>, vector<16xf32>,
          tpu.vector_store %arg6[%swap3A_615], %masked_sort3A_609 {strides = array<i32>} : memref<32xf32, #tpu.memory_space<vmem>>, vector<16xf32>,
          %swap3A_617 = arith.constant 16 : index
          %swap3A_618 = tpu.vector_load %arg7[%swap3A_617] {strides = array<i32>} : memref<32xi32, #tpu.memory_space<vmem>>, vector<16xi32>,
          tpu.vector_store %arg7[%swap3A_617], %masked_sort3A_610 {strides = array<i32>} : memref<32xi32, #tpu.memory_space<vmem>>, vector<16xi32>,
          %reshape3A_619 = vector.shape_cast %broadcast_in_dim3A_3 : vector<16xi32> to vector<16x1xi32>
          %gather3A_620 = vector.shape_cast %reshape3A_619 : vector<16x1xi32> to vector<16xi32>
          %gather3A_621 = tpu.dynamic_gather %masked_sort3A_605[%gather3A_620] in [0] : vector<16xf32>, vector<16xi32> -> vector<16xf32>
          %swap3A_622 = arith.constant 0 : index
          %swap3A_623 = tpu.vector_load %arg8[%swap3A_622] {strides = array<i32>} : memref<16xf32, #tpu.memory_space<vmem>>, vector<16xf32>,
          tpu.vector_store %arg8[%swap3A_622], %gather3A_621 {strides = array<i32>} : memref<16xf32, #tpu.memory_space<vmem>>, vector<16xf32>,
        } else {
        }
        %add3A_409 = arith.constant 80 : i32
        %add3A_410 = arith.addi %mul3A_43, %add3A_409 : i32
        %get3A_411 = arith.index_cast %add3A_410 : i32 to index
        %get3A_412 = tpu.vector_load %arg5[%get3A_411] {strides = array<i32>} : memref<100000xf32, #tpu.memory_space<vmem>>, vector<16xf32>,
        %get3A_413 = arith.constant 0 : index
        %get3A_414 = tpu.vector_load %arg8[%get3A_413] {strides = array<i32>} : memref<16xf32, #tpu.memory_space<vmem>>, vector<16xf32>,
        %gt3A_415 = arith.cmpf ogt, %get3A_412, %get3A_414 : vector<16xf32>
        %all_reduce_population_count3A_416 = tpu.all_reduce %gt3A_415 {dim = 0 : i64, kind = #tpu.reduction_kind<sum>} : vector<16xi1> -> vector<16xi32>
        %slice3A_417 = vector.extract_strided_slice %all_reduce_population_count3A_416 {offsets = [0], sizes = [1], strides = [1]} : vector<16xi32> to vector<1xi32>
        %squeeze3A_418 = vector.extract %slice3A_417[0] : i32 from vector<1xi32>
        %gt3A_419 = arith.constant 0 : i32
        %gt3A_420 = arith.cmpi sgt, %squeeze3A_418, %gt3A_419 : i32
        %convert_element_type3A_421 = arith.extui %gt3A_420 : i1 to i32
        %cond3A_422 = arith.constant 0 : i32
        %cond3A_423 = arith.cmpi ne, %convert_element_type3A_421, %cond3A_422 : i32
        scf.if %cond3A_423 {
          %add3A_574 = vector.broadcast %add3A_410 : i32 to vector<16xi32>
          %add3A_575 = arith.addi %iota3A, %add3A_574 : vector<16xi32>
          %masked_sort3A = arith.constant dense<true> : vector<16xi1>
          %masked_sort3A_576, %masked_sort3A_577, %masked_sort3A_578 = tpu.sort %get3A_412, %add3A_575 masked %masked_sort3A : (vector<16xf32>, vector<16xi32>, vector<16xi1>) -> (vector<16xi1>, vector<16xf32>, vector<16xi32>)
          %rev3A = arith.constant 15 : i32
          %rev3A_579 = vector.broadcast %rev3A : i32 to vector<16xi32>
          %rev3A_580 = tpu.iota {dimensions = array<i32: 0>} : vector<16xi32>
          %rev3A_581 = arith.subi %rev3A_579, %rev3A_580 : vector<16xi32>
          %rev3A_582 = tpu.dynamic_gather %masked_sort3A_577[%rev3A_581] in [0] : vector<16xf32>, vector<16xi32> -> vector<16xf32>
          %rev3A_583 = arith.constant 15 : i32
          %rev3A_584 = vector.broadcast %rev3A_583 : i32 to vector<16xi32>
          %rev3A_585 = tpu.iota {dimensions = array<i32: 0>} : vector<16xi32>
          %rev3A_586 = arith.subi %rev3A_584, %rev3A_585 : vector<16xi32>
          %rev3A_587 = tpu.dynamic_gather %masked_sort3A_578[%rev3A_586] in [0] : vector<16xi32>, vector<16xi32> -> vector<16xi32>
          %get3A_588 = arith.constant 0 : index
          %get3A_589 = tpu.vector_load %arg6[%get3A_588] {strides = array<i32>} : memref<32xf32, #tpu.memory_space<vmem>>, vector<16xf32>,
          %get3A_590 = arith.constant 0 : index
          %get3A_591 = tpu.vector_load %arg7[%get3A_590] {strides = array<i32>} : memref<32xi32, #tpu.memory_space<vmem>>, vector<16xi32>,
          %get3A_592 = arith.constant 16 : index
          %get3A_593 = tpu.vector_load %arg6[%get3A_592] {strides = array<i32>} : memref<32xf32, #tpu.memory_space<vmem>>, vector<16xf32>,
          %get3A_594 = arith.constant 16 : index
          %get3A_595 = tpu.vector_load %arg7[%get3A_594] {strides = array<i32>} : memref<32xi32, #tpu.memory_space<vmem>>, vector<16xi32>,
          %gt3A_596 = arith.cmpf ogt, %rev3A_582, %get3A_589 : vector<16xf32>
          %select_n3A = arith.select %gt3A_596, %rev3A_582, %get3A_589 : vector<16xi1>, vector<16xf32>
          %select_n3A_597 = arith.select %gt3A_596, %rev3A_587, %get3A_591 : vector<16xi1>, vector<16xi32>
          %gt3A_598 = arith.cmpf ogt, %select_n3A, %get3A_593 : vector<16xf32>
          %select_n3A_599 = arith.select %gt3A_598, %get3A_593, %select_n3A : vector<16xi1>, vector<16xf32>
          %select_n3A_600 = arith.select %gt3A_598, %get3A_595, %select_n3A_597 : vector<16xi1>, vector<16xi32>
          %select_n3A_601 = arith.select %gt3A_598, %select_n3A, %get3A_593 : vector<16xi1>, vector<16xf32>
          %select_n3A_602 = arith.select %gt3A_598, %select_n3A_597, %get3A_595 : vector<16xi1>, vector<16xi32>
          %masked_sort3A_603 = arith.constant dense<true> : vector<16xi1>
          %masked_sort3A_604, %masked_sort3A_605, %masked_sort3A_606 = tpu.sort %select_n3A_599, %select_n3A_600 masked %masked_sort3A_603 : (vector<16xf32>, vector<16xi32>, vector<16xi1>) -> (vector<16xi1>, vector<16xf32>, vector<16xi32>)
          %masked_sort3A_607 = arith.constant dense<true> : vector<16xi1>
          %masked_sort3A_608, %masked_sort3A_609, %masked_sort3A_610 = tpu.sort %select_n3A_601, %select_n3A_602 masked %masked_sort3A_607 : (vector<16xf32>, vector<16xi32>, vector<16xi1>) -> (vector<16xi1>, vector<16xf32>, vector<16xi32>)
          %swap3A_611 = arith.constant 0 : index
          %swap3A_612 = tpu.vector_load %arg6[%swap3A_611] {strides = array<i32>} : memref<32xf32, #tpu.memory_space<vmem>>, vector<16xf32>,
          tpu.vector_store %arg6[%swap3A_611], %masked_sort3A_605 {strides = array<i32>} : memref<32xf32, #tpu.memory_space<vmem>>, vector<16xf32>,
          %swap3A_613 = arith.constant 0 : index
          %swap3A_614 = tpu.vector_load %arg7[%swap3A_613] {strides = array<i32>} : memref<32xi32, #tpu.memory_space<vmem>>, vector<16xi32>,
          tpu.vector_store %arg7[%swap3A_613], %masked_sort3A_606 {strides = array<i32>} : memref<32xi32, #tpu.memory_space<vmem>>, vector<16xi32>,
          %swap3A_615 = arith.constant 16 : index
          %swap3A_616 = tpu.vector_load %arg6[%swap3A_615] {strides = array<i32>} : memref<32xf32, #tpu.memory_space<vmem>>, vector<16xf32>,
          tpu.vector_store %arg6[%swap3A_615], %masked_sort3A_609 {strides = array<i32>} : memref<32xf32, #tpu.memory_space<vmem>>, vector<16xf32>,
          %swap3A_617 = arith.constant 16 : index
          %swap3A_618 = tpu.vector_load %arg7[%swap3A_617] {strides = array<i32>} : memref<32xi32, #tpu.memory_space<vmem>>, vector<16xi32>,
          tpu.vector_store %arg7[%swap3A_617], %masked_sort3A_610 {strides = array<i32>} : memref<32xi32, #tpu.memory_space<vmem>>, vector<16xi32>,
          %reshape3A_619 = vector.shape_cast %broadcast_in_dim3A_3 : vector<16xi32> to vector<16x1xi32>
          %gather3A_620 = vector.shape_cast %reshape3A_619 : vector<16x1xi32> to vector<16xi32>
          %gather3A_621 = tpu.dynamic_gather %masked_sort3A_605[%gather3A_620] in [0] : vector<16xf32>, vector<16xi32> -> vector<16xf32>
          %swap3A_622 = arith.constant 0 : index
          %swap3A_623 = tpu.vector_load %arg8[%swap3A_622] {strides = array<i32>} : memref<16xf32, #tpu.memory_space<vmem>>, vector<16xf32>,
          tpu.vector_store %arg8[%swap3A_622], %gather3A_621 {strides = array<i32>} : memref<16xf32, #tpu.memory_space<vmem>>, vector<16xf32>,
        } else {
        }
        %add3A_424 = arith.constant 96 : i32
        %add3A_425 = arith.addi %mul3A_43, %add3A_424 : i32
        %get3A_426 = arith.index_cast %add3A_425 : i32 to index
        %get3A_427 = tpu.vector_load %arg5[%get3A_426] {strides = array<i32>} : memref<100000xf32, #tpu.memory_space<vmem>>, vector<16xf32>,
        %get3A_428 = arith.constant 0 : index
        %get3A_429 = tpu.vector_load %arg8[%get3A_428] {strides = array<i32>} : memref<16xf32, #tpu.memory_space<vmem>>, vector<16xf32>,
        %gt3A_430 = arith.cmpf ogt, %get3A_427, %get3A_429 : vector<16xf32>
        %all_reduce_population_count3A_431 = tpu.all_reduce %gt3A_430 {dim = 0 : i64, kind = #tpu.reduction_kind<sum>} : vector<16xi1> -> vector<16xi32>
        %slice3A_432 = vector.extract_strided_slice %all_reduce_population_count3A_431 {offsets = [0], sizes = [1], strides = [1]} : vector<16xi32> to vector<1xi32>
        %squeeze3A_433 = vector.extract %slice3A_432[0] : i32 from vector<1xi32>
        %gt3A_434 = arith.constant 0 : i32
        %gt3A_435 = arith.cmpi sgt, %squeeze3A_433, %gt3A_434 : i32
        %convert_element_type3A_436 = arith.extui %gt3A_435 : i1 to i32
        %cond3A_437 = arith.constant 0 : i32
        %cond3A_438 = arith.cmpi ne, %convert_element_type3A_436, %cond3A_437 : i32
        scf.if %cond3A_438 {
          %add3A_574 = vector.broadcast %add3A_425 : i32 to vector<16xi32>
          %add3A_575 = arith.addi %iota3A, %add3A_574 : vector<16xi32>
          %masked_sort3A = arith.constant dense<true> : vector<16xi1>
          %masked_sort3A_576, %masked_sort3A_577, %masked_sort3A_578 = tpu.sort %get3A_427, %add3A_575 masked %masked_sort3A : (vector<16xf32>, vector<16xi32>, vector<16xi1>) -> (vector<16xi1>, vector<16xf32>, vector<16xi32>)
          %rev3A = arith.constant 15 : i32
          %rev3A_579 = vector.broadcast %rev3A : i32 to vector<16xi32>
          %rev3A_580 = tpu.iota {dimensions = array<i32: 0>} : vector<16xi32>
          %rev3A_581 = arith.subi %rev3A_579, %rev3A_580 : vector<16xi32>
          %rev3A_582 = tpu.dynamic_gather %masked_sort3A_577[%rev3A_581] in [0] : vector<16xf32>, vector<16xi32> -> vector<16xf32>
          %rev3A_583 = arith.constant 15 : i32
          %rev3A_584 = vector.broadcast %rev3A_583 : i32 to vector<16xi32>
          %rev3A_585 = tpu.iota {dimensions = array<i32: 0>} : vector<16xi32>
          %rev3A_586 = arith.subi %rev3A_584, %rev3A_585 : vector<16xi32>
          %rev3A_587 = tpu.dynamic_gather %masked_sort3A_578[%rev3A_586] in [0] : vector<16xi32>, vector<16xi32> -> vector<16xi32>
          %get3A_588 = arith.constant 0 : index
          %get3A_589 = tpu.vector_load %arg6[%get3A_588] {strides = array<i32>} : memref<32xf32, #tpu.memory_space<vmem>>, vector<16xf32>,
          %get3A_590 = arith.constant 0 : index
          %get3A_591 = tpu.vector_load %arg7[%get3A_590] {strides = array<i32>} : memref<32xi32, #tpu.memory_space<vmem>>, vector<16xi32>,
          %get3A_592 = arith.constant 16 : index
          %get3A_593 = tpu.vector_load %arg6[%get3A_592] {strides = array<i32>} : memref<32xf32, #tpu.memory_space<vmem>>, vector<16xf32>,
          %get3A_594 = arith.constant 16 : index
          %get3A_595 = tpu.vector_load %arg7[%get3A_594] {strides = array<i32>} : memref<32xi32, #tpu.memory_space<vmem>>, vector<16xi32>,
          %gt3A_596 = arith.cmpf ogt, %rev3A_582, %get3A_589 : vector<16xf32>
          %select_n3A = arith.select %gt3A_596, %rev3A_582, %get3A_589 : vector<16xi1>, vector<16xf32>
          %select_n3A_597 = arith.select %gt3A_596, %rev3A_587, %get3A_591 : vector<16xi1>, vector<16xi32>
          %gt3A_598 = arith.cmpf ogt, %select_n3A, %get3A_593 : vector<16xf32>
          %select_n3A_599 = arith.select %gt3A_598, %get3A_593, %select_n3A : vector<16xi1>, vector<16xf32>
          %select_n3A_600 = arith.select %gt3A_598, %get3A_595, %select_n3A_597 : vector<16xi1>, vector<16xi32>
          %select_n3A_601 = arith.select %gt3A_598, %select_n3A, %get3A_593 : vector<16xi1>, vector<16xf32>
          %select_n3A_602 = arith.select %gt3A_598, %select_n3A_597, %get3A_595 : vector<16xi1>, vector<16xi32>
          %masked_sort3A_603 = arith.constant dense<true> : vector<16xi1>
          %masked_sort3A_604, %masked_sort3A_605, %masked_sort3A_606 = tpu.sort %select_n3A_599, %select_n3A_600 masked %masked_sort3A_603 : (vector<16xf32>, vector<16xi32>, vector<16xi1>) -> (vector<16xi1>, vector<16xf32>, vector<16xi32>)
          %masked_sort3A_607 = arith.constant dense<true> : vector<16xi1>
          %masked_sort3A_608, %masked_sort3A_609, %masked_sort3A_610 = tpu.sort %select_n3A_601, %select_n3A_602 masked %masked_sort3A_607 : (vector<16xf32>, vector<16xi32>, vector<16xi1>) -> (vector<16xi1>, vector<16xf32>, vector<16xi32>)
          %swap3A_611 = arith.constant 0 : index
          %swap3A_612 = tpu.vector_load %arg6[%swap3A_611] {strides = array<i32>} : memref<32xf32, #tpu.memory_space<vmem>>, vector<16xf32>,
          tpu.vector_store %arg6[%swap3A_611], %masked_sort3A_605 {strides = array<i32>} : memref<32xf32, #tpu.memory_space<vmem>>, vector<16xf32>,
          %swap3A_613 = arith.constant 0 : index
          %swap3A_614 = tpu.vector_load %arg7[%swap3A_613] {strides = array<i32>} : memref<32xi32, #tpu.memory_space<vmem>>, vector<16xi32>,
          tpu.vector_store %arg7[%swap3A_613], %masked_sort3A_606 {strides = array<i32>} : memref<32xi32, #tpu.memory_space<vmem>>, vector<16xi32>,
          %swap3A_615 = arith.constant 16 : index
          %swap3A_616 = tpu.vector_load %arg6[%swap3A_615] {strides = array<i32>} : memref<32xf32, #tpu.memory_space<vmem>>, vector<16xf32>,
          tpu.vector_store %arg6[%swap3A_615], %masked_sort3A_609 {strides = array<i32>} : memref<32xf32, #tpu.memory_space<vmem>>, vector<16xf32>,
          %swap3A_617 = arith.constant 16 : index
          %swap3A_618 = tpu.vector_load %arg7[%swap3A_617] {strides = array<i32>} : memref<32xi32, #tpu.memory_space<vmem>>, vector<16xi32>,
          tpu.vector_store %arg7[%swap3A_617], %masked_sort3A_610 {strides = array<i32>} : memref<32xi32, #tpu.memory_space<vmem>>, vector<16xi32>,
          %reshape3A_619 = vector.shape_cast %broadcast_in_dim3A_3 : vector<16xi32> to vector<16x1xi32>
          %gather3A_620 = vector.shape_cast %reshape3A_619 : vector<16x1xi32> to vector<16xi32>
          %gather3A_621 = tpu.dynamic_gather %masked_sort3A_605[%gather3A_620] in [0] : vector<16xf32>, vector<16xi32> -> vector<16xf32>
          %swap3A_622 = arith.constant 0 : index
          %swap3A_623 = tpu.vector_load %arg8[%swap3A_622] {strides = array<i32>} : memref<16xf32, #tpu.memory_space<vmem>>, vector<16xf32>,
          tpu.vector_store %arg8[%swap3A_622], %gather3A_621 {strides = array<i32>} : memref<16xf32, #tpu.memory_space<vmem>>, vector<16xf32>,
        } else {
        }
        %add3A_439 = arith.constant 112 : i32
        %add3A_440 = arith.addi %mul3A_43, %add3A_439 : i32
        %get3A_441 = arith.index_cast %add3A_440 : i32 to index
        %get3A_442 = tpu.vector_load %arg5[%get3A_441] {strides = array<i32>} : memref<100000xf32, #tpu.memory_space<vmem>>, vector<16xf32>,
        %get3A_443 = arith.constant 0 : index
        %get3A_444 = tpu.vector_load %arg8[%get3A_443] {strides = array<i32>} : memref<16xf32, #tpu.memory_space<vmem>>, vector<16xf32>,
        %gt3A_445 = arith.cmpf ogt, %get3A_442, %get3A_444 : vector<16xf32>
        %all_reduce_population_count3A_446 = tpu.all_reduce %gt3A_445 {dim = 0 : i64, kind = #tpu.reduction_kind<sum>} : vector<16xi1> -> vector<16xi32>
        %slice3A_447 = vector.extract_strided_slice %all_reduce_population_count3A_446 {offsets = [0], sizes = [1], strides = [1]} : vector<16xi32> to vector<1xi32>
        %squeeze3A_448 = vector.extract %slice3A_447[0] : i32 from vector<1xi32>
        %gt3A_449 = arith.constant 0 : i32
        %gt3A_450 = arith.cmpi sgt, %squeeze3A_448, %gt3A_449 : i32
        %convert_element_type3A_451 = arith.extui %gt3A_450 : i1 to i32
        %cond3A_452 = arith.constant 0 : i32
        %cond3A_453 = arith.cmpi ne, %convert_element_type3A_451, %cond3A_452 : i32
        scf.if %cond3A_453 {
          %add3A_574 = vector.broadcast %add3A_440 : i32 to vector<16xi32>
          %add3A_575 = arith.addi %iota3A, %add3A_574 : vector<16xi32>
          %masked_sort3A = arith.constant dense<true> : vector<16xi1>
          %masked_sort3A_576, %masked_sort3A_577, %masked_sort3A_578 = tpu.sort %get3A_442, %add3A_575 masked %masked_sort3A : (vector<16xf32>, vector<16xi32>, vector<16xi1>) -> (vector<16xi1>, vector<16xf32>, vector<16xi32>)
          %rev3A = arith.constant 15 : i32
          %rev3A_579 = vector.broadcast %rev3A : i32 to vector<16xi32>
          %rev3A_580 = tpu.iota {dimensions = array<i32: 0>} : vector<16xi32>
          %rev3A_581 = arith.subi %rev3A_579, %rev3A_580 : vector<16xi32>
          %rev3A_582 = tpu.dynamic_gather %masked_sort3A_577[%rev3A_581] in [0] : vector<16xf32>, vector<16xi32> -> vector<16xf32>
          %rev3A_583 = arith.constant 15 : i32
          %rev3A_584 = vector.broadcast %rev3A_583 : i32 to vector<16xi32>
          %rev3A_585 = tpu.iota {dimensions = array<i32: 0>} : vector<16xi32>
          %rev3A_586 = arith.subi %rev3A_584, %rev3A_585 : vector<16xi32>
          %rev3A_587 = tpu.dynamic_gather %masked_sort3A_578[%rev3A_586] in [0] : vector<16xi32>, vector<16xi32> -> vector<16xi32>
          %get3A_588 = arith.constant 0 : index
          %get3A_589 = tpu.vector_load %arg6[%get3A_588] {strides = array<i32>} : memref<32xf32, #tpu.memory_space<vmem>>, vector<16xf32>,
          %get3A_590 = arith.constant 0 : index
          %get3A_591 = tpu.vector_load %arg7[%get3A_590] {strides = array<i32>} : memref<32xi32, #tpu.memory_space<vmem>>, vector<16xi32>,
          %get3A_592 = arith.constant 16 : index
          %get3A_593 = tpu.vector_load %arg6[%get3A_592] {strides = array<i32>} : memref<32xf32, #tpu.memory_space<vmem>>, vector<16xf32>,
          %get3A_594 = arith.constant 16 : index
          %get3A_595 = tpu.vector_load %arg7[%get3A_594] {strides = array<i32>} : memref<32xi32, #tpu.memory_space<vmem>>, vector<16xi32>,
          %gt3A_596 = arith.cmpf ogt, %rev3A_582, %get3A_589 : vector<16xf32>
          %select_n3A = arith.select %gt3A_596, %rev3A_582, %get3A_589 : vector<16xi1>, vector<16xf32>
          %select_n3A_597 = arith.select %gt3A_596, %rev3A_587, %get3A_591 : vector<16xi1>, vector<16xi32>
          %gt3A_598 = arith.cmpf ogt, %select_n3A, %get3A_593 : vector<16xf32>
          %select_n3A_599 = arith.select %gt3A_598, %get3A_593, %select_n3A : vector<16xi1>, vector<16xf32>
          %select_n3A_600 = arith.select %gt3A_598, %get3A_595, %select_n3A_597 : vector<16xi1>, vector<16xi32>
          %select_n3A_601 = arith.select %gt3A_598, %select_n3A, %get3A_593 : vector<16xi1>, vector<16xf32>
          %select_n3A_602 = arith.select %gt3A_598, %select_n3A_597, %get3A_595 : vector<16xi1>, vector<16xi32>
          %masked_sort3A_603 = arith.constant dense<true> : vector<16xi1>
          %masked_sort3A_604, %masked_sort3A_605, %masked_sort3A_606 = tpu.sort %select_n3A_599, %select_n3A_600 masked %masked_sort3A_603 : (vector<16xf32>, vector<16xi32>, vector<16xi1>) -> (vector<16xi1>, vector<16xf32>, vector<16xi32>)
          %masked_sort3A_607 = arith.constant dense<true> : vector<16xi1>
          %masked_sort3A_608, %masked_sort3A_609, %masked_sort3A_610 = tpu.sort %select_n3A_601, %select_n3A_602 masked %masked_sort3A_607 : (vector<16xf32>, vector<16xi32>, vector<16xi1>) -> (vector<16xi1>, vector<16xf32>, vector<16xi32>)
          %swap3A_611 = arith.constant 0 : index
          %swap3A_612 = tpu.vector_load %arg6[%swap3A_611] {strides = array<i32>} : memref<32xf32, #tpu.memory_space<vmem>>, vector<16xf32>,
          tpu.vector_store %arg6[%swap3A_611], %masked_sort3A_605 {strides = array<i32>} : memref<32xf32, #tpu.memory_space<vmem>>, vector<16xf32>,
          %swap3A_613 = arith.constant 0 : index
          %swap3A_614 = tpu.vector_load %arg7[%swap3A_613] {strides = array<i32>} : memref<32xi32, #tpu.memory_space<vmem>>, vector<16xi32>,
          tpu.vector_store %arg7[%swap3A_613], %masked_sort3A_606 {strides = array<i32>} : memref<32xi32, #tpu.memory_space<vmem>>, vector<16xi32>,
          %swap3A_615 = arith.constant 16 : index
          %swap3A_616 = tpu.vector_load %arg6[%swap3A_615] {strides = array<i32>} : memref<32xf32, #tpu.memory_space<vmem>>, vector<16xf32>,
          tpu.vector_store %arg6[%swap3A_615], %masked_sort3A_609 {strides = array<i32>} : memref<32xf32, #tpu.memory_space<vmem>>, vector<16xf32>,
          %swap3A_617 = arith.constant 16 : index
          %swap3A_618 = tpu.vector_load %arg7[%swap3A_617] {strides = array<i32>} : memref<32xi32, #tpu.memory_space<vmem>>, vector<16xi32>,
          tpu.vector_store %arg7[%swap3A_617], %masked_sort3A_610 {strides = array<i32>} : memref<32xi32, #tpu.memory_space<vmem>>, vector<16xi32>,
          %reshape3A_619 = vector.shape_cast %broadcast_in_dim3A_3 : vector<16xi32> to vector<16x1xi32>
          %gather3A_620 = vector.shape_cast %reshape3A_619 : vector<16x1xi32> to vector<16xi32>
          %gather3A_621 = tpu.dynamic_gather %masked_sort3A_605[%gather3A_620] in [0] : vector<16xf32>, vector<16xi32> -> vector<16xf32>
          %swap3A_622 = arith.constant 0 : index
          %swap3A_623 = tpu.vector_load %arg8[%swap3A_622] {strides = array<i32>} : memref<16xf32, #tpu.memory_space<vmem>>, vector<16xf32>,
          tpu.vector_store %arg8[%swap3A_622], %gather3A_621 {strides = array<i32>} : memref<16xf32, #tpu.memory_space<vmem>>, vector<16xf32>,
        } else {
        }
        %add3A_454 = arith.constant 128 : i32
        %add3A_455 = arith.addi %mul3A_43, %add3A_454 : i32
        %get3A_456 = arith.index_cast %add3A_455 : i32 to index
        %get3A_457 = tpu.vector_load %arg5[%get3A_456] {strides = array<i32>} : memref<100000xf32, #tpu.memory_space<vmem>>, vector<16xf32>,
        %get3A_458 = arith.constant 0 : index
        %get3A_459 = tpu.vector_load %arg8[%get3A_458] {strides = array<i32>} : memref<16xf32, #tpu.memory_space<vmem>>, vector<16xf32>,
        %gt3A_460 = arith.cmpf ogt, %get3A_457, %get3A_459 : vector<16xf32>
        %all_reduce_population_count3A_461 = tpu.all_reduce %gt3A_460 {dim = 0 : i64, kind = #tpu.reduction_kind<sum>} : vector<16xi1> -> vector<16xi32>
        %slice3A_462 = vector.extract_strided_slice %all_reduce_population_count3A_461 {offsets = [0], sizes = [1], strides = [1]} : vector<16xi32> to vector<1xi32>
        %squeeze3A_463 = vector.extract %slice3A_462[0] : i32 from vector<1xi32>
        %gt3A_464 = arith.constant 0 : i32
        %gt3A_465 = arith.cmpi sgt, %squeeze3A_463, %gt3A_464 : i32
        %convert_element_type3A_466 = arith.extui %gt3A_465 : i1 to i32
        %cond3A_467 = arith.constant 0 : i32
        %cond3A_468 = arith.cmpi ne, %convert_element_type3A_466, %cond3A_467 : i32
        scf.if %cond3A_468 {
          %add3A_574 = vector.broadcast %add3A_455 : i32 to vector<16xi32>
          %add3A_575 = arith.addi %iota3A, %add3A_574 : vector<16xi32>
          %masked_sort3A = arith.constant dense<true> : vector<16xi1>
          %masked_sort3A_576, %masked_sort3A_577, %masked_sort3A_578 = tpu.sort %get3A_457, %add3A_575 masked %masked_sort3A : (vector<16xf32>, vector<16xi32>, vector<16xi1>) -> (vector<16xi1>, vector<16xf32>, vector<16xi32>)
          %rev3A = arith.constant 15 : i32
          %rev3A_579 = vector.broadcast %rev3A : i32 to vector<16xi32>
          %rev3A_580 = tpu.iota {dimensions = array<i32: 0>} : vector<16xi32>
          %rev3A_581 = arith.subi %rev3A_579, %rev3A_580 : vector<16xi32>
          %rev3A_582 = tpu.dynamic_gather %masked_sort3A_577[%rev3A_581] in [0] : vector<16xf32>, vector<16xi32> -> vector<16xf32>
          %rev3A_583 = arith.constant 15 : i32
          %rev3A_584 = vector.broadcast %rev3A_583 : i32 to vector<16xi32>
          %rev3A_585 = tpu.iota {dimensions = array<i32: 0>} : vector<16xi32>
          %rev3A_586 = arith.subi %rev3A_584, %rev3A_585 : vector<16xi32>
          %rev3A_587 = tpu.dynamic_gather %masked_sort3A_578[%rev3A_586] in [0] : vector<16xi32>, vector<16xi32> -> vector<16xi32>
          %get3A_588 = arith.constant 0 : index
          %get3A_589 = tpu.vector_load %arg6[%get3A_588] {strides = array<i32>} : memref<32xf32, #tpu.memory_space<vmem>>, vector<16xf32>,
          %get3A_590 = arith.constant 0 : index
          %get3A_591 = tpu.vector_load %arg7[%get3A_590] {strides = array<i32>} : memref<32xi32, #tpu.memory_space<vmem>>, vector<16xi32>,
          %get3A_592 = arith.constant 16 : index
          %get3A_593 = tpu.vector_load %arg6[%get3A_592] {strides = array<i32>} : memref<32xf32, #tpu.memory_space<vmem>>, vector<16xf32>,
          %get3A_594 = arith.constant 16 : index
          %get3A_595 = tpu.vector_load %arg7[%get3A_594] {strides = array<i32>} : memref<32xi32, #tpu.memory_space<vmem>>, vector<16xi32>,
          %gt3A_596 = arith.cmpf ogt, %rev3A_582, %get3A_589 : vector<16xf32>
          %select_n3A = arith.select %gt3A_596, %rev3A_582, %get3A_589 : vector<16xi1>, vector<16xf32>
          %select_n3A_597 = arith.select %gt3A_596, %rev3A_587, %get3A_591 : vector<16xi1>, vector<16xi32>
          %gt3A_598 = arith.cmpf ogt, %select_n3A, %get3A_593 : vector<16xf32>
          %select_n3A_599 = arith.select %gt3A_598, %get3A_593, %select_n3A : vector<16xi1>, vector<16xf32>
          %select_n3A_600 = arith.select %gt3A_598, %get3A_595, %select_n3A_597 : vector<16xi1>, vector<16xi32>
          %select_n3A_601 = arith.select %gt3A_598, %select_n3A, %get3A_593 : vector<16xi1>, vector<16xf32>
          %select_n3A_602 = arith.select %gt3A_598, %select_n3A_597, %get3A_595 : vector<16xi1>, vector<16xi32>
          %masked_sort3A_603 = arith.constant dense<true> : vector<16xi1>
          %masked_sort3A_604, %masked_sort3A_605, %masked_sort3A_606 = tpu.sort %select_n3A_599, %select_n3A_600 masked %masked_sort3A_603 : (vector<16xf32>, vector<16xi32>, vector<16xi1>) -> (vector<16xi1>, vector<16xf32>, vector<16xi32>)
          %masked_sort3A_607 = arith.constant dense<true> : vector<16xi1>
          %masked_sort3A_608, %masked_sort3A_609, %masked_sort3A_610 = tpu.sort %select_n3A_601, %select_n3A_602 masked %masked_sort3A_607 : (vector<16xf32>, vector<16xi32>, vector<16xi1>) -> (vector<16xi1>, vector<16xf32>, vector<16xi32>)
          %swap3A_611 = arith.constant 0 : index
          %swap3A_612 = tpu.vector_load %arg6[%swap3A_611] {strides = array<i32>} : memref<32xf32, #tpu.memory_space<vmem>>, vector<16xf32>,
          tpu.vector_store %arg6[%swap3A_611], %masked_sort3A_605 {strides = array<i32>} : memref<32xf32, #tpu.memory_space<vmem>>, vector<16xf32>,
          %swap3A_613 = arith.constant 0 : index
          %swap3A_614 = tpu.vector_load %arg7[%swap3A_613] {strides = array<i32>} : memref<32xi32, #tpu.memory_space<vmem>>, vector<16xi32>,
          tpu.vector_store %arg7[%swap3A_613], %masked_sort3A_606 {strides = array<i32>} : memref<32xi32, #tpu.memory_space<vmem>>, vector<16xi32>,
          %swap3A_615 = arith.constant 16 : index
          %swap3A_616 = tpu.vector_load %arg6[%swap3A_615] {strides = array<i32>} : memref<32xf32, #tpu.memory_space<vmem>>, vector<16xf32>,
          tpu.vector_store %arg6[%swap3A_615], %masked_sort3A_609 {strides = array<i32>} : memref<32xf32, #tpu.memory_space<vmem>>, vector<16xf32>,
          %swap3A_617 = arith.constant 16 : index
          %swap3A_618 = tpu.vector_load %arg7[%swap3A_617] {strides = array<i32>} : memref<32xi32, #tpu.memory_space<vmem>>, vector<16xi32>,
          tpu.vector_store %arg7[%swap3A_617], %masked_sort3A_610 {strides = array<i32>} : memref<32xi32, #tpu.memory_space<vmem>>, vector<16xi32>,
          %reshape3A_619 = vector.shape_cast %broadcast_in_dim3A_3 : vector<16xi32> to vector<16x1xi32>
          %gather3A_620 = vector.shape_cast %reshape3A_619 : vector<16x1xi32> to vector<16xi32>
          %gather3A_621 = tpu.dynamic_gather %masked_sort3A_605[%gather3A_620] in [0] : vector<16xf32>, vector<16xi32> -> vector<16xf32>
          %swap3A_622 = arith.constant 0 : index
          %swap3A_623 = tpu.vector_load %arg8[%swap3A_622] {strides = array<i32>} : memref<16xf32, #tpu.memory_space<vmem>>, vector<16xf32>,
          tpu.vector_store %arg8[%swap3A_622], %gather3A_621 {strides = array<i32>} : memref<16xf32, #tpu.memory_space<vmem>>, vector<16xf32>,
        } else {
        }
        %add3A_469 = arith.constant 144 : i32
        %add3A_470 = arith.addi %mul3A_43, %add3A_469 : i32
        %get3A_471 = arith.index_cast %add3A_470 : i32 to index
        %get3A_472 = tpu.vector_load %arg5[%get3A_471] {strides = array<i32>} : memref<100000xf32, #tpu.memory_space<vmem>>, vector<16xf32>,
        %get3A_473 = arith.constant 0 : index
        %get3A_474 = tpu.vector_load %arg8[%get3A_473] {strides = array<i32>} : memref<16xf32, #tpu.memory_space<vmem>>, vector<16xf32>,
        %gt3A_475 = arith.cmpf ogt, %get3A_472, %get3A_474 : vector<16xf32>
        %all_reduce_population_count3A_476 = tpu.all_reduce %gt3A_475 {dim = 0 : i64, kind = #tpu.reduction_kind<sum>} : vector<16xi1> -> vector<16xi32>
        %slice3A_477 = vector.extract_strided_slice %all_reduce_population_count3A_476 {offsets = [0], sizes = [1], strides = [1]} : vector<16xi32> to vector<1xi32>
        %squeeze3A_478 = vector.extract %slice3A_477[0] : i32 from vector<1xi32>
        %gt3A_479 = arith.constant 0 : i32
        %gt3A_480 = arith.cmpi sgt, %squeeze3A_478, %gt3A_479 : i32
        %convert_element_type3A_481 = arith.extui %gt3A_480 : i1 to i32
        %cond3A_482 = arith.constant 0 : i32
        %cond3A_483 = arith.cmpi ne, %convert_element_type3A_481, %cond3A_482 : i32
        scf.if %cond3A_483 {
          %add3A_574 = vector.broadcast %add3A_470 : i32 to vector<16xi32>
          %add3A_575 = arith.addi %iota3A, %add3A_574 : vector<16xi32>
          %masked_sort3A = arith.constant dense<true> : vector<16xi1>
          %masked_sort3A_576, %masked_sort3A_577, %masked_sort3A_578 = tpu.sort %get3A_472, %add3A_575 masked %masked_sort3A : (vector<16xf32>, vector<16xi32>, vector<16xi1>) -> (vector<16xi1>, vector<16xf32>, vector<16xi32>)
          %rev3A = arith.constant 15 : i32
          %rev3A_579 = vector.broadcast %rev3A : i32 to vector<16xi32>
          %rev3A_580 = tpu.iota {dimensions = array<i32: 0>} : vector<16xi32>
          %rev3A_581 = arith.subi %rev3A_579, %rev3A_580 : vector<16xi32>
          %rev3A_582 = tpu.dynamic_gather %masked_sort3A_577[%rev3A_581] in [0] : vector<16xf32>, vector<16xi32> -> vector<16xf32>
          %rev3A_583 = arith.constant 15 : i32
          %rev3A_584 = vector.broadcast %rev3A_583 : i32 to vector<16xi32>
          %rev3A_585 = tpu.iota {dimensions = array<i32: 0>} : vector<16xi32>
          %rev3A_586 = arith.subi %rev3A_584, %rev3A_585 : vector<16xi32>
          %rev3A_587 = tpu.dynamic_gather %masked_sort3A_578[%rev3A_586] in [0] : vector<16xi32>, vector<16xi32> -> vector<16xi32>
          %get3A_588 = arith.constant 0 : index
          %get3A_589 = tpu.vector_load %arg6[%get3A_588] {strides = array<i32>} : memref<32xf32, #tpu.memory_space<vmem>>, vector<16xf32>,
          %get3A_590 = arith.constant 0 : index
          %get3A_591 = tpu.vector_load %arg7[%get3A_590] {strides = array<i32>} : memref<32xi32, #tpu.memory_space<vmem>>, vector<16xi32>,
          %get3A_592 = arith.constant 16 : index
          %get3A_593 = tpu.vector_load %arg6[%get3A_592] {strides = array<i32>} : memref<32xf32, #tpu.memory_space<vmem>>, vector<16xf32>,
          %get3A_594 = arith.constant 16 : index
          %get3A_595 = tpu.vector_load %arg7[%get3A_594] {strides = array<i32>} : memref<32xi32, #tpu.memory_space<vmem>>, vector<16xi32>,
          %gt3A_596 = arith.cmpf ogt, %rev3A_582, %get3A_589 : vector<16xf32>
          %select_n3A = arith.select %gt3A_596, %rev3A_582, %get3A_589 : vector<16xi1>, vector<16xf32>
          %select_n3A_597 = arith.select %gt3A_596, %rev3A_587, %get3A_591 : vector<16xi1>, vector<16xi32>
          %gt3A_598 = arith.cmpf ogt, %select_n3A, %get3A_593 : vector<16xf32>
          %select_n3A_599 = arith.select %gt3A_598, %get3A_593, %select_n3A : vector<16xi1>, vector<16xf32>
          %select_n3A_600 = arith.select %gt3A_598, %get3A_595, %select_n3A_597 : vector<16xi1>, vector<16xi32>
          %select_n3A_601 = arith.select %gt3A_598, %select_n3A, %get3A_593 : vector<16xi1>, vector<16xf32>
          %select_n3A_602 = arith.select %gt3A_598, %select_n3A_597, %get3A_595 : vector<16xi1>, vector<16xi32>
          %masked_sort3A_603 = arith.constant dense<true> : vector<16xi1>
          %masked_sort3A_604, %masked_sort3A_605, %masked_sort3A_606 = tpu.sort %select_n3A_599, %select_n3A_600 masked %masked_sort3A_603 : (vector<16xf32>, vector<16xi32>, vector<16xi1>) -> (vector<16xi1>, vector<16xf32>, vector<16xi32>)
          %masked_sort3A_607 = arith.constant dense<true> : vector<16xi1>
          %masked_sort3A_608, %masked_sort3A_609, %masked_sort3A_610 = tpu.sort %select_n3A_601, %select_n3A_602 masked %masked_sort3A_607 : (vector<16xf32>, vector<16xi32>, vector<16xi1>) -> (vector<16xi1>, vector<16xf32>, vector<16xi32>)
          %swap3A_611 = arith.constant 0 : index
          %swap3A_612 = tpu.vector_load %arg6[%swap3A_611] {strides = array<i32>} : memref<32xf32, #tpu.memory_space<vmem>>, vector<16xf32>,
          tpu.vector_store %arg6[%swap3A_611], %masked_sort3A_605 {strides = array<i32>} : memref<32xf32, #tpu.memory_space<vmem>>, vector<16xf32>,
          %swap3A_613 = arith.constant 0 : index
          %swap3A_614 = tpu.vector_load %arg7[%swap3A_613] {strides = array<i32>} : memref<32xi32, #tpu.memory_space<vmem>>, vector<16xi32>,
          tpu.vector_store %arg7[%swap3A_613], %masked_sort3A_606 {strides = array<i32>} : memref<32xi32, #tpu.memory_space<vmem>>, vector<16xi32>,
          %swap3A_615 = arith.constant 16 : index
          %swap3A_616 = tpu.vector_load %arg6[%swap3A_615] {strides = array<i32>} : memref<32xf32, #tpu.memory_space<vmem>>, vector<16xf32>,
          tpu.vector_store %arg6[%swap3A_615], %masked_sort3A_609 {strides = array<i32>} : memref<32xf32, #tpu.memory_space<vmem>>, vector<16xf32>,
          %swap3A_617 = arith.constant 16 : index
          %swap3A_618 = tpu.vector_load %arg7[%swap3A_617] {strides = array<i32>} : memref<32xi32, #tpu.memory_space<vmem>>, vector<16xi32>,
          tpu.vector_store %arg7[%swap3A_617], %masked_sort3A_610 {strides = array<i32>} : memref<32xi32, #tpu.memory_space<vmem>>, vector<16xi32>,
          %reshape3A_619 = vector.shape_cast %broadcast_in_dim3A_3 : vector<16xi32> to vector<16x1xi32>
          %gather3A_620 = vector.shape_cast %reshape3A_619 : vector<16x1xi32> to vector<16xi32>
          %gather3A_621 = tpu.dynamic_gather %masked_sort3A_605[%gather3A_620] in [0] : vector<16xf32>, vector<16xi32> -> vector<16xf32>
          %swap3A_622 = arith.constant 0 : index
          %swap3A_623 = tpu.vector_load %arg8[%swap3A_622] {strides = array<i32>} : memref<16xf32, #tpu.memory_space<vmem>>, vector<16xf32>,
          tpu.vector_store %arg8[%swap3A_622], %gather3A_621 {strides = array<i32>} : memref<16xf32, #tpu.memory_space<vmem>>, vector<16xf32>,
        } else {
        }
        %add3A_484 = arith.constant 160 : i32
        %add3A_485 = arith.addi %mul3A_43, %add3A_484 : i32
        %get3A_486 = arith.index_cast %add3A_485 : i32 to index
        %get3A_487 = tpu.vector_load %arg5[%get3A_486] {strides = array<i32>} : memref<100000xf32, #tpu.memory_space<vmem>>, vector<16xf32>,
        %get3A_488 = arith.constant 0 : index
        %get3A_489 = tpu.vector_load %arg8[%get3A_488] {strides = array<i32>} : memref<16xf32, #tpu.memory_space<vmem>>, vector<16xf32>,
        %gt3A_490 = arith.cmpf ogt, %get3A_487, %get3A_489 : vector<16xf32>
        %all_reduce_population_count3A_491 = tpu.all_reduce %gt3A_490 {dim = 0 : i64, kind = #tpu.reduction_kind<sum>} : vector<16xi1> -> vector<16xi32>
        %slice3A_492 = vector.extract_strided_slice %all_reduce_population_count3A_491 {offsets = [0], sizes = [1], strides = [1]} : vector<16xi32> to vector<1xi32>
        %squeeze3A_493 = vector.extract %slice3A_492[0] : i32 from vector<1xi32>
        %gt3A_494 = arith.constant 0 : i32
        %gt3A_495 = arith.cmpi sgt, %squeeze3A_493, %gt3A_494 : i32
        %convert_element_type3A_496 = arith.extui %gt3A_495 : i1 to i32
        %cond3A_497 = arith.constant 0 : i32
        %cond3A_498 = arith.cmpi ne, %convert_element_type3A_496, %cond3A_497 : i32
        scf.if %cond3A_498 {
          %add3A_574 = vector.broadcast %add3A_485 : i32 to vector<16xi32>
          %add3A_575 = arith.addi %iota3A, %add3A_574 : vector<16xi32>
          %masked_sort3A = arith.constant dense<true> : vector<16xi1>
          %masked_sort3A_576, %masked_sort3A_577, %masked_sort3A_578 = tpu.sort %get3A_487, %add3A_575 masked %masked_sort3A : (vector<16xf32>, vector<16xi32>, vector<16xi1>) -> (vector<16xi1>, vector<16xf32>, vector<16xi32>)
          %rev3A = arith.constant 15 : i32
          %rev3A_579 = vector.broadcast %rev3A : i32 to vector<16xi32>
          %rev3A_580 = tpu.iota {dimensions = array<i32: 0>} : vector<16xi32>
          %rev3A_581 = arith.subi %rev3A_579, %rev3A_580 : vector<16xi32>
          %rev3A_582 = tpu.dynamic_gather %masked_sort3A_577[%rev3A_581] in [0] : vector<16xf32>, vector<16xi32> -> vector<16xf32>
          %rev3A_583 = arith.constant 15 : i32
          %rev3A_584 = vector.broadcast %rev3A_583 : i32 to vector<16xi32>
          %rev3A_585 = tpu.iota {dimensions = array<i32: 0>} : vector<16xi32>
          %rev3A_586 = arith.subi %rev3A_584, %rev3A_585 : vector<16xi32>
          %rev3A_587 = tpu.dynamic_gather %masked_sort3A_578[%rev3A_586] in [0] : vector<16xi32>, vector<16xi32> -> vector<16xi32>
          %get3A_588 = arith.constant 0 : index
          %get3A_589 = tpu.vector_load %arg6[%get3A_588] {strides = array<i32>} : memref<32xf32, #tpu.memory_space<vmem>>, vector<16xf32>,
          %get3A_590 = arith.constant 0 : index
          %get3A_591 = tpu.vector_load %arg7[%get3A_590] {strides = array<i32>} : memref<32xi32, #tpu.memory_space<vmem>>, vector<16xi32>,
          %get3A_592 = arith.constant 16 : index
          %get3A_593 = tpu.vector_load %arg6[%get3A_592] {strides = array<i32>} : memref<32xf32, #tpu.memory_space<vmem>>, vector<16xf32>,
          %get3A_594 = arith.constant 16 : index
          %get3A_595 = tpu.vector_load %arg7[%get3A_594] {strides = array<i32>} : memref<32xi32, #tpu.memory_space<vmem>>, vector<16xi32>,
          %gt3A_596 = arith.cmpf ogt, %rev3A_582, %get3A_589 : vector<16xf32>
          %select_n3A = arith.select %gt3A_596, %rev3A_582, %get3A_589 : vector<16xi1>, vector<16xf32>
          %select_n3A_597 = arith.select %gt3A_596, %rev3A_587, %get3A_591 : vector<16xi1>, vector<16xi32>
          %gt3A_598 = arith.cmpf ogt, %select_n3A, %get3A_593 : vector<16xf32>
          %select_n3A_599 = arith.select %gt3A_598, %get3A_593, %select_n3A : vector<16xi1>, vector<16xf32>
          %select_n3A_600 = arith.select %gt3A_598, %get3A_595, %select_n3A_597 : vector<16xi1>, vector<16xi32>
          %select_n3A_601 = arith.select %gt3A_598, %select_n3A, %get3A_593 : vector<16xi1>, vector<16xf32>
          %select_n3A_602 = arith.select %gt3A_598, %select_n3A_597, %get3A_595 : vector<16xi1>, vector<16xi32>
          %masked_sort3A_603 = arith.constant dense<true> : vector<16xi1>
          %masked_sort3A_604, %masked_sort3A_605, %masked_sort3A_606 = tpu.sort %select_n3A_599, %select_n3A_600 masked %masked_sort3A_603 : (vector<16xf32>, vector<16xi32>, vector<16xi1>) -> (vector<16xi1>, vector<16xf32>, vector<16xi32>)
          %masked_sort3A_607 = arith.constant dense<true> : vector<16xi1>
          %masked_sort3A_608, %masked_sort3A_609, %masked_sort3A_610 = tpu.sort %select_n3A_601, %select_n3A_602 masked %masked_sort3A_607 : (vector<16xf32>, vector<16xi32>, vector<16xi1>) -> (vector<16xi1>, vector<16xf32>, vector<16xi32>)
          %swap3A_611 = arith.constant 0 : index
          %swap3A_612 = tpu.vector_load %arg6[%swap3A_611] {strides = array<i32>} : memref<32xf32, #tpu.memory_space<vmem>>, vector<16xf32>,
          tpu.vector_store %arg6[%swap3A_611], %masked_sort3A_605 {strides = array<i32>} : memref<32xf32, #tpu.memory_space<vmem>>, vector<16xf32>,
          %swap3A_613 = arith.constant 0 : index
          %swap3A_614 = tpu.vector_load %arg7[%swap3A_613] {strides = array<i32>} : memref<32xi32, #tpu.memory_space<vmem>>, vector<16xi32>,
          tpu.vector_store %arg7[%swap3A_613], %masked_sort3A_606 {strides = array<i32>} : memref<32xi32, #tpu.memory_space<vmem>>, vector<16xi32>,
          %swap3A_615 = arith.constant 16 : index
          %swap3A_616 = tpu.vector_load %arg6[%swap3A_615] {strides = array<i32>} : memref<32xf32, #tpu.memory_space<vmem>>, vector<16xf32>,
          tpu.vector_store %arg6[%swap3A_615], %masked_sort3A_609 {strides = array<i32>} : memref<32xf32, #tpu.memory_space<vmem>>, vector<16xf32>,
          %swap3A_617 = arith.constant 16 : index
          %swap3A_618 = tpu.vector_load %arg7[%swap3A_617] {strides = array<i32>} : memref<32xi32, #tpu.memory_space<vmem>>, vector<16xi32>,
          tpu.vector_store %arg7[%swap3A_617], %masked_sort3A_610 {strides = array<i32>} : memref<32xi32, #tpu.memory_space<vmem>>, vector<16xi32>,
          %reshape3A_619 = vector.shape_cast %broadcast_in_dim3A_3 : vector<16xi32> to vector<16x1xi32>
          %gather3A_620 = vector.shape_cast %reshape3A_619 : vector<16x1xi32> to vector<16xi32>
          %gather3A_621 = tpu.dynamic_gather %masked_sort3A_605[%gather3A_620] in [0] : vector<16xf32>, vector<16xi32> -> vector<16xf32>
          %swap3A_622 = arith.constant 0 : index
          %swap3A_623 = tpu.vector_load %arg8[%swap3A_622] {strides = array<i32>} : memref<16xf32, #tpu.memory_space<vmem>>, vector<16xf32>,
          tpu.vector_store %arg8[%swap3A_622], %gather3A_621 {strides = array<i32>} : memref<16xf32, #tpu.memory_space<vmem>>, vector<16xf32>,
        } else {
        }
        %add3A_499 = arith.constant 176 : i32
        %add3A_500 = arith.addi %mul3A_43, %add3A_499 : i32
        %get3A_501 = arith.index_cast %add3A_500 : i32 to index
        %get3A_502 = tpu.vector_load %arg5[%get3A_501] {strides = array<i32>} : memref<100000xf32, #tpu.memory_space<vmem>>, vector<16xf32>,
        %get3A_503 = arith.constant 0 : index
        %get3A_504 = tpu.vector_load %arg8[%get3A_503] {strides = array<i32>} : memref<16xf32, #tpu.memory_space<vmem>>, vector<16xf32>,
        %gt3A_505 = arith.cmpf ogt, %get3A_502, %get3A_504 : vector<16xf32>
        %all_reduce_population_count3A_506 = tpu.all_reduce %gt3A_505 {dim = 0 : i64, kind = #tpu.reduction_kind<sum>} : vector<16xi1> -> vector<16xi32>
        %slice3A_507 = vector.extract_strided_slice %all_reduce_population_count3A_506 {offsets = [0], sizes = [1], strides = [1]} : vector<16xi32> to vector<1xi32>
        %squeeze3A_508 = vector.extract %slice3A_507[0] : i32 from vector<1xi32>
        %gt3A_509 = arith.constant 0 : i32
        %gt3A_510 = arith.cmpi sgt, %squeeze3A_508, %gt3A_509 : i32
        %convert_element_type3A_511 = arith.extui %gt3A_510 : i1 to i32
        %cond3A_512 = arith.constant 0 : i32
        %cond3A_513 = arith.cmpi ne, %convert_element_type3A_511, %cond3A_512 : i32
        scf.if %cond3A_513 {
          %add3A_574 = vector.broadcast %add3A_500 : i32 to vector<16xi32>
          %add3A_575 = arith.addi %iota3A, %add3A_574 : vector<16xi32>
          %masked_sort3A = arith.constant dense<true> : vector<16xi1>
          %masked_sort3A_576, %masked_sort3A_577, %masked_sort3A_578 = tpu.sort %get3A_502, %add3A_575 masked %masked_sort3A : (vector<16xf32>, vector<16xi32>, vector<16xi1>) -> (vector<16xi1>, vector<16xf32>, vector<16xi32>)
          %rev3A = arith.constant 15 : i32
          %rev3A_579 = vector.broadcast %rev3A : i32 to vector<16xi32>
          %rev3A_580 = tpu.iota {dimensions = array<i32: 0>} : vector<16xi32>
          %rev3A_581 = arith.subi %rev3A_579, %rev3A_580 : vector<16xi32>
          %rev3A_582 = tpu.dynamic_gather %masked_sort3A_577[%rev3A_581] in [0] : vector<16xf32>, vector<16xi32> -> vector<16xf32>
          %rev3A_583 = arith.constant 15 : i32
          %rev3A_584 = vector.broadcast %rev3A_583 : i32 to vector<16xi32>
          %rev3A_585 = tpu.iota {dimensions = array<i32: 0>} : vector<16xi32>
          %rev3A_586 = arith.subi %rev3A_584, %rev3A_585 : vector<16xi32>
          %rev3A_587 = tpu.dynamic_gather %masked_sort3A_578[%rev3A_586] in [0] : vector<16xi32>, vector<16xi32> -> vector<16xi32>
          %get3A_588 = arith.constant 0 : index
          %get3A_589 = tpu.vector_load %arg6[%get3A_588] {strides = array<i32>} : memref<32xf32, #tpu.memory_space<vmem>>, vector<16xf32>,
          %get3A_590 = arith.constant 0 : index
          %get3A_591 = tpu.vector_load %arg7[%get3A_590] {strides = array<i32>} : memref<32xi32, #tpu.memory_space<vmem>>, vector<16xi32>,
          %get3A_592 = arith.constant 16 : index
          %get3A_593 = tpu.vector_load %arg6[%get3A_592] {strides = array<i32>} : memref<32xf32, #tpu.memory_space<vmem>>, vector<16xf32>,
          %get3A_594 = arith.constant 16 : index
          %get3A_595 = tpu.vector_load %arg7[%get3A_594] {strides = array<i32>} : memref<32xi32, #tpu.memory_space<vmem>>, vector<16xi32>,
          %gt3A_596 = arith.cmpf ogt, %rev3A_582, %get3A_589 : vector<16xf32>
          %select_n3A = arith.select %gt3A_596, %rev3A_582, %get3A_589 : vector<16xi1>, vector<16xf32>
          %select_n3A_597 = arith.select %gt3A_596, %rev3A_587, %get3A_591 : vector<16xi1>, vector<16xi32>
          %gt3A_598 = arith.cmpf ogt, %select_n3A, %get3A_593 : vector<16xf32>
          %select_n3A_599 = arith.select %gt3A_598, %get3A_593, %select_n3A : vector<16xi1>, vector<16xf32>
          %select_n3A_600 = arith.select %gt3A_598, %get3A_595, %select_n3A_597 : vector<16xi1>, vector<16xi32>
          %select_n3A_601 = arith.select %gt3A_598, %select_n3A, %get3A_593 : vector<16xi1>, vector<16xf32>
          %select_n3A_602 = arith.select %gt3A_598, %select_n3A_597, %get3A_595 : vector<16xi1>, vector<16xi32>
          %masked_sort3A_603 = arith.constant dense<true> : vector<16xi1>
          %masked_sort3A_604, %masked_sort3A_605, %masked_sort3A_606 = tpu.sort %select_n3A_599, %select_n3A_600 masked %masked_sort3A_603 : (vector<16xf32>, vector<16xi32>, vector<16xi1>) -> (vector<16xi1>, vector<16xf32>, vector<16xi32>)
          %masked_sort3A_607 = arith.constant dense<true> : vector<16xi1>
          %masked_sort3A_608, %masked_sort3A_609, %masked_sort3A_610 = tpu.sort %select_n3A_601, %select_n3A_602 masked %masked_sort3A_607 : (vector<16xf32>, vector<16xi32>, vector<16xi1>) -> (vector<16xi1>, vector<16xf32>, vector<16xi32>)
          %swap3A_611 = arith.constant 0 : index
          %swap3A_612 = tpu.vector_load %arg6[%swap3A_611] {strides = array<i32>} : memref<32xf32, #tpu.memory_space<vmem>>, vector<16xf32>,
          tpu.vector_store %arg6[%swap3A_611], %masked_sort3A_605 {strides = array<i32>} : memref<32xf32, #tpu.memory_space<vmem>>, vector<16xf32>,
          %swap3A_613 = arith.constant 0 : index
          %swap3A_614 = tpu.vector_load %arg7[%swap3A_613] {strides = array<i32>} : memref<32xi32, #tpu.memory_space<vmem>>, vector<16xi32>,
          tpu.vector_store %arg7[%swap3A_613], %masked_sort3A_606 {strides = array<i32>} : memref<32xi32, #tpu.memory_space<vmem>>, vector<16xi32>,
          %swap3A_615 = arith.constant 16 : index
          %swap3A_616 = tpu.vector_load %arg6[%swap3A_615] {strides = array<i32>} : memref<32xf32, #tpu.memory_space<vmem>>, vector<16xf32>,
          tpu.vector_store %arg6[%swap3A_615], %masked_sort3A_609 {strides = array<i32>} : memref<32xf32, #tpu.memory_space<vmem>>, vector<16xf32>,
          %swap3A_617 = arith.constant 16 : index
          %swap3A_618 = tpu.vector_load %arg7[%swap3A_617] {strides = array<i32>} : memref<32xi32, #tpu.memory_space<vmem>>, vector<16xi32>,
          tpu.vector_store %arg7[%swap3A_617], %masked_sort3A_610 {strides = array<i32>} : memref<32xi32, #tpu.memory_space<vmem>>, vector<16xi32>,
          %reshape3A_619 = vector.shape_cast %broadcast_in_dim3A_3 : vector<16xi32> to vector<16x1xi32>
          %gather3A_620 = vector.shape_cast %reshape3A_619 : vector<16x1xi32> to vector<16xi32>
          %gather3A_621 = tpu.dynamic_gather %masked_sort3A_605[%gather3A_620] in [0] : vector<16xf32>, vector<16xi32> -> vector<16xf32>
          %swap3A_622 = arith.constant 0 : index
          %swap3A_623 = tpu.vector_load %arg8[%swap3A_622] {strides = array<i32>} : memref<16xf32, #tpu.memory_space<vmem>>, vector<16xf32>,
          tpu.vector_store %arg8[%swap3A_622], %gather3A_621 {strides = array<i32>} : memref<16xf32, #tpu.memory_space<vmem>>, vector<16xf32>,
        } else {
        }
        %add3A_514 = arith.constant 192 : i32
        %add3A_515 = arith.addi %mul3A_43, %add3A_514 : i32
        %get3A_516 = arith.index_cast %add3A_515 : i32 to index
        %get3A_517 = tpu.vector_load %arg5[%get3A_516] {strides = array<i32>} : memref<100000xf32, #tpu.memory_space<vmem>>, vector<16xf32>,
        %get3A_518 = arith.constant 0 : index
        %get3A_519 = tpu.vector_load %arg8[%get3A_518] {strides = array<i32>} : memref<16xf32, #tpu.memory_space<vmem>>, vector<16xf32>,
        %gt3A_520 = arith.cmpf ogt, %get3A_517, %get3A_519 : vector<16xf32>
        %all_reduce_population_count3A_521 = tpu.all_reduce %gt3A_520 {dim = 0 : i64, kind = #tpu.reduction_kind<sum>} : vector<16xi1> -> vector<16xi32>
        %slice3A_522 = vector.extract_strided_slice %all_reduce_population_count3A_521 {offsets = [0], sizes = [1], strides = [1]} : vector<16xi32> to vector<1xi32>
        %squeeze3A_523 = vector.extract %slice3A_522[0] : i32 from vector<1xi32>
        %gt3A_524 = arith.constant 0 : i32
        %gt3A_525 = arith.cmpi sgt, %squeeze3A_523, %gt3A_524 : i32
        %convert_element_type3A_526 = arith.extui %gt3A_525 : i1 to i32
        %cond3A_527 = arith.constant 0 : i32
        %cond3A_528 = arith.cmpi ne, %convert_element_type3A_526, %cond3A_527 : i32
        scf.if %cond3A_528 {
          %add3A_574 = vector.broadcast %add3A_515 : i32 to vector<16xi32>
          %add3A_575 = arith.addi %iota3A, %add3A_574 : vector<16xi32>
          %masked_sort3A = arith.constant dense<true> : vector<16xi1>
          %masked_sort3A_576, %masked_sort3A_577, %masked_sort3A_578 = tpu.sort %get3A_517, %add3A_575 masked %masked_sort3A : (vector<16xf32>, vector<16xi32>, vector<16xi1>) -> (vector<16xi1>, vector<16xf32>, vector<16xi32>)
          %rev3A = arith.constant 15 : i32
          %rev3A_579 = vector.broadcast %rev3A : i32 to vector<16xi32>
          %rev3A_580 = tpu.iota {dimensions = array<i32: 0>} : vector<16xi32>
          %rev3A_581 = arith.subi %rev3A_579, %rev3A_580 : vector<16xi32>
          %rev3A_582 = tpu.dynamic_gather %masked_sort3A_577[%rev3A_581] in [0] : vector<16xf32>, vector<16xi32> -> vector<16xf32>
          %rev3A_583 = arith.constant 15 : i32
          %rev3A_584 = vector.broadcast %rev3A_583 : i32 to vector<16xi32>
          %rev3A_585 = tpu.iota {dimensions = array<i32: 0>} : vector<16xi32>
          %rev3A_586 = arith.subi %rev3A_584, %rev3A_585 : vector<16xi32>
          %rev3A_587 = tpu.dynamic_gather %masked_sort3A_578[%rev3A_586] in [0] : vector<16xi32>, vector<16xi32> -> vector<16xi32>
          %get3A_588 = arith.constant 0 : index
          %get3A_589 = tpu.vector_load %arg6[%get3A_588] {strides = array<i32>} : memref<32xf32, #tpu.memory_space<vmem>>, vector<16xf32>,
          %get3A_590 = arith.constant 0 : index
          %get3A_591 = tpu.vector_load %arg7[%get3A_590] {strides = array<i32>} : memref<32xi32, #tpu.memory_space<vmem>>, vector<16xi32>,
          %get3A_592 = arith.constant 16 : index
          %get3A_593 = tpu.vector_load %arg6[%get3A_592] {strides = array<i32>} : memref<32xf32, #tpu.memory_space<vmem>>, vector<16xf32>,
          %get3A_594 = arith.constant 16 : index
          %get3A_595 = tpu.vector_load %arg7[%get3A_594] {strides = array<i32>} : memref<32xi32, #tpu.memory_space<vmem>>, vector<16xi32>,
          %gt3A_596 = arith.cmpf ogt, %rev3A_582, %get3A_589 : vector<16xf32>
          %select_n3A = arith.select %gt3A_596, %rev3A_582, %get3A_589 : vector<16xi1>, vector<16xf32>
          %select_n3A_597 = arith.select %gt3A_596, %rev3A_587, %get3A_591 : vector<16xi1>, vector<16xi32>
          %gt3A_598 = arith.cmpf ogt, %select_n3A, %get3A_593 : vector<16xf32>
          %select_n3A_599 = arith.select %gt3A_598, %get3A_593, %select_n3A : vector<16xi1>, vector<16xf32>
          %select_n3A_600 = arith.select %gt3A_598, %get3A_595, %select_n3A_597 : vector<16xi1>, vector<16xi32>
          %select_n3A_601 = arith.select %gt3A_598, %select_n3A, %get3A_593 : vector<16xi1>, vector<16xf32>
          %select_n3A_602 = arith.select %gt3A_598, %select_n3A_597, %get3A_595 : vector<16xi1>, vector<16xi32>
          %masked_sort3A_603 = arith.constant dense<true> : vector<16xi1>
          %masked_sort3A_604, %masked_sort3A_605, %masked_sort3A_606 = tpu.sort %select_n3A_599, %select_n3A_600 masked %masked_sort3A_603 : (vector<16xf32>, vector<16xi32>, vector<16xi1>) -> (vector<16xi1>, vector<16xf32>, vector<16xi32>)
          %masked_sort3A_607 = arith.constant dense<true> : vector<16xi1>
          %masked_sort3A_608, %masked_sort3A_609, %masked_sort3A_610 = tpu.sort %select_n3A_601, %select_n3A_602 masked %masked_sort3A_607 : (vector<16xf32>, vector<16xi32>, vector<16xi1>) -> (vector<16xi1>, vector<16xf32>, vector<16xi32>)
          %swap3A_611 = arith.constant 0 : index
          %swap3A_612 = tpu.vector_load %arg6[%swap3A_611] {strides = array<i32>} : memref<32xf32, #tpu.memory_space<vmem>>, vector<16xf32>,
          tpu.vector_store %arg6[%swap3A_611], %masked_sort3A_605 {strides = array<i32>} : memref<32xf32, #tpu.memory_space<vmem>>, vector<16xf32>,
          %swap3A_613 = arith.constant 0 : index
          %swap3A_614 = tpu.vector_load %arg7[%swap3A_613] {strides = array<i32>} : memref<32xi32, #tpu.memory_space<vmem>>, vector<16xi32>,
          tpu.vector_store %arg7[%swap3A_613], %masked_sort3A_606 {strides = array<i32>} : memref<32xi32, #tpu.memory_space<vmem>>, vector<16xi32>,
          %swap3A_615 = arith.constant 16 : index
          %swap3A_616 = tpu.vector_load %arg6[%swap3A_615] {strides = array<i32>} : memref<32xf32, #tpu.memory_space<vmem>>, vector<16xf32>,
          tpu.vector_store %arg6[%swap3A_615], %masked_sort3A_609 {strides = array<i32>} : memref<32xf32, #tpu.memory_space<vmem>>, vector<16xf32>,
          %swap3A_617 = arith.constant 16 : index
          %swap3A_618 = tpu.vector_load %arg7[%swap3A_617] {strides = array<i32>} : memref<32xi32, #tpu.memory_space<vmem>>, vector<16xi32>,
          tpu.vector_store %arg7[%swap3A_617], %masked_sort3A_610 {strides = array<i32>} : memref<32xi32, #tpu.memory_space<vmem>>, vector<16xi32>,
          %reshape3A_619 = vector.shape_cast %broadcast_in_dim3A_3 : vector<16xi32> to vector<16x1xi32>
          %gather3A_620 = vector.shape_cast %reshape3A_619 : vector<16x1xi32> to vector<16xi32>
          %gather3A_621 = tpu.dynamic_gather %masked_sort3A_605[%gather3A_620] in [0] : vector<16xf32>, vector<16xi32> -> vector<16xf32>
          %swap3A_622 = arith.constant 0 : index
          %swap3A_623 = tpu.vector_load %arg8[%swap3A_622] {strides = array<i32>} : memref<16xf32, #tpu.memory_space<vmem>>, vector<16xf32>,
          tpu.vector_store %arg8[%swap3A_622], %gather3A_621 {strides = array<i32>} : memref<16xf32, #tpu.memory_space<vmem>>, vector<16xf32>,
        } else {
        }
        %add3A_529 = arith.constant 208 : i32
        %add3A_530 = arith.addi %mul3A_43, %add3A_529 : i32
        %get3A_531 = arith.index_cast %add3A_530 : i32 to index
        %get3A_532 = tpu.vector_load %arg5[%get3A_531] {strides = array<i32>} : memref<100000xf32, #tpu.memory_space<vmem>>, vector<16xf32>,
        %get3A_533 = arith.constant 0 : index
        %get3A_534 = tpu.vector_load %arg8[%get3A_533] {strides = array<i32>} : memref<16xf32, #tpu.memory_space<vmem>>, vector<16xf32>,
        %gt3A_535 = arith.cmpf ogt, %get3A_532, %get3A_534 : vector<16xf32>
        %all_reduce_population_count3A_536 = tpu.all_reduce %gt3A_535 {dim = 0 : i64, kind = #tpu.reduction_kind<sum>} : vector<16xi1> -> vector<16xi32>
        %slice3A_537 = vector.extract_strided_slice %all_reduce_population_count3A_536 {offsets = [0], sizes = [1], strides = [1]} : vector<16xi32> to vector<1xi32>
        %squeeze3A_538 = vector.extract %slice3A_537[0] : i32 from vector<1xi32>
        %gt3A_539 = arith.constant 0 : i32
        %gt3A_540 = arith.cmpi sgt, %squeeze3A_538, %gt3A_539 : i32
        %convert_element_type3A_541 = arith.extui %gt3A_540 : i1 to i32
        %cond3A_542 = arith.constant 0 : i32
        %cond3A_543 = arith.cmpi ne, %convert_element_type3A_541, %cond3A_542 : i32
        scf.if %cond3A_543 {
          %add3A_574 = vector.broadcast %add3A_530 : i32 to vector<16xi32>
          %add3A_575 = arith.addi %iota3A, %add3A_574 : vector<16xi32>
          %masked_sort3A = arith.constant dense<true> : vector<16xi1>
          %masked_sort3A_576, %masked_sort3A_577, %masked_sort3A_578 = tpu.sort %get3A_532, %add3A_575 masked %masked_sort3A : (vector<16xf32>, vector<16xi32>, vector<16xi1>) -> (vector<16xi1>, vector<16xf32>, vector<16xi32>)
          %rev3A = arith.constant 15 : i32
          %rev3A_579 = vector.broadcast %rev3A : i32 to vector<16xi32>
          %rev3A_580 = tpu.iota {dimensions = array<i32: 0>} : vector<16xi32>
          %rev3A_581 = arith.subi %rev3A_579, %rev3A_580 : vector<16xi32>
          %rev3A_582 = tpu.dynamic_gather %masked_sort3A_577[%rev3A_581] in [0] : vector<16xf32>, vector<16xi32> -> vector<16xf32>
          %rev3A_583 = arith.constant 15 : i32
          %rev3A_584 = vector.broadcast %rev3A_583 : i32 to vector<16xi32>
          %rev3A_585 = tpu.iota {dimensions = array<i32: 0>} : vector<16xi32>
          %rev3A_586 = arith.subi %rev3A_584, %rev3A_585 : vector<16xi32>
          %rev3A_587 = tpu.dynamic_gather %masked_sort3A_578[%rev3A_586] in [0] : vector<16xi32>, vector<16xi32> -> vector<16xi32>
          %get3A_588 = arith.constant 0 : index
          %get3A_589 = tpu.vector_load %arg6[%get3A_588] {strides = array<i32>} : memref<32xf32, #tpu.memory_space<vmem>>, vector<16xf32>,
          %get3A_590 = arith.constant 0 : index
          %get3A_591 = tpu.vector_load %arg7[%get3A_590] {strides = array<i32>} : memref<32xi32, #tpu.memory_space<vmem>>, vector<16xi32>,
          %get3A_592 = arith.constant 16 : index
          %get3A_593 = tpu.vector_load %arg6[%get3A_592] {strides = array<i32>} : memref<32xf32, #tpu.memory_space<vmem>>, vector<16xf32>,
          %get3A_594 = arith.constant 16 : index
          %get3A_595 = tpu.vector_load %arg7[%get3A_594] {strides = array<i32>} : memref<32xi32, #tpu.memory_space<vmem>>, vector<16xi32>,
          %gt3A_596 = arith.cmpf ogt, %rev3A_582, %get3A_589 : vector<16xf32>
          %select_n3A = arith.select %gt3A_596, %rev3A_582, %get3A_589 : vector<16xi1>, vector<16xf32>
          %select_n3A_597 = arith.select %gt3A_596, %rev3A_587, %get3A_591 : vector<16xi1>, vector<16xi32>
          %gt3A_598 = arith.cmpf ogt, %select_n3A, %get3A_593 : vector<16xf32>
          %select_n3A_599 = arith.select %gt3A_598, %get3A_593, %select_n3A : vector<16xi1>, vector<16xf32>
          %select_n3A_600 = arith.select %gt3A_598, %get3A_595, %select_n3A_597 : vector<16xi1>, vector<16xi32>
          %select_n3A_601 = arith.select %gt3A_598, %select_n3A, %get3A_593 : vector<16xi1>, vector<16xf32>
          %select_n3A_602 = arith.select %gt3A_598, %select_n3A_597, %get3A_595 : vector<16xi1>, vector<16xi32>
          %masked_sort3A_603 = arith.constant dense<true> : vector<16xi1>
          %masked_sort3A_604, %masked_sort3A_605, %masked_sort3A_606 = tpu.sort %select_n3A_599, %select_n3A_600 masked %masked_sort3A_603 : (vector<16xf32>, vector<16xi32>, vector<16xi1>) -> (vector<16xi1>, vector<16xf32>, vector<16xi32>)
          %masked_sort3A_607 = arith.constant dense<true> : vector<16xi1>
          %masked_sort3A_608, %masked_sort3A_609, %masked_sort3A_610 = tpu.sort %select_n3A_601, %select_n3A_602 masked %masked_sort3A_607 : (vector<16xf32>, vector<16xi32>, vector<16xi1>) -> (vector<16xi1>, vector<16xf32>, vector<16xi32>)
          %swap3A_611 = arith.constant 0 : index
          %swap3A_612 = tpu.vector_load %arg6[%swap3A_611] {strides = array<i32>} : memref<32xf32, #tpu.memory_space<vmem>>, vector<16xf32>,
          tpu.vector_store %arg6[%swap3A_611], %masked_sort3A_605 {strides = array<i32>} : memref<32xf32, #tpu.memory_space<vmem>>, vector<16xf32>,
          %swap3A_613 = arith.constant 0 : index
          %swap3A_614 = tpu.vector_load %arg7[%swap3A_613] {strides = array<i32>} : memref<32xi32, #tpu.memory_space<vmem>>, vector<16xi32>,
          tpu.vector_store %arg7[%swap3A_613], %masked_sort3A_606 {strides = array<i32>} : memref<32xi32, #tpu.memory_space<vmem>>, vector<16xi32>,
          %swap3A_615 = arith.constant 16 : index
          %swap3A_616 = tpu.vector_load %arg6[%swap3A_615] {strides = array<i32>} : memref<32xf32, #tpu.memory_space<vmem>>, vector<16xf32>,
          tpu.vector_store %arg6[%swap3A_615], %masked_sort3A_609 {strides = array<i32>} : memref<32xf32, #tpu.memory_space<vmem>>, vector<16xf32>,
          %swap3A_617 = arith.constant 16 : index
          %swap3A_618 = tpu.vector_load %arg7[%swap3A_617] {strides = array<i32>} : memref<32xi32, #tpu.memory_space<vmem>>, vector<16xi32>,
          tpu.vector_store %arg7[%swap3A_617], %masked_sort3A_610 {strides = array<i32>} : memref<32xi32, #tpu.memory_space<vmem>>, vector<16xi32>,
          %reshape3A_619 = vector.shape_cast %broadcast_in_dim3A_3 : vector<16xi32> to vector<16x1xi32>
          %gather3A_620 = vector.shape_cast %reshape3A_619 : vector<16x1xi32> to vector<16xi32>
          %gather3A_621 = tpu.dynamic_gather %masked_sort3A_605[%gather3A_620] in [0] : vector<16xf32>, vector<16xi32> -> vector<16xf32>
          %swap3A_622 = arith.constant 0 : index
          %swap3A_623 = tpu.vector_load %arg8[%swap3A_622] {strides = array<i32>} : memref<16xf32, #tpu.memory_space<vmem>>, vector<16xf32>,
          tpu.vector_store %arg8[%swap3A_622], %gather3A_621 {strides = array<i32>} : memref<16xf32, #tpu.memory_space<vmem>>, vector<16xf32>,
        } else {
        }
        %add3A_544 = arith.constant 224 : i32
        %add3A_545 = arith.addi %mul3A_43, %add3A_544 : i32
        %get3A_546 = arith.index_cast %add3A_545 : i32 to index
        %get3A_547 = tpu.vector_load %arg5[%get3A_546] {strides = array<i32>} : memref<100000xf32, #tpu.memory_space<vmem>>, vector<16xf32>,
        %get3A_548 = arith.constant 0 : index
        %get3A_549 = tpu.vector_load %arg8[%get3A_548] {strides = array<i32>} : memref<16xf32, #tpu.memory_space<vmem>>, vector<16xf32>,
        %gt3A_550 = arith.cmpf ogt, %get3A_547, %get3A_549 : vector<16xf32>
        %all_reduce_population_count3A_551 = tpu.all_reduce %gt3A_550 {dim = 0 : i64, kind = #tpu.reduction_kind<sum>} : vector<16xi1> -> vector<16xi32>
        %slice3A_552 = vector.extract_strided_slice %all_reduce_population_count3A_551 {offsets = [0], sizes = [1], strides = [1]} : vector<16xi32> to vector<1xi32>
        %squeeze3A_553 = vector.extract %slice3A_552[0] : i32 from vector<1xi32>
        %gt3A_554 = arith.constant 0 : i32
        %gt3A_555 = arith.cmpi sgt, %squeeze3A_553, %gt3A_554 : i32
        %convert_element_type3A_556 = arith.extui %gt3A_555 : i1 to i32
        %cond3A_557 = arith.constant 0 : i32
        %cond3A_558 = arith.cmpi ne, %convert_element_type3A_556, %cond3A_557 : i32
        scf.if %cond3A_558 {
          %add3A_574 = vector.broadcast %add3A_545 : i32 to vector<16xi32>
          %add3A_575 = arith.addi %iota3A, %add3A_574 : vector<16xi32>
          %masked_sort3A = arith.constant dense<true> : vector<16xi1>
          %masked_sort3A_576, %masked_sort3A_577, %masked_sort3A_578 = tpu.sort %get3A_547, %add3A_575 masked %masked_sort3A : (vector<16xf32>, vector<16xi32>, vector<16xi1>) -> (vector<16xi1>, vector<16xf32>, vector<16xi32>)
          %rev3A = arith.constant 15 : i32
          %rev3A_579 = vector.broadcast %rev3A : i32 to vector<16xi32>
          %rev3A_580 = tpu.iota {dimensions = array<i32: 0>} : vector<16xi32>
          %rev3A_581 = arith.subi %rev3A_579, %rev3A_580 : vector<16xi32>
          %rev3A_582 = tpu.dynamic_gather %masked_sort3A_577[%rev3A_581] in [0] : vector<16xf32>, vector<16xi32> -> vector<16xf32>
          %rev3A_583 = arith.constant 15 : i32
          %rev3A_584 = vector.broadcast %rev3A_583 : i32 to vector<16xi32>
          %rev3A_585 = tpu.iota {dimensions = array<i32: 0>} : vector<16xi32>
          %rev3A_586 = arith.subi %rev3A_584, %rev3A_585 : vector<16xi32>
          %rev3A_587 = tpu.dynamic_gather %masked_sort3A_578[%rev3A_586] in [0] : vector<16xi32>, vector<16xi32> -> vector<16xi32>
          %get3A_588 = arith.constant 0 : index
          %get3A_589 = tpu.vector_load %arg6[%get3A_588] {strides = array<i32>} : memref<32xf32, #tpu.memory_space<vmem>>, vector<16xf32>,
          %get3A_590 = arith.constant 0 : index
          %get3A_591 = tpu.vector_load %arg7[%get3A_590] {strides = array<i32>} : memref<32xi32, #tpu.memory_space<vmem>>, vector<16xi32>,
          %get3A_592 = arith.constant 16 : index
          %get3A_593 = tpu.vector_load %arg6[%get3A_592] {strides = array<i32>} : memref<32xf32, #tpu.memory_space<vmem>>, vector<16xf32>,
          %get3A_594 = arith.constant 16 : index
          %get3A_595 = tpu.vector_load %arg7[%get3A_594] {strides = array<i32>} : memref<32xi32, #tpu.memory_space<vmem>>, vector<16xi32>,
          %gt3A_596 = arith.cmpf ogt, %rev3A_582, %get3A_589 : vector<16xf32>
          %select_n3A = arith.select %gt3A_596, %rev3A_582, %get3A_589 : vector<16xi1>, vector<16xf32>
          %select_n3A_597 = arith.select %gt3A_596, %rev3A_587, %get3A_591 : vector<16xi1>, vector<16xi32>
          %gt3A_598 = arith.cmpf ogt, %select_n3A, %get3A_593 : vector<16xf32>
          %select_n3A_599 = arith.select %gt3A_598, %get3A_593, %select_n3A : vector<16xi1>, vector<16xf32>
          %select_n3A_600 = arith.select %gt3A_598, %get3A_595, %select_n3A_597 : vector<16xi1>, vector<16xi32>
          %select_n3A_601 = arith.select %gt3A_598, %select_n3A, %get3A_593 : vector<16xi1>, vector<16xf32>
          %select_n3A_602 = arith.select %gt3A_598, %select_n3A_597, %get3A_595 : vector<16xi1>, vector<16xi32>
          %masked_sort3A_603 = arith.constant dense<true> : vector<16xi1>
          %masked_sort3A_604, %masked_sort3A_605, %masked_sort3A_606 = tpu.sort %select_n3A_599, %select_n3A_600 masked %masked_sort3A_603 : (vector<16xf32>, vector<16xi32>, vector<16xi1>) -> (vector<16xi1>, vector<16xf32>, vector<16xi32>)
          %masked_sort3A_607 = arith.constant dense<true> : vector<16xi1>
          %masked_sort3A_608, %masked_sort3A_609, %masked_sort3A_610 = tpu.sort %select_n3A_601, %select_n3A_602 masked %masked_sort3A_607 : (vector<16xf32>, vector<16xi32>, vector<16xi1>) -> (vector<16xi1>, vector<16xf32>, vector<16xi32>)
          %swap3A_611 = arith.constant 0 : index
          %swap3A_612 = tpu.vector_load %arg6[%swap3A_611] {strides = array<i32>} : memref<32xf32, #tpu.memory_space<vmem>>, vector<16xf32>,
          tpu.vector_store %arg6[%swap3A_611], %masked_sort3A_605 {strides = array<i32>} : memref<32xf32, #tpu.memory_space<vmem>>, vector<16xf32>,
          %swap3A_613 = arith.constant 0 : index
          %swap3A_614 = tpu.vector_load %arg7[%swap3A_613] {strides = array<i32>} : memref<32xi32, #tpu.memory_space<vmem>>, vector<16xi32>,
          tpu.vector_store %arg7[%swap3A_613], %masked_sort3A_606 {strides = array<i32>} : memref<32xi32, #tpu.memory_space<vmem>>, vector<16xi32>,
          %swap3A_615 = arith.constant 16 : index
          %swap3A_616 = tpu.vector_load %arg6[%swap3A_615] {strides = array<i32>} : memref<32xf32, #tpu.memory_space<vmem>>, vector<16xf32>,
          tpu.vector_store %arg6[%swap3A_615], %masked_sort3A_609 {strides = array<i32>} : memref<32xf32, #tpu.memory_space<vmem>>, vector<16xf32>,
          %swap3A_617 = arith.constant 16 : index
          %swap3A_618 = tpu.vector_load %arg7[%swap3A_617] {strides = array<i32>} : memref<32xi32, #tpu.memory_space<vmem>>, vector<16xi32>,
          tpu.vector_store %arg7[%swap3A_617], %masked_sort3A_610 {strides = array<i32>} : memref<32xi32, #tpu.memory_space<vmem>>, vector<16xi32>,
          %reshape3A_619 = vector.shape_cast %broadcast_in_dim3A_3 : vector<16xi32> to vector<16x1xi32>
          %gather3A_620 = vector.shape_cast %reshape3A_619 : vector<16x1xi32> to vector<16xi32>
          %gather3A_621 = tpu.dynamic_gather %masked_sort3A_605[%gather3A_620] in [0] : vector<16xf32>, vector<16xi32> -> vector<16xf32>
          %swap3A_622 = arith.constant 0 : index
          %swap3A_623 = tpu.vector_load %arg8[%swap3A_622] {strides = array<i32>} : memref<16xf32, #tpu.memory_space<vmem>>, vector<16xf32>,
          tpu.vector_store %arg8[%swap3A_622], %gather3A_621 {strides = array<i32>} : memref<16xf32, #tpu.memory_space<vmem>>, vector<16xf32>,
        } else {
        }
        %add3A_559 = arith.constant 240 : i32
        %add3A_560 = arith.addi %mul3A_43, %add3A_559 : i32
        %get3A_561 = arith.index_cast %add3A_560 : i32 to index
        %get3A_562 = tpu.vector_load %arg5[%get3A_561] {strides = array<i32>} : memref<100000xf32, #tpu.memory_space<vmem>>, vector<16xf32>,
        %get3A_563 = arith.constant 0 : index
        %get3A_564 = tpu.vector_load %arg8[%get3A_563] {strides = array<i32>} : memref<16xf32, #tpu.memory_space<vmem>>, vector<16xf32>,
        %gt3A_565 = arith.cmpf ogt, %get3A_562, %get3A_564 : vector<16xf32>
        %all_reduce_population_count3A_566 = tpu.all_reduce %gt3A_565 {dim = 0 : i64, kind = #tpu.reduction_kind<sum>} : vector<16xi1> -> vector<16xi32>
        %slice3A_567 = vector.extract_strided_slice %all_reduce_population_count3A_566 {offsets = [0], sizes = [1], strides = [1]} : vector<16xi32> to vector<1xi32>
        %squeeze3A_568 = vector.extract %slice3A_567[0] : i32 from vector<1xi32>
        %gt3A_569 = arith.constant 0 : i32
        %gt3A_570 = arith.cmpi sgt, %squeeze3A_568, %gt3A_569 : i32
        %convert_element_type3A_571 = arith.extui %gt3A_570 : i1 to i32
        %cond3A_572 = arith.constant 0 : i32
        %cond3A_573 = arith.cmpi ne, %convert_element_type3A_571, %cond3A_572 : i32
        scf.if %cond3A_573 {
          %add3A_574 = vector.broadcast %add3A_560 : i32 to vector<16xi32>
          %add3A_575 = arith.addi %iota3A, %add3A_574 : vector<16xi32>
          %masked_sort3A = arith.constant dense<true> : vector<16xi1>
          %masked_sort3A_576, %masked_sort3A_577, %masked_sort3A_578 = tpu.sort %get3A_562, %add3A_575 masked %masked_sort3A : (vector<16xf32>, vector<16xi32>, vector<16xi1>) -> (vector<16xi1>, vector<16xf32>, vector<16xi32>)
          %rev3A = arith.constant 15 : i32
          %rev3A_579 = vector.broadcast %rev3A : i32 to vector<16xi32>
          %rev3A_580 = tpu.iota {dimensions = array<i32: 0>} : vector<16xi32>
          %rev3A_581 = arith.subi %rev3A_579, %rev3A_580 : vector<16xi32>
          %rev3A_582 = tpu.dynamic_gather %masked_sort3A_577[%rev3A_581] in [0] : vector<16xf32>, vector<16xi32> -> vector<16xf32>
          %rev3A_583 = arith.constant 15 : i32
          %rev3A_584 = vector.broadcast %rev3A_583 : i32 to vector<16xi32>
          %rev3A_585 = tpu.iota {dimensions = array<i32: 0>} : vector<16xi32>
          %rev3A_586 = arith.subi %rev3A_584, %rev3A_585 : vector<16xi32>
          %rev3A_587 = tpu.dynamic_gather %masked_sort3A_578[%rev3A_586] in [0] : vector<16xi32>, vector<16xi32> -> vector<16xi32>
          %get3A_588 = arith.constant 0 : index
          %get3A_589 = tpu.vector_load %arg6[%get3A_588] {strides = array<i32>} : memref<32xf32, #tpu.memory_space<vmem>>, vector<16xf32>,
          %get3A_590 = arith.constant 0 : index
          %get3A_591 = tpu.vector_load %arg7[%get3A_590] {strides = array<i32>} : memref<32xi32, #tpu.memory_space<vmem>>, vector<16xi32>,
          %get3A_592 = arith.constant 16 : index
          %get3A_593 = tpu.vector_load %arg6[%get3A_592] {strides = array<i32>} : memref<32xf32, #tpu.memory_space<vmem>>, vector<16xf32>,
          %get3A_594 = arith.constant 16 : index
          %get3A_595 = tpu.vector_load %arg7[%get3A_594] {strides = array<i32>} : memref<32xi32, #tpu.memory_space<vmem>>, vector<16xi32>,
          %gt3A_596 = arith.cmpf ogt, %rev3A_582, %get3A_589 : vector<16xf32>
          %select_n3A = arith.select %gt3A_596, %rev3A_582, %get3A_589 : vector<16xi1>, vector<16xf32>
          %select_n3A_597 = arith.select %gt3A_596, %rev3A_587, %get3A_591 : vector<16xi1>, vector<16xi32>
          %gt3A_598 = arith.cmpf ogt, %select_n3A, %get3A_593 : vector<16xf32>
          %select_n3A_599 = arith.select %gt3A_598, %get3A_593, %select_n3A : vector<16xi1>, vector<16xf32>
          %select_n3A_600 = arith.select %gt3A_598, %get3A_595, %select_n3A_597 : vector<16xi1>, vector<16xi32>
          %select_n3A_601 = arith.select %gt3A_598, %select_n3A, %get3A_593 : vector<16xi1>, vector<16xf32>
          %select_n3A_602 = arith.select %gt3A_598, %select_n3A_597, %get3A_595 : vector<16xi1>, vector<16xi32>
          %masked_sort3A_603 = arith.constant dense<true> : vector<16xi1>
          %masked_sort3A_604, %masked_sort3A_605, %masked_sort3A_606 = tpu.sort %select_n3A_599, %select_n3A_600 masked %masked_sort3A_603 : (vector<16xf32>, vector<16xi32>, vector<16xi1>) -> (vector<16xi1>, vector<16xf32>, vector<16xi32>)
          %masked_sort3A_607 = arith.constant dense<true> : vector<16xi1>
          %masked_sort3A_608, %masked_sort3A_609, %masked_sort3A_610 = tpu.sort %select_n3A_601, %select_n3A_602 masked %masked_sort3A_607 : (vector<16xf32>, vector<16xi32>, vector<16xi1>) -> (vector<16xi1>, vector<16xf32>, vector<16xi32>)
          %swap3A_611 = arith.constant 0 : index
          %swap3A_612 = tpu.vector_load %arg6[%swap3A_611] {strides = array<i32>} : memref<32xf32, #tpu.memory_space<vmem>>, vector<16xf32>,
          tpu.vector_store %arg6[%swap3A_611], %masked_sort3A_605 {strides = array<i32>} : memref<32xf32, #tpu.memory_space<vmem>>, vector<16xf32>,
          %swap3A_613 = arith.constant 0 : index
          %swap3A_614 = tpu.vector_load %arg7[%swap3A_613] {strides = array<i32>} : memref<32xi32, #tpu.memory_space<vmem>>, vector<16xi32>,
          tpu.vector_store %arg7[%swap3A_613], %masked_sort3A_606 {strides = array<i32>} : memref<32xi32, #tpu.memory_space<vmem>>, vector<16xi32>,
          %swap3A_615 = arith.constant 16 : index
          %swap3A_616 = tpu.vector_load %arg6[%swap3A_615] {strides = array<i32>} : memref<32xf32, #tpu.memory_space<vmem>>, vector<16xf32>,
          tpu.vector_store %arg6[%swap3A_615], %masked_sort3A_609 {strides = array<i32>} : memref<32xf32, #tpu.memory_space<vmem>>, vector<16xf32>,
          %swap3A_617 = arith.constant 16 : index
          %swap3A_618 = tpu.vector_load %arg7[%swap3A_617] {strides = array<i32>} : memref<32xi32, #tpu.memory_space<vmem>>, vector<16xi32>,
          tpu.vector_store %arg7[%swap3A_617], %masked_sort3A_610 {strides = array<i32>} : memref<32xi32, #tpu.memory_space<vmem>>, vector<16xi32>,
          %reshape3A_619 = vector.shape_cast %broadcast_in_dim3A_3 : vector<16xi32> to vector<16x1xi32>
          %gather3A_620 = vector.shape_cast %reshape3A_619 : vector<16x1xi32> to vector<16xi32>
          %gather3A_621 = tpu.dynamic_gather %masked_sort3A_605[%gather3A_620] in [0] : vector<16xf32>, vector<16xi32> -> vector<16xf32>
          %swap3A_622 = arith.constant 0 : index
          %swap3A_623 = tpu.vector_load %arg8[%swap3A_622] {strides = array<i32>} : memref<16xf32, #tpu.memory_space<vmem>>, vector<16xf32>,
          tpu.vector_store %arg8[%swap3A_622], %gather3A_621 {strides = array<i32>} : memref<16xf32, #tpu.memory_space<vmem>>, vector<16xf32>,
        } else {
        }
      } else {
      }
      %scan3A_126 = arith.constant 1 : i32
      %get3A_127 = arith.constant 99840 : index
      %get3A_128 = tpu.vector_load %arg5[%get3A_127] {strides = array<i32>} : memref<100000xf32, #tpu.memory_space<vmem>>, vector<16xf32>,
      %get3A_129 = arith.constant 0 : index
      %get3A_130 = tpu.vector_load %arg8[%get3A_129] {strides = array<i32>} : memref<16xf32, #tpu.memory_space<vmem>>, vector<16xf32>,
      %gt3A_131 = arith.cmpf ogt, %get3A_128, %get3A_130 : vector<16xf32>
      %all_reduce_population_count3A_132 = tpu.all_reduce %gt3A_131 {dim = 0 : i64, kind = #tpu.reduction_kind<sum>} : vector<16xi1> -> vector<16xi32>
      %slice3A_133 = vector.extract_strided_slice %all_reduce_population_count3A_132 {offsets = [0], sizes = [1], strides = [1]} : vector<16xi32> to vector<1xi32>
      %squeeze3A_134 = vector.extract %slice3A_133[0] : i32 from vector<1xi32>
      %gt3A_135 = arith.constant 0 : i32
      %gt3A_136 = arith.cmpi sgt, %squeeze3A_134, %gt3A_135 : i32
      %convert_element_type3A_137 = arith.extui %gt3A_136 : i1 to i32
      %cond3A_138 = arith.constant 0 : i32
      %cond3A_139 = arith.cmpi ne, %convert_element_type3A_137, %cond3A_138 : i32
      scf.if %cond3A_139 {
        %add3A_334 = arith.constant 99840 : i32
        %add3A_335 = vector.broadcast %add3A_334 : i32 to vector<16xi32>
        %add3A_336 = arith.addi %iota3A, %add3A_335 : vector<16xi32>
        %masked_sort3A = arith.constant dense<true> : vector<16xi1>
        %masked_sort3A_337, %masked_sort3A_338, %masked_sort3A_339 = tpu.sort %get3A_128, %add3A_336 masked %masked_sort3A : (vector<16xf32>, vector<16xi32>, vector<16xi1>) -> (vector<16xi1>, vector<16xf32>, vector<16xi32>)
        %rev3A = arith.constant 15 : i32
        %rev3A_340 = vector.broadcast %rev3A : i32 to vector<16xi32>
        %rev3A_341 = tpu.iota {dimensions = array<i32: 0>} : vector<16xi32>
        %rev3A_342 = arith.subi %rev3A_340, %rev3A_341 : vector<16xi32>
        %rev3A_343 = tpu.dynamic_gather %masked_sort3A_338[%rev3A_342] in [0] : vector<16xf32>, vector<16xi32> -> vector<16xf32>
        %rev3A_344 = arith.constant 15 : i32
        %rev3A_345 = vector.broadcast %rev3A_344 : i32 to vector<16xi32>
        %rev3A_346 = tpu.iota {dimensions = array<i32: 0>} : vector<16xi32>
        %rev3A_347 = arith.subi %rev3A_345, %rev3A_346 : vector<16xi32>
        %rev3A_348 = tpu.dynamic_gather %masked_sort3A_339[%rev3A_347] in [0] : vector<16xi32>, vector<16xi32> -> vector<16xi32>
        %get3A_349 = arith.constant 0 : index
        %get3A_350 = tpu.vector_load %arg6[%get3A_349] {strides = array<i32>} : memref<32xf32, #tpu.memory_space<vmem>>, vector<16xf32>,
        %get3A_351 = arith.constant 0 : index
        %get3A_352 = tpu.vector_load %arg7[%get3A_351] {strides = array<i32>} : memref<32xi32, #tpu.memory_space<vmem>>, vector<16xi32>,
        %get3A_353 = arith.constant 16 : index
        %get3A_354 = tpu.vector_load %arg6[%get3A_353] {strides = array<i32>} : memref<32xf32, #tpu.memory_space<vmem>>, vector<16xf32>,
        %get3A_355 = arith.constant 16 : index
        %get3A_356 = tpu.vector_load %arg7[%get3A_355] {strides = array<i32>} : memref<32xi32, #tpu.memory_space<vmem>>, vector<16xi32>,
        %gt3A_357 = arith.cmpf ogt, %rev3A_343, %get3A_350 : vector<16xf32>
        %select_n3A = arith.select %gt3A_357, %rev3A_343, %get3A_350 : vector<16xi1>, vector<16xf32>
        %select_n3A_358 = arith.select %gt3A_357, %rev3A_348, %get3A_352 : vector<16xi1>, vector<16xi32>
        %gt3A_359 = arith.cmpf ogt, %select_n3A, %get3A_354 : vector<16xf32>
        %select_n3A_360 = arith.select %gt3A_359, %get3A_354, %select_n3A : vector<16xi1>, vector<16xf32>
        %select_n3A_361 = arith.select %gt3A_359, %get3A_356, %select_n3A_358 : vector<16xi1>, vector<16xi32>
        %select_n3A_362 = arith.select %gt3A_359, %select_n3A, %get3A_354 : vector<16xi1>, vector<16xf32>
        %select_n3A_363 = arith.select %gt3A_359, %select_n3A_358, %get3A_356 : vector<16xi1>, vector<16xi32>
        %masked_sort3A_364 = arith.constant dense<true> : vector<16xi1>
        %masked_sort3A_365, %masked_sort3A_366, %masked_sort3A_367 = tpu.sort %select_n3A_360, %select_n3A_361 masked %masked_sort3A_364 : (vector<16xf32>, vector<16xi32>, vector<16xi1>) -> (vector<16xi1>, vector<16xf32>, vector<16xi32>)
        %masked_sort3A_368 = arith.constant dense<true> : vector<16xi1>
        %masked_sort3A_369, %masked_sort3A_370, %masked_sort3A_371 = tpu.sort %select_n3A_362, %select_n3A_363 masked %masked_sort3A_368 : (vector<16xf32>, vector<16xi32>, vector<16xi1>) -> (vector<16xi1>, vector<16xf32>, vector<16xi32>)
        %swap3A_372 = arith.constant 0 : index
        %swap3A_373 = tpu.vector_load %arg6[%swap3A_372] {strides = array<i32>} : memref<32xf32, #tpu.memory_space<vmem>>, vector<16xf32>,
        tpu.vector_store %arg6[%swap3A_372], %masked_sort3A_366 {strides = array<i32>} : memref<32xf32, #tpu.memory_space<vmem>>, vector<16xf32>,
        %swap3A_374 = arith.constant 0 : index
        %swap3A_375 = tpu.vector_load %arg7[%swap3A_374] {strides = array<i32>} : memref<32xi32, #tpu.memory_space<vmem>>, vector<16xi32>,
        tpu.vector_store %arg7[%swap3A_374], %masked_sort3A_367 {strides = array<i32>} : memref<32xi32, #tpu.memory_space<vmem>>, vector<16xi32>,
        %swap3A_376 = arith.constant 16 : index
        %swap3A_377 = tpu.vector_load %arg6[%swap3A_376] {strides = array<i32>} : memref<32xf32, #tpu.memory_space<vmem>>, vector<16xf32>,
        tpu.vector_store %arg6[%swap3A_376], %masked_sort3A_370 {strides = array<i32>} : memref<32xf32, #tpu.memory_space<vmem>>, vector<16xf32>,
        %swap3A_378 = arith.constant 16 : index
        %swap3A_379 = tpu.vector_load %arg7[%swap3A_378] {strides = array<i32>} : memref<32xi32, #tpu.memory_space<vmem>>, vector<16xi32>,
        tpu.vector_store %arg7[%swap3A_378], %masked_sort3A_371 {strides = array<i32>} : memref<32xi32, #tpu.memory_space<vmem>>, vector<16xi32>,
        %reshape3A_380 = vector.shape_cast %broadcast_in_dim3A_3 : vector<16xi32> to vector<16x1xi32>
        %gather3A_381 = vector.shape_cast %reshape3A_380 : vector<16x1xi32> to vector<16xi32>
        %gather3A_382 = tpu.dynamic_gather %masked_sort3A_366[%gather3A_381] in [0] : vector<16xf32>, vector<16xi32> -> vector<16xf32>
        %swap3A_383 = arith.constant 0 : index
        %swap3A_384 = tpu.vector_load %arg8[%swap3A_383] {strides = array<i32>} : memref<16xf32, #tpu.memory_space<vmem>>, vector<16xf32>,
        tpu.vector_store %arg8[%swap3A_383], %gather3A_382 {strides = array<i32>} : memref<16xf32, #tpu.memory_space<vmem>>, vector<16xf32>,
      } else {
      }
      %get3A_140 = arith.constant 99856 : index
      %get3A_141 = tpu.vector_load %arg5[%get3A_140] {strides = array<i32>} : memref<100000xf32, #tpu.memory_space<vmem>>, vector<16xf32>,
      %get3A_142 = arith.constant 0 : index
      %get3A_143 = tpu.vector_load %arg8[%get3A_142] {strides = array<i32>} : memref<16xf32, #tpu.memory_space<vmem>>, vector<16xf32>,
      %gt3A_144 = arith.cmpf ogt, %get3A_141, %get3A_143 : vector<16xf32>
      %all_reduce_population_count3A_145 = tpu.all_reduce %gt3A_144 {dim = 0 : i64, kind = #tpu.reduction_kind<sum>} : vector<16xi1> -> vector<16xi32>
      %slice3A_146 = vector.extract_strided_slice %all_reduce_population_count3A_145 {offsets = [0], sizes = [1], strides = [1]} : vector<16xi32> to vector<1xi32>
      %squeeze3A_147 = vector.extract %slice3A_146[0] : i32 from vector<1xi32>
      %gt3A_148 = arith.constant 0 : i32
      %gt3A_149 = arith.cmpi sgt, %squeeze3A_147, %gt3A_148 : i32
      %convert_element_type3A_150 = arith.extui %gt3A_149 : i1 to i32
      %cond3A_151 = arith.constant 0 : i32
      %cond3A_152 = arith.cmpi ne, %convert_element_type3A_150, %cond3A_151 : i32
      scf.if %cond3A_152 {
        %add3A_334 = arith.constant 99856 : i32
        %add3A_335 = vector.broadcast %add3A_334 : i32 to vector<16xi32>
        %add3A_336 = arith.addi %iota3A, %add3A_335 : vector<16xi32>
        %masked_sort3A = arith.constant dense<true> : vector<16xi1>
        %masked_sort3A_337, %masked_sort3A_338, %masked_sort3A_339 = tpu.sort %get3A_141, %add3A_336 masked %masked_sort3A : (vector<16xf32>, vector<16xi32>, vector<16xi1>) -> (vector<16xi1>, vector<16xf32>, vector<16xi32>)
        %rev3A = arith.constant 15 : i32
        %rev3A_340 = vector.broadcast %rev3A : i32 to vector<16xi32>
        %rev3A_341 = tpu.iota {dimensions = array<i32: 0>} : vector<16xi32>
        %rev3A_342 = arith.subi %rev3A_340, %rev3A_341 : vector<16xi32>
        %rev3A_343 = tpu.dynamic_gather %masked_sort3A_338[%rev3A_342] in [0] : vector<16xf32>, vector<16xi32> -> vector<16xf32>
        %rev3A_344 = arith.constant 15 : i32
        %rev3A_345 = vector.broadcast %rev3A_344 : i32 to vector<16xi32>
        %rev3A_346 = tpu.iota {dimensions = array<i32: 0>} : vector<16xi32>
        %rev3A_347 = arith.subi %rev3A_345, %rev3A_346 : vector<16xi32>
        %rev3A_348 = tpu.dynamic_gather %masked_sort3A_339[%rev3A_347] in [0] : vector<16xi32>, vector<16xi32> -> vector<16xi32>
        %get3A_349 = arith.constant 0 : index
        %get3A_350 = tpu.vector_load %arg6[%get3A_349] {strides = array<i32>} : memref<32xf32, #tpu.memory_space<vmem>>, vector<16xf32>,
        %get3A_351 = arith.constant 0 : index
        %get3A_352 = tpu.vector_load %arg7[%get3A_351] {strides = array<i32>} : memref<32xi32, #tpu.memory_space<vmem>>, vector<16xi32>,
        %get3A_353 = arith.constant 16 : index
        %get3A_354 = tpu.vector_load %arg6[%get3A_353] {strides = array<i32>} : memref<32xf32, #tpu.memory_space<vmem>>, vector<16xf32>,
        %get3A_355 = arith.constant 16 : index
        %get3A_356 = tpu.vector_load %arg7[%get3A_355] {strides = array<i32>} : memref<32xi32, #tpu.memory_space<vmem>>, vector<16xi32>,
        %gt3A_357 = arith.cmpf ogt, %rev3A_343, %get3A_350 : vector<16xf32>
        %select_n3A = arith.select %gt3A_357, %rev3A_343, %get3A_350 : vector<16xi1>, vector<16xf32>
        %select_n3A_358 = arith.select %gt3A_357, %rev3A_348, %get3A_352 : vector<16xi1>, vector<16xi32>
        %gt3A_359 = arith.cmpf ogt, %select_n3A, %get3A_354 : vector<16xf32>
        %select_n3A_360 = arith.select %gt3A_359, %get3A_354, %select_n3A : vector<16xi1>, vector<16xf32>
        %select_n3A_361 = arith.select %gt3A_359, %get3A_356, %select_n3A_358 : vector<16xi1>, vector<16xi32>
        %select_n3A_362 = arith.select %gt3A_359, %select_n3A, %get3A_354 : vector<16xi1>, vector<16xf32>
        %select_n3A_363 = arith.select %gt3A_359, %select_n3A_358, %get3A_356 : vector<16xi1>, vector<16xi32>
        %masked_sort3A_364 = arith.constant dense<true> : vector<16xi1>
        %masked_sort3A_365, %masked_sort3A_366, %masked_sort3A_367 = tpu.sort %select_n3A_360, %select_n3A_361 masked %masked_sort3A_364 : (vector<16xf32>, vector<16xi32>, vector<16xi1>) -> (vector<16xi1>, vector<16xf32>, vector<16xi32>)
        %masked_sort3A_368 = arith.constant dense<true> : vector<16xi1>
        %masked_sort3A_369, %masked_sort3A_370, %masked_sort3A_371 = tpu.sort %select_n3A_362, %select_n3A_363 masked %masked_sort3A_368 : (vector<16xf32>, vector<16xi32>, vector<16xi1>) -> (vector<16xi1>, vector<16xf32>, vector<16xi32>)
        %swap3A_372 = arith.constant 0 : index
        %swap3A_373 = tpu.vector_load %arg6[%swap3A_372] {strides = array<i32>} : memref<32xf32, #tpu.memory_space<vmem>>, vector<16xf32>,
        tpu.vector_store %arg6[%swap3A_372], %masked_sort3A_366 {strides = array<i32>} : memref<32xf32, #tpu.memory_space<vmem>>, vector<16xf32>,
        %swap3A_374 = arith.constant 0 : index
        %swap3A_375 = tpu.vector_load %arg7[%swap3A_374] {strides = array<i32>} : memref<32xi32, #tpu.memory_space<vmem>>, vector<16xi32>,
        tpu.vector_store %arg7[%swap3A_374], %masked_sort3A_367 {strides = array<i32>} : memref<32xi32, #tpu.memory_space<vmem>>, vector<16xi32>,
        %swap3A_376 = arith.constant 16 : index
        %swap3A_377 = tpu.vector_load %arg6[%swap3A_376] {strides = array<i32>} : memref<32xf32, #tpu.memory_space<vmem>>, vector<16xf32>,
        tpu.vector_store %arg6[%swap3A_376], %masked_sort3A_370 {strides = array<i32>} : memref<32xf32, #tpu.memory_space<vmem>>, vector<16xf32>,
        %swap3A_378 = arith.constant 16 : index
        %swap3A_379 = tpu.vector_load %arg7[%swap3A_378] {strides = array<i32>} : memref<32xi32, #tpu.memory_space<vmem>>, vector<16xi32>,
        tpu.vector_store %arg7[%swap3A_378], %masked_sort3A_371 {strides = array<i32>} : memref<32xi32, #tpu.memory_space<vmem>>, vector<16xi32>,
        %reshape3A_380 = vector.shape_cast %broadcast_in_dim3A_3 : vector<16xi32> to vector<16x1xi32>
        %gather3A_381 = vector.shape_cast %reshape3A_380 : vector<16x1xi32> to vector<16xi32>
        %gather3A_382 = tpu.dynamic_gather %masked_sort3A_366[%gather3A_381] in [0] : vector<16xf32>, vector<16xi32> -> vector<16xf32>
        %swap3A_383 = arith.constant 0 : index
        %swap3A_384 = tpu.vector_load %arg8[%swap3A_383] {strides = array<i32>} : memref<16xf32, #tpu.memory_space<vmem>>, vector<16xf32>,
        tpu.vector_store %arg8[%swap3A_383], %gather3A_382 {strides = array<i32>} : memref<16xf32, #tpu.memory_space<vmem>>, vector<16xf32>,
      } else {
      }
      %get3A_153 = arith.constant 99872 : index
      %get3A_154 = tpu.vector_load %arg5[%get3A_153] {strides = array<i32>} : memref<100000xf32, #tpu.memory_space<vmem>>, vector<16xf32>,
      %get3A_155 = arith.constant 0 : index
      %get3A_156 = tpu.vector_load %arg8[%get3A_155] {strides = array<i32>} : memref<16xf32, #tpu.memory_space<vmem>>, vector<16xf32>,
      %gt3A_157 = arith.cmpf ogt, %get3A_154, %get3A_156 : vector<16xf32>
      %all_reduce_population_count3A_158 = tpu.all_reduce %gt3A_157 {dim = 0 : i64, kind = #tpu.reduction_kind<sum>} : vector<16xi1> -> vector<16xi32>
      %slice3A_159 = vector.extract_strided_slice %all_reduce_population_count3A_158 {offsets = [0], sizes = [1], strides = [1]} : vector<16xi32> to vector<1xi32>
      %squeeze3A_160 = vector.extract %slice3A_159[0] : i32 from vector<1xi32>
      %gt3A_161 = arith.constant 0 : i32
      %gt3A_162 = arith.cmpi sgt, %squeeze3A_160, %gt3A_161 : i32
      %convert_element_type3A_163 = arith.extui %gt3A_162 : i1 to i32
      %cond3A_164 = arith.constant 0 : i32
      %cond3A_165 = arith.cmpi ne, %convert_element_type3A_163, %cond3A_164 : i32
      scf.if %cond3A_165 {
        %add3A_334 = arith.constant 99872 : i32
        %add3A_335 = vector.broadcast %add3A_334 : i32 to vector<16xi32>
        %add3A_336 = arith.addi %iota3A, %add3A_335 : vector<16xi32>
        %masked_sort3A = arith.constant dense<true> : vector<16xi1>
        %masked_sort3A_337, %masked_sort3A_338, %masked_sort3A_339 = tpu.sort %get3A_154, %add3A_336 masked %masked_sort3A : (vector<16xf32>, vector<16xi32>, vector<16xi1>) -> (vector<16xi1>, vector<16xf32>, vector<16xi32>)
        %rev3A = arith.constant 15 : i32
        %rev3A_340 = vector.broadcast %rev3A : i32 to vector<16xi32>
        %rev3A_341 = tpu.iota {dimensions = array<i32: 0>} : vector<16xi32>
        %rev3A_342 = arith.subi %rev3A_340, %rev3A_341 : vector<16xi32>
        %rev3A_343 = tpu.dynamic_gather %masked_sort3A_338[%rev3A_342] in [0] : vector<16xf32>, vector<16xi32> -> vector<16xf32>
        %rev3A_344 = arith.constant 15 : i32
        %rev3A_345 = vector.broadcast %rev3A_344 : i32 to vector<16xi32>
        %rev3A_346 = tpu.iota {dimensions = array<i32: 0>} : vector<16xi32>
        %rev3A_347 = arith.subi %rev3A_345, %rev3A_346 : vector<16xi32>
        %rev3A_348 = tpu.dynamic_gather %masked_sort3A_339[%rev3A_347] in [0] : vector<16xi32>, vector<16xi32> -> vector<16xi32>
        %get3A_349 = arith.constant 0 : index
        %get3A_350 = tpu.vector_load %arg6[%get3A_349] {strides = array<i32>} : memref<32xf32, #tpu.memory_space<vmem>>, vector<16xf32>,
        %get3A_351 = arith.constant 0 : index
        %get3A_352 = tpu.vector_load %arg7[%get3A_351] {strides = array<i32>} : memref<32xi32, #tpu.memory_space<vmem>>, vector<16xi32>,
        %get3A_353 = arith.constant 16 : index
        %get3A_354 = tpu.vector_load %arg6[%get3A_353] {strides = array<i32>} : memref<32xf32, #tpu.memory_space<vmem>>, vector<16xf32>,
        %get3A_355 = arith.constant 16 : index
        %get3A_356 = tpu.vector_load %arg7[%get3A_355] {strides = array<i32>} : memref<32xi32, #tpu.memory_space<vmem>>, vector<16xi32>,
        %gt3A_357 = arith.cmpf ogt, %rev3A_343, %get3A_350 : vector<16xf32>
        %select_n3A = arith.select %gt3A_357, %rev3A_343, %get3A_350 : vector<16xi1>, vector<16xf32>
        %select_n3A_358 = arith.select %gt3A_357, %rev3A_348, %get3A_352 : vector<16xi1>, vector<16xi32>
        %gt3A_359 = arith.cmpf ogt, %select_n3A, %get3A_354 : vector<16xf32>
        %select_n3A_360 = arith.select %gt3A_359, %get3A_354, %select_n3A : vector<16xi1>, vector<16xf32>
        %select_n3A_361 = arith.select %gt3A_359, %get3A_356, %select_n3A_358 : vector<16xi1>, vector<16xi32>
        %select_n3A_362 = arith.select %gt3A_359, %select_n3A, %get3A_354 : vector<16xi1>, vector<16xf32>
        %select_n3A_363 = arith.select %gt3A_359, %select_n3A_358, %get3A_356 : vector<16xi1>, vector<16xi32>
        %masked_sort3A_364 = arith.constant dense<true> : vector<16xi1>
        %masked_sort3A_365, %masked_sort3A_366, %masked_sort3A_367 = tpu.sort %select_n3A_360, %select_n3A_361 masked %masked_sort3A_364 : (vector<16xf32>, vector<16xi32>, vector<16xi1>) -> (vector<16xi1>, vector<16xf32>, vector<16xi32>)
        %masked_sort3A_368 = arith.constant dense<true> : vector<16xi1>
        %masked_sort3A_369, %masked_sort3A_370, %masked_sort3A_371 = tpu.sort %select_n3A_362, %select_n3A_363 masked %masked_sort3A_368 : (vector<16xf32>, vector<16xi32>, vector<16xi1>) -> (vector<16xi1>, vector<16xf32>, vector<16xi32>)
        %swap3A_372 = arith.constant 0 : index
        %swap3A_373 = tpu.vector_load %arg6[%swap3A_372] {strides = array<i32>} : memref<32xf32, #tpu.memory_space<vmem>>, vector<16xf32>,
        tpu.vector_store %arg6[%swap3A_372], %masked_sort3A_366 {strides = array<i32>} : memref<32xf32, #tpu.memory_space<vmem>>, vector<16xf32>,
        %swap3A_374 = arith.constant 0 : index
        %swap3A_375 = tpu.vector_load %arg7[%swap3A_374] {strides = array<i32>} : memref<32xi32, #tpu.memory_space<vmem>>, vector<16xi32>,
        tpu.vector_store %arg7[%swap3A_374], %masked_sort3A_367 {strides = array<i32>} : memref<32xi32, #tpu.memory_space<vmem>>, vector<16xi32>,
        %swap3A_376 = arith.constant 16 : index
        %swap3A_377 = tpu.vector_load %arg6[%swap3A_376] {strides = array<i32>} : memref<32xf32, #tpu.memory_space<vmem>>, vector<16xf32>,
        tpu.vector_store %arg6[%swap3A_376], %masked_sort3A_370 {strides = array<i32>} : memref<32xf32, #tpu.memory_space<vmem>>, vector<16xf32>,
        %swap3A_378 = arith.constant 16 : index
        %swap3A_379 = tpu.vector_load %arg7[%swap3A_378] {strides = array<i32>} : memref<32xi32, #tpu.memory_space<vmem>>, vector<16xi32>,
        tpu.vector_store %arg7[%swap3A_378], %masked_sort3A_371 {strides = array<i32>} : memref<32xi32, #tpu.memory_space<vmem>>, vector<16xi32>,
        %reshape3A_380 = vector.shape_cast %broadcast_in_dim3A_3 : vector<16xi32> to vector<16x1xi32>
        %gather3A_381 = vector.shape_cast %reshape3A_380 : vector<16x1xi32> to vector<16xi32>
        %gather3A_382 = tpu.dynamic_gather %masked_sort3A_366[%gather3A_381] in [0] : vector<16xf32>, vector<16xi32> -> vector<16xf32>
        %swap3A_383 = arith.constant 0 : index
        %swap3A_384 = tpu.vector_load %arg8[%swap3A_383] {strides = array<i32>} : memref<16xf32, #tpu.memory_space<vmem>>, vector<16xf32>,
        tpu.vector_store %arg8[%swap3A_383], %gather3A_382 {strides = array<i32>} : memref<16xf32, #tpu.memory_space<vmem>>, vector<16xf32>,
      } else {
      }
      %get3A_166 = arith.constant 99888 : index
      %get3A_167 = tpu.vector_load %arg5[%get3A_166] {strides = array<i32>} : memref<100000xf32, #tpu.memory_space<vmem>>, vector<16xf32>,
      %get3A_168 = arith.constant 0 : index
      %get3A_169 = tpu.vector_load %arg8[%get3A_168] {strides = array<i32>} : memref<16xf32, #tpu.memory_space<vmem>>, vector<16xf32>,
      %gt3A_170 = arith.cmpf ogt, %get3A_167, %get3A_169 : vector<16xf32>
      %all_reduce_population_count3A_171 = tpu.all_reduce %gt3A_170 {dim = 0 : i64, kind = #tpu.reduction_kind<sum>} : vector<16xi1> -> vector<16xi32>
      %slice3A_172 = vector.extract_strided_slice %all_reduce_population_count3A_171 {offsets = [0], sizes = [1], strides = [1]} : vector<16xi32> to vector<1xi32>
      %squeeze3A_173 = vector.extract %slice3A_172[0] : i32 from vector<1xi32>
      %gt3A_174 = arith.constant 0 : i32
      %gt3A_175 = arith.cmpi sgt, %squeeze3A_173, %gt3A_174 : i32
      %convert_element_type3A_176 = arith.extui %gt3A_175 : i1 to i32
      %cond3A_177 = arith.constant 0 : i32
      %cond3A_178 = arith.cmpi ne, %convert_element_type3A_176, %cond3A_177 : i32
      scf.if %cond3A_178 {
        %add3A_334 = arith.constant 99888 : i32
        %add3A_335 = vector.broadcast %add3A_334 : i32 to vector<16xi32>
        %add3A_336 = arith.addi %iota3A, %add3A_335 : vector<16xi32>
        %masked_sort3A = arith.constant dense<true> : vector<16xi1>
        %masked_sort3A_337, %masked_sort3A_338, %masked_sort3A_339 = tpu.sort %get3A_167, %add3A_336 masked %masked_sort3A : (vector<16xf32>, vector<16xi32>, vector<16xi1>) -> (vector<16xi1>, vector<16xf32>, vector<16xi32>)
        %rev3A = arith.constant 15 : i32
        %rev3A_340 = vector.broadcast %rev3A : i32 to vector<16xi32>
        %rev3A_341 = tpu.iota {dimensions = array<i32: 0>} : vector<16xi32>
        %rev3A_342 = arith.subi %rev3A_340, %rev3A_341 : vector<16xi32>
        %rev3A_343 = tpu.dynamic_gather %masked_sort3A_338[%rev3A_342] in [0] : vector<16xf32>, vector<16xi32> -> vector<16xf32>
        %rev3A_344 = arith.constant 15 : i32
        %rev3A_345 = vector.broadcast %rev3A_344 : i32 to vector<16xi32>
        %rev3A_346 = tpu.iota {dimensions = array<i32: 0>} : vector<16xi32>
        %rev3A_347 = arith.subi %rev3A_345, %rev3A_346 : vector<16xi32>
        %rev3A_348 = tpu.dynamic_gather %masked_sort3A_339[%rev3A_347] in [0] : vector<16xi32>, vector<16xi32> -> vector<16xi32>
        %get3A_349 = arith.constant 0 : index
        %get3A_350 = tpu.vector_load %arg6[%get3A_349] {strides = array<i32>} : memref<32xf32, #tpu.memory_space<vmem>>, vector<16xf32>,
        %get3A_351 = arith.constant 0 : index
        %get3A_352 = tpu.vector_load %arg7[%get3A_351] {strides = array<i32>} : memref<32xi32, #tpu.memory_space<vmem>>, vector<16xi32>,
        %get3A_353 = arith.constant 16 : index
        %get3A_354 = tpu.vector_load %arg6[%get3A_353] {strides = array<i32>} : memref<32xf32, #tpu.memory_space<vmem>>, vector<16xf32>,
        %get3A_355 = arith.constant 16 : index
        %get3A_356 = tpu.vector_load %arg7[%get3A_355] {strides = array<i32>} : memref<32xi32, #tpu.memory_space<vmem>>, vector<16xi32>,
        %gt3A_357 = arith.cmpf ogt, %rev3A_343, %get3A_350 : vector<16xf32>
        %select_n3A = arith.select %gt3A_357, %rev3A_343, %get3A_350 : vector<16xi1>, vector<16xf32>
        %select_n3A_358 = arith.select %gt3A_357, %rev3A_348, %get3A_352 : vector<16xi1>, vector<16xi32>
        %gt3A_359 = arith.cmpf ogt, %select_n3A, %get3A_354 : vector<16xf32>
        %select_n3A_360 = arith.select %gt3A_359, %get3A_354, %select_n3A : vector<16xi1>, vector<16xf32>
        %select_n3A_361 = arith.select %gt3A_359, %get3A_356, %select_n3A_358 : vector<16xi1>, vector<16xi32>
        %select_n3A_362 = arith.select %gt3A_359, %select_n3A, %get3A_354 : vector<16xi1>, vector<16xf32>
        %select_n3A_363 = arith.select %gt3A_359, %select_n3A_358, %get3A_356 : vector<16xi1>, vector<16xi32>
        %masked_sort3A_364 = arith.constant dense<true> : vector<16xi1>
        %masked_sort3A_365, %masked_sort3A_366, %masked_sort3A_367 = tpu.sort %select_n3A_360, %select_n3A_361 masked %masked_sort3A_364 : (vector<16xf32>, vector<16xi32>, vector<16xi1>) -> (vector<16xi1>, vector<16xf32>, vector<16xi32>)
        %masked_sort3A_368 = arith.constant dense<true> : vector<16xi1>
        %masked_sort3A_369, %masked_sort3A_370, %masked_sort3A_371 = tpu.sort %select_n3A_362, %select_n3A_363 masked %masked_sort3A_368 : (vector<16xf32>, vector<16xi32>, vector<16xi1>) -> (vector<16xi1>, vector<16xf32>, vector<16xi32>)
        %swap3A_372 = arith.constant 0 : index
        %swap3A_373 = tpu.vector_load %arg6[%swap3A_372] {strides = array<i32>} : memref<32xf32, #tpu.memory_space<vmem>>, vector<16xf32>,
        tpu.vector_store %arg6[%swap3A_372], %masked_sort3A_366 {strides = array<i32>} : memref<32xf32, #tpu.memory_space<vmem>>, vector<16xf32>,
        %swap3A_374 = arith.constant 0 : index
        %swap3A_375 = tpu.vector_load %arg7[%swap3A_374] {strides = array<i32>} : memref<32xi32, #tpu.memory_space<vmem>>, vector<16xi32>,
        tpu.vector_store %arg7[%swap3A_374], %masked_sort3A_367 {strides = array<i32>} : memref<32xi32, #tpu.memory_space<vmem>>, vector<16xi32>,
        %swap3A_376 = arith.constant 16 : index
        %swap3A_377 = tpu.vector_load %arg6[%swap3A_376] {strides = array<i32>} : memref<32xf32, #tpu.memory_space<vmem>>, vector<16xf32>,
        tpu.vector_store %arg6[%swap3A_376], %masked_sort3A_370 {strides = array<i32>} : memref<32xf32, #tpu.memory_space<vmem>>, vector<16xf32>,
        %swap3A_378 = arith.constant 16 : index
        %swap3A_379 = tpu.vector_load %arg7[%swap3A_378] {strides = array<i32>} : memref<32xi32, #tpu.memory_space<vmem>>, vector<16xi32>,
        tpu.vector_store %arg7[%swap3A_378], %masked_sort3A_371 {strides = array<i32>} : memref<32xi32, #tpu.memory_space<vmem>>, vector<16xi32>,
        %reshape3A_380 = vector.shape_cast %broadcast_in_dim3A_3 : vector<16xi32> to vector<16x1xi32>
        %gather3A_381 = vector.shape_cast %reshape3A_380 : vector<16x1xi32> to vector<16xi32>
        %gather3A_382 = tpu.dynamic_gather %masked_sort3A_366[%gather3A_381] in [0] : vector<16xf32>, vector<16xi32> -> vector<16xf32>
        %swap3A_383 = arith.constant 0 : index
        %swap3A_384 = tpu.vector_load %arg8[%swap3A_383] {strides = array<i32>} : memref<16xf32, #tpu.memory_space<vmem>>, vector<16xf32>,
        tpu.vector_store %arg8[%swap3A_383], %gather3A_382 {strides = array<i32>} : memref<16xf32, #tpu.memory_space<vmem>>, vector<16xf32>,
      } else {
      }
      %get3A_179 = arith.constant 99904 : index
      %get3A_180 = tpu.vector_load %arg5[%get3A_179] {strides = array<i32>} : memref<100000xf32, #tpu.memory_space<vmem>>, vector<16xf32>,
      %get3A_181 = arith.constant 0 : index
      %get3A_182 = tpu.vector_load %arg8[%get3A_181] {strides = array<i32>} : memref<16xf32, #tpu.memory_space<vmem>>, vector<16xf32>,
      %gt3A_183 = arith.cmpf ogt, %get3A_180, %get3A_182 : vector<16xf32>
      %all_reduce_population_count3A_184 = tpu.all_reduce %gt3A_183 {dim = 0 : i64, kind = #tpu.reduction_kind<sum>} : vector<16xi1> -> vector<16xi32>
      %slice3A_185 = vector.extract_strided_slice %all_reduce_population_count3A_184 {offsets = [0], sizes = [1], strides = [1]} : vector<16xi32> to vector<1xi32>
      %squeeze3A_186 = vector.extract %slice3A_185[0] : i32 from vector<1xi32>
      %gt3A_187 = arith.constant 0 : i32
      %gt3A_188 = arith.cmpi sgt, %squeeze3A_186, %gt3A_187 : i32
      %convert_element_type3A_189 = arith.extui %gt3A_188 : i1 to i32
      %cond3A_190 = arith.constant 0 : i32
      %cond3A_191 = arith.cmpi ne, %convert_element_type3A_189, %cond3A_190 : i32
      scf.if %cond3A_191 {
        %add3A_334 = arith.constant 99904 : i32
        %add3A_335 = vector.broadcast %add3A_334 : i32 to vector<16xi32>
        %add3A_336 = arith.addi %iota3A, %add3A_335 : vector<16xi32>
        %masked_sort3A = arith.constant dense<true> : vector<16xi1>
        %masked_sort3A_337, %masked_sort3A_338, %masked_sort3A_339 = tpu.sort %get3A_180, %add3A_336 masked %masked_sort3A : (vector<16xf32>, vector<16xi32>, vector<16xi1>) -> (vector<16xi1>, vector<16xf32>, vector<16xi32>)
        %rev3A = arith.constant 15 : i32
        %rev3A_340 = vector.broadcast %rev3A : i32 to vector<16xi32>
        %rev3A_341 = tpu.iota {dimensions = array<i32: 0>} : vector<16xi32>
        %rev3A_342 = arith.subi %rev3A_340, %rev3A_341 : vector<16xi32>
        %rev3A_343 = tpu.dynamic_gather %masked_sort3A_338[%rev3A_342] in [0] : vector<16xf32>, vector<16xi32> -> vector<16xf32>
        %rev3A_344 = arith.constant 15 : i32
        %rev3A_345 = vector.broadcast %rev3A_344 : i32 to vector<16xi32>
        %rev3A_346 = tpu.iota {dimensions = array<i32: 0>} : vector<16xi32>
        %rev3A_347 = arith.subi %rev3A_345, %rev3A_346 : vector<16xi32>
        %rev3A_348 = tpu.dynamic_gather %masked_sort3A_339[%rev3A_347] in [0] : vector<16xi32>, vector<16xi32> -> vector<16xi32>
        %get3A_349 = arith.constant 0 : index
        %get3A_350 = tpu.vector_load %arg6[%get3A_349] {strides = array<i32>} : memref<32xf32, #tpu.memory_space<vmem>>, vector<16xf32>,
        %get3A_351 = arith.constant 0 : index
        %get3A_352 = tpu.vector_load %arg7[%get3A_351] {strides = array<i32>} : memref<32xi32, #tpu.memory_space<vmem>>, vector<16xi32>,
        %get3A_353 = arith.constant 16 : index
        %get3A_354 = tpu.vector_load %arg6[%get3A_353] {strides = array<i32>} : memref<32xf32, #tpu.memory_space<vmem>>, vector<16xf32>,
        %get3A_355 = arith.constant 16 : index
        %get3A_356 = tpu.vector_load %arg7[%get3A_355] {strides = array<i32>} : memref<32xi32, #tpu.memory_space<vmem>>, vector<16xi32>,
        %gt3A_357 = arith.cmpf ogt, %rev3A_343, %get3A_350 : vector<16xf32>
        %select_n3A = arith.select %gt3A_357, %rev3A_343, %get3A_350 : vector<16xi1>, vector<16xf32>
        %select_n3A_358 = arith.select %gt3A_357, %rev3A_348, %get3A_352 : vector<16xi1>, vector<16xi32>
        %gt3A_359 = arith.cmpf ogt, %select_n3A, %get3A_354 : vector<16xf32>
        %select_n3A_360 = arith.select %gt3A_359, %get3A_354, %select_n3A : vector<16xi1>, vector<16xf32>
        %select_n3A_361 = arith.select %gt3A_359, %get3A_356, %select_n3A_358 : vector<16xi1>, vector<16xi32>
        %select_n3A_362 = arith.select %gt3A_359, %select_n3A, %get3A_354 : vector<16xi1>, vector<16xf32>
        %select_n3A_363 = arith.select %gt3A_359, %select_n3A_358, %get3A_356 : vector<16xi1>, vector<16xi32>
        %masked_sort3A_364 = arith.constant dense<true> : vector<16xi1>
        %masked_sort3A_365, %masked_sort3A_366, %masked_sort3A_367 = tpu.sort %select_n3A_360, %select_n3A_361 masked %masked_sort3A_364 : (vector<16xf32>, vector<16xi32>, vector<16xi1>) -> (vector<16xi1>, vector<16xf32>, vector<16xi32>)
        %masked_sort3A_368 = arith.constant dense<true> : vector<16xi1>
        %masked_sort3A_369, %masked_sort3A_370, %masked_sort3A_371 = tpu.sort %select_n3A_362, %select_n3A_363 masked %masked_sort3A_368 : (vector<16xf32>, vector<16xi32>, vector<16xi1>) -> (vector<16xi1>, vector<16xf32>, vector<16xi32>)
        %swap3A_372 = arith.constant 0 : index
        %swap3A_373 = tpu.vector_load %arg6[%swap3A_372] {strides = array<i32>} : memref<32xf32, #tpu.memory_space<vmem>>, vector<16xf32>,
        tpu.vector_store %arg6[%swap3A_372], %masked_sort3A_366 {strides = array<i32>} : memref<32xf32, #tpu.memory_space<vmem>>, vector<16xf32>,
        %swap3A_374 = arith.constant 0 : index
        %swap3A_375 = tpu.vector_load %arg7[%swap3A_374] {strides = array<i32>} : memref<32xi32, #tpu.memory_space<vmem>>, vector<16xi32>,
        tpu.vector_store %arg7[%swap3A_374], %masked_sort3A_367 {strides = array<i32>} : memref<32xi32, #tpu.memory_space<vmem>>, vector<16xi32>,
        %swap3A_376 = arith.constant 16 : index
        %swap3A_377 = tpu.vector_load %arg6[%swap3A_376] {strides = array<i32>} : memref<32xf32, #tpu.memory_space<vmem>>, vector<16xf32>,
        tpu.vector_store %arg6[%swap3A_376], %masked_sort3A_370 {strides = array<i32>} : memref<32xf32, #tpu.memory_space<vmem>>, vector<16xf32>,
        %swap3A_378 = arith.constant 16 : index
        %swap3A_379 = tpu.vector_load %arg7[%swap3A_378] {strides = array<i32>} : memref<32xi32, #tpu.memory_space<vmem>>, vector<16xi32>,
        tpu.vector_store %arg7[%swap3A_378], %masked_sort3A_371 {strides = array<i32>} : memref<32xi32, #tpu.memory_space<vmem>>, vector<16xi32>,
        %reshape3A_380 = vector.shape_cast %broadcast_in_dim3A_3 : vector<16xi32> to vector<16x1xi32>
        %gather3A_381 = vector.shape_cast %reshape3A_380 : vector<16x1xi32> to vector<16xi32>
        %gather3A_382 = tpu.dynamic_gather %masked_sort3A_366[%gather3A_381] in [0] : vector<16xf32>, vector<16xi32> -> vector<16xf32>
        %swap3A_383 = arith.constant 0 : index
        %swap3A_384 = tpu.vector_load %arg8[%swap3A_383] {strides = array<i32>} : memref<16xf32, #tpu.memory_space<vmem>>, vector<16xf32>,
        tpu.vector_store %arg8[%swap3A_383], %gather3A_382 {strides = array<i32>} : memref<16xf32, #tpu.memory_space<vmem>>, vector<16xf32>,
      } else {
      }
      %get3A_192 = arith.constant 99920 : index
      %get3A_193 = tpu.vector_load %arg5[%get3A_192] {strides = array<i32>} : memref<100000xf32, #tpu.memory_space<vmem>>, vector<16xf32>,
      %get3A_194 = arith.constant 0 : index
      %get3A_195 = tpu.vector_load %arg8[%get3A_194] {strides = array<i32>} : memref<16xf32, #tpu.memory_space<vmem>>, vector<16xf32>,
      %gt3A_196 = arith.cmpf ogt, %get3A_193, %get3A_195 : vector<16xf32>
      %all_reduce_population_count3A_197 = tpu.all_reduce %gt3A_196 {dim = 0 : i64, kind = #tpu.reduction_kind<sum>} : vector<16xi1> -> vector<16xi32>
      %slice3A_198 = vector.extract_strided_slice %all_reduce_population_count3A_197 {offsets = [0], sizes = [1], strides = [1]} : vector<16xi32> to vector<1xi32>
      %squeeze3A_199 = vector.extract %slice3A_198[0] : i32 from vector<1xi32>
      %gt3A_200 = arith.constant 0 : i32
      %gt3A_201 = arith.cmpi sgt, %squeeze3A_199, %gt3A_200 : i32
      %convert_element_type3A_202 = arith.extui %gt3A_201 : i1 to i32
      %cond3A_203 = arith.constant 0 : i32
      %cond3A_204 = arith.cmpi ne, %convert_element_type3A_202, %cond3A_203 : i32
      scf.if %cond3A_204 {
        %add3A_334 = arith.constant 99920 : i32
        %add3A_335 = vector.broadcast %add3A_334 : i32 to vector<16xi32>
        %add3A_336 = arith.addi %iota3A, %add3A_335 : vector<16xi32>
        %masked_sort3A = arith.constant dense<true> : vector<16xi1>
        %masked_sort3A_337, %masked_sort3A_338, %masked_sort3A_339 = tpu.sort %get3A_193, %add3A_336 masked %masked_sort3A : (vector<16xf32>, vector<16xi32>, vector<16xi1>) -> (vector<16xi1>, vector<16xf32>, vector<16xi32>)
        %rev3A = arith.constant 15 : i32
        %rev3A_340 = vector.broadcast %rev3A : i32 to vector<16xi32>
        %rev3A_341 = tpu.iota {dimensions = array<i32: 0>} : vector<16xi32>
        %rev3A_342 = arith.subi %rev3A_340, %rev3A_341 : vector<16xi32>
        %rev3A_343 = tpu.dynamic_gather %masked_sort3A_338[%rev3A_342] in [0] : vector<16xf32>, vector<16xi32> -> vector<16xf32>
        %rev3A_344 = arith.constant 15 : i32
        %rev3A_345 = vector.broadcast %rev3A_344 : i32 to vector<16xi32>
        %rev3A_346 = tpu.iota {dimensions = array<i32: 0>} : vector<16xi32>
        %rev3A_347 = arith.subi %rev3A_345, %rev3A_346 : vector<16xi32>
        %rev3A_348 = tpu.dynamic_gather %masked_sort3A_339[%rev3A_347] in [0] : vector<16xi32>, vector<16xi32> -> vector<16xi32>
        %get3A_349 = arith.constant 0 : index
        %get3A_350 = tpu.vector_load %arg6[%get3A_349] {strides = array<i32>} : memref<32xf32, #tpu.memory_space<vmem>>, vector<16xf32>,
        %get3A_351 = arith.constant 0 : index
        %get3A_352 = tpu.vector_load %arg7[%get3A_351] {strides = array<i32>} : memref<32xi32, #tpu.memory_space<vmem>>, vector<16xi32>,
        %get3A_353 = arith.constant 16 : index
        %get3A_354 = tpu.vector_load %arg6[%get3A_353] {strides = array<i32>} : memref<32xf32, #tpu.memory_space<vmem>>, vector<16xf32>,
        %get3A_355 = arith.constant 16 : index
        %get3A_356 = tpu.vector_load %arg7[%get3A_355] {strides = array<i32>} : memref<32xi32, #tpu.memory_space<vmem>>, vector<16xi32>,
        %gt3A_357 = arith.cmpf ogt, %rev3A_343, %get3A_350 : vector<16xf32>
        %select_n3A = arith.select %gt3A_357, %rev3A_343, %get3A_350 : vector<16xi1>, vector<16xf32>
        %select_n3A_358 = arith.select %gt3A_357, %rev3A_348, %get3A_352 : vector<16xi1>, vector<16xi32>
        %gt3A_359 = arith.cmpf ogt, %select_n3A, %get3A_354 : vector<16xf32>
        %select_n3A_360 = arith.select %gt3A_359, %get3A_354, %select_n3A : vector<16xi1>, vector<16xf32>
        %select_n3A_361 = arith.select %gt3A_359, %get3A_356, %select_n3A_358 : vector<16xi1>, vector<16xi32>
        %select_n3A_362 = arith.select %gt3A_359, %select_n3A, %get3A_354 : vector<16xi1>, vector<16xf32>
        %select_n3A_363 = arith.select %gt3A_359, %select_n3A_358, %get3A_356 : vector<16xi1>, vector<16xi32>
        %masked_sort3A_364 = arith.constant dense<true> : vector<16xi1>
        %masked_sort3A_365, %masked_sort3A_366, %masked_sort3A_367 = tpu.sort %select_n3A_360, %select_n3A_361 masked %masked_sort3A_364 : (vector<16xf32>, vector<16xi32>, vector<16xi1>) -> (vector<16xi1>, vector<16xf32>, vector<16xi32>)
        %masked_sort3A_368 = arith.constant dense<true> : vector<16xi1>
        %masked_sort3A_369, %masked_sort3A_370, %masked_sort3A_371 = tpu.sort %select_n3A_362, %select_n3A_363 masked %masked_sort3A_368 : (vector<16xf32>, vector<16xi32>, vector<16xi1>) -> (vector<16xi1>, vector<16xf32>, vector<16xi32>)
        %swap3A_372 = arith.constant 0 : index
        %swap3A_373 = tpu.vector_load %arg6[%swap3A_372] {strides = array<i32>} : memref<32xf32, #tpu.memory_space<vmem>>, vector<16xf32>,
        tpu.vector_store %arg6[%swap3A_372], %masked_sort3A_366 {strides = array<i32>} : memref<32xf32, #tpu.memory_space<vmem>>, vector<16xf32>,
        %swap3A_374 = arith.constant 0 : index
        %swap3A_375 = tpu.vector_load %arg7[%swap3A_374] {strides = array<i32>} : memref<32xi32, #tpu.memory_space<vmem>>, vector<16xi32>,
        tpu.vector_store %arg7[%swap3A_374], %masked_sort3A_367 {strides = array<i32>} : memref<32xi32, #tpu.memory_space<vmem>>, vector<16xi32>,
        %swap3A_376 = arith.constant 16 : index
        %swap3A_377 = tpu.vector_load %arg6[%swap3A_376] {strides = array<i32>} : memref<32xf32, #tpu.memory_space<vmem>>, vector<16xf32>,
        tpu.vector_store %arg6[%swap3A_376], %masked_sort3A_370 {strides = array<i32>} : memref<32xf32, #tpu.memory_space<vmem>>, vector<16xf32>,
        %swap3A_378 = arith.constant 16 : index
        %swap3A_379 = tpu.vector_load %arg7[%swap3A_378] {strides = array<i32>} : memref<32xi32, #tpu.memory_space<vmem>>, vector<16xi32>,
        tpu.vector_store %arg7[%swap3A_378], %masked_sort3A_371 {strides = array<i32>} : memref<32xi32, #tpu.memory_space<vmem>>, vector<16xi32>,
        %reshape3A_380 = vector.shape_cast %broadcast_in_dim3A_3 : vector<16xi32> to vector<16x1xi32>
        %gather3A_381 = vector.shape_cast %reshape3A_380 : vector<16x1xi32> to vector<16xi32>
        %gather3A_382 = tpu.dynamic_gather %masked_sort3A_366[%gather3A_381] in [0] : vector<16xf32>, vector<16xi32> -> vector<16xf32>
        %swap3A_383 = arith.constant 0 : index
        %swap3A_384 = tpu.vector_load %arg8[%swap3A_383] {strides = array<i32>} : memref<16xf32, #tpu.memory_space<vmem>>, vector<16xf32>,
        tpu.vector_store %arg8[%swap3A_383], %gather3A_382 {strides = array<i32>} : memref<16xf32, #tpu.memory_space<vmem>>, vector<16xf32>,
      } else {
      }
      %get3A_205 = arith.constant 99936 : index
      %get3A_206 = tpu.vector_load %arg5[%get3A_205] {strides = array<i32>} : memref<100000xf32, #tpu.memory_space<vmem>>, vector<16xf32>,
      %get3A_207 = arith.constant 0 : index
      %get3A_208 = tpu.vector_load %arg8[%get3A_207] {strides = array<i32>} : memref<16xf32, #tpu.memory_space<vmem>>, vector<16xf32>,
      %gt3A_209 = arith.cmpf ogt, %get3A_206, %get3A_208 : vector<16xf32>
      %all_reduce_population_count3A_210 = tpu.all_reduce %gt3A_209 {dim = 0 : i64, kind = #tpu.reduction_kind<sum>} : vector<16xi1> -> vector<16xi32>
      %slice3A_211 = vector.extract_strided_slice %all_reduce_population_count3A_210 {offsets = [0], sizes = [1], strides = [1]} : vector<16xi32> to vector<1xi32>
      %squeeze3A_212 = vector.extract %slice3A_211[0] : i32 from vector<1xi32>
      %gt3A_213 = arith.constant 0 : i32
      %gt3A_214 = arith.cmpi sgt, %squeeze3A_212, %gt3A_213 : i32
      %convert_element_type3A_215 = arith.extui %gt3A_214 : i1 to i32
      %cond3A_216 = arith.constant 0 : i32
      %cond3A_217 = arith.cmpi ne, %convert_element_type3A_215, %cond3A_216 : i32
      scf.if %cond3A_217 {
        %add3A_334 = arith.constant 99936 : i32
        %add3A_335 = vector.broadcast %add3A_334 : i32 to vector<16xi32>
        %add3A_336 = arith.addi %iota3A, %add3A_335 : vector<16xi32>
        %masked_sort3A = arith.constant dense<true> : vector<16xi1>
        %masked_sort3A_337, %masked_sort3A_338, %masked_sort3A_339 = tpu.sort %get3A_206, %add3A_336 masked %masked_sort3A : (vector<16xf32>, vector<16xi32>, vector<16xi1>) -> (vector<16xi1>, vector<16xf32>, vector<16xi32>)
        %rev3A = arith.constant 15 : i32
        %rev3A_340 = vector.broadcast %rev3A : i32 to vector<16xi32>
        %rev3A_341 = tpu.iota {dimensions = array<i32: 0>} : vector<16xi32>
        %rev3A_342 = arith.subi %rev3A_340, %rev3A_341 : vector<16xi32>
        %rev3A_343 = tpu.dynamic_gather %masked_sort3A_338[%rev3A_342] in [0] : vector<16xf32>, vector<16xi32> -> vector<16xf32>
        %rev3A_344 = arith.constant 15 : i32
        %rev3A_345 = vector.broadcast %rev3A_344 : i32 to vector<16xi32>
        %rev3A_346 = tpu.iota {dimensions = array<i32: 0>} : vector<16xi32>
        %rev3A_347 = arith.subi %rev3A_345, %rev3A_346 : vector<16xi32>
        %rev3A_348 = tpu.dynamic_gather %masked_sort3A_339[%rev3A_347] in [0] : vector<16xi32>, vector<16xi32> -> vector<16xi32>
        %get3A_349 = arith.constant 0 : index
        %get3A_350 = tpu.vector_load %arg6[%get3A_349] {strides = array<i32>} : memref<32xf32, #tpu.memory_space<vmem>>, vector<16xf32>,
        %get3A_351 = arith.constant 0 : index
        %get3A_352 = tpu.vector_load %arg7[%get3A_351] {strides = array<i32>} : memref<32xi32, #tpu.memory_space<vmem>>, vector<16xi32>,
        %get3A_353 = arith.constant 16 : index
        %get3A_354 = tpu.vector_load %arg6[%get3A_353] {strides = array<i32>} : memref<32xf32, #tpu.memory_space<vmem>>, vector<16xf32>,
        %get3A_355 = arith.constant 16 : index
        %get3A_356 = tpu.vector_load %arg7[%get3A_355] {strides = array<i32>} : memref<32xi32, #tpu.memory_space<vmem>>, vector<16xi32>,
        %gt3A_357 = arith.cmpf ogt, %rev3A_343, %get3A_350 : vector<16xf32>
        %select_n3A = arith.select %gt3A_357, %rev3A_343, %get3A_350 : vector<16xi1>, vector<16xf32>
        %select_n3A_358 = arith.select %gt3A_357, %rev3A_348, %get3A_352 : vector<16xi1>, vector<16xi32>
        %gt3A_359 = arith.cmpf ogt, %select_n3A, %get3A_354 : vector<16xf32>
        %select_n3A_360 = arith.select %gt3A_359, %get3A_354, %select_n3A : vector<16xi1>, vector<16xf32>
        %select_n3A_361 = arith.select %gt3A_359, %get3A_356, %select_n3A_358 : vector<16xi1>, vector<16xi32>
        %select_n3A_362 = arith.select %gt3A_359, %select_n3A, %get3A_354 : vector<16xi1>, vector<16xf32>
        %select_n3A_363 = arith.select %gt3A_359, %select_n3A_358, %get3A_356 : vector<16xi1>, vector<16xi32>
        %masked_sort3A_364 = arith.constant dense<true> : vector<16xi1>
        %masked_sort3A_365, %masked_sort3A_366, %masked_sort3A_367 = tpu.sort %select_n3A_360, %select_n3A_361 masked %masked_sort3A_364 : (vector<16xf32>, vector<16xi32>, vector<16xi1>) -> (vector<16xi1>, vector<16xf32>, vector<16xi32>)
        %masked_sort3A_368 = arith.constant dense<true> : vector<16xi1>
        %masked_sort3A_369, %masked_sort3A_370, %masked_sort3A_371 = tpu.sort %select_n3A_362, %select_n3A_363 masked %masked_sort3A_368 : (vector<16xf32>, vector<16xi32>, vector<16xi1>) -> (vector<16xi1>, vector<16xf32>, vector<16xi32>)
        %swap3A_372 = arith.constant 0 : index
        %swap3A_373 = tpu.vector_load %arg6[%swap3A_372] {strides = array<i32>} : memref<32xf32, #tpu.memory_space<vmem>>, vector<16xf32>,
        tpu.vector_store %arg6[%swap3A_372], %masked_sort3A_366 {strides = array<i32>} : memref<32xf32, #tpu.memory_space<vmem>>, vector<16xf32>,
        %swap3A_374 = arith.constant 0 : index
        %swap3A_375 = tpu.vector_load %arg7[%swap3A_374] {strides = array<i32>} : memref<32xi32, #tpu.memory_space<vmem>>, vector<16xi32>,
        tpu.vector_store %arg7[%swap3A_374], %masked_sort3A_367 {strides = array<i32>} : memref<32xi32, #tpu.memory_space<vmem>>, vector<16xi32>,
        %swap3A_376 = arith.constant 16 : index
        %swap3A_377 = tpu.vector_load %arg6[%swap3A_376] {strides = array<i32>} : memref<32xf32, #tpu.memory_space<vmem>>, vector<16xf32>,
        tpu.vector_store %arg6[%swap3A_376], %masked_sort3A_370 {strides = array<i32>} : memref<32xf32, #tpu.memory_space<vmem>>, vector<16xf32>,
        %swap3A_378 = arith.constant 16 : index
        %swap3A_379 = tpu.vector_load %arg7[%swap3A_378] {strides = array<i32>} : memref<32xi32, #tpu.memory_space<vmem>>, vector<16xi32>,
        tpu.vector_store %arg7[%swap3A_378], %masked_sort3A_371 {strides = array<i32>} : memref<32xi32, #tpu.memory_space<vmem>>, vector<16xi32>,
        %reshape3A_380 = vector.shape_cast %broadcast_in_dim3A_3 : vector<16xi32> to vector<16x1xi32>
        %gather3A_381 = vector.shape_cast %reshape3A_380 : vector<16x1xi32> to vector<16xi32>
        %gather3A_382 = tpu.dynamic_gather %masked_sort3A_366[%gather3A_381] in [0] : vector<16xf32>, vector<16xi32> -> vector<16xf32>
        %swap3A_383 = arith.constant 0 : index
        %swap3A_384 = tpu.vector_load %arg8[%swap3A_383] {strides = array<i32>} : memref<16xf32, #tpu.memory_space<vmem>>, vector<16xf32>,
        tpu.vector_store %arg8[%swap3A_383], %gather3A_382 {strides = array<i32>} : memref<16xf32, #tpu.memory_space<vmem>>, vector<16xf32>,
      } else {
      }
      %get3A_218 = arith.constant 99952 : index
      %get3A_219 = tpu.vector_load %arg5[%get3A_218] {strides = array<i32>} : memref<100000xf32, #tpu.memory_space<vmem>>, vector<16xf32>,
      %get3A_220 = arith.constant 0 : index
      %get3A_221 = tpu.vector_load %arg8[%get3A_220] {strides = array<i32>} : memref<16xf32, #tpu.memory_space<vmem>>, vector<16xf32>,
      %gt3A_222 = arith.cmpf ogt, %get3A_219, %get3A_221 : vector<16xf32>
      %all_reduce_population_count3A_223 = tpu.all_reduce %gt3A_222 {dim = 0 : i64, kind = #tpu.reduction_kind<sum>} : vector<16xi1> -> vector<16xi32>
      %slice3A_224 = vector.extract_strided_slice %all_reduce_population_count3A_223 {offsets = [0], sizes = [1], strides = [1]} : vector<16xi32> to vector<1xi32>
      %squeeze3A_225 = vector.extract %slice3A_224[0] : i32 from vector<1xi32>
      %gt3A_226 = arith.constant 0 : i32
      %gt3A_227 = arith.cmpi sgt, %squeeze3A_225, %gt3A_226 : i32
      %convert_element_type3A_228 = arith.extui %gt3A_227 : i1 to i32
      %cond3A_229 = arith.constant 0 : i32
      %cond3A_230 = arith.cmpi ne, %convert_element_type3A_228, %cond3A_229 : i32
      scf.if %cond3A_230 {
        %add3A_334 = arith.constant 99952 : i32
        %add3A_335 = vector.broadcast %add3A_334 : i32 to vector<16xi32>
        %add3A_336 = arith.addi %iota3A, %add3A_335 : vector<16xi32>
        %masked_sort3A = arith.constant dense<true> : vector<16xi1>
        %masked_sort3A_337, %masked_sort3A_338, %masked_sort3A_339 = tpu.sort %get3A_219, %add3A_336 masked %masked_sort3A : (vector<16xf32>, vector<16xi32>, vector<16xi1>) -> (vector<16xi1>, vector<16xf32>, vector<16xi32>)
        %rev3A = arith.constant 15 : i32
        %rev3A_340 = vector.broadcast %rev3A : i32 to vector<16xi32>
        %rev3A_341 = tpu.iota {dimensions = array<i32: 0>} : vector<16xi32>
        %rev3A_342 = arith.subi %rev3A_340, %rev3A_341 : vector<16xi32>
        %rev3A_343 = tpu.dynamic_gather %masked_sort3A_338[%rev3A_342] in [0] : vector<16xf32>, vector<16xi32> -> vector<16xf32>
        %rev3A_344 = arith.constant 15 : i32
        %rev3A_345 = vector.broadcast %rev3A_344 : i32 to vector<16xi32>
        %rev3A_346 = tpu.iota {dimensions = array<i32: 0>} : vector<16xi32>
        %rev3A_347 = arith.subi %rev3A_345, %rev3A_346 : vector<16xi32>
        %rev3A_348 = tpu.dynamic_gather %masked_sort3A_339[%rev3A_347] in [0] : vector<16xi32>, vector<16xi32> -> vector<16xi32>
        %get3A_349 = arith.constant 0 : index
        %get3A_350 = tpu.vector_load %arg6[%get3A_349] {strides = array<i32>} : memref<32xf32, #tpu.memory_space<vmem>>, vector<16xf32>,
        %get3A_351 = arith.constant 0 : index
        %get3A_352 = tpu.vector_load %arg7[%get3A_351] {strides = array<i32>} : memref<32xi32, #tpu.memory_space<vmem>>, vector<16xi32>,
        %get3A_353 = arith.constant 16 : index
        %get3A_354 = tpu.vector_load %arg6[%get3A_353] {strides = array<i32>} : memref<32xf32, #tpu.memory_space<vmem>>, vector<16xf32>,
        %get3A_355 = arith.constant 16 : index
        %get3A_356 = tpu.vector_load %arg7[%get3A_355] {strides = array<i32>} : memref<32xi32, #tpu.memory_space<vmem>>, vector<16xi32>,
        %gt3A_357 = arith.cmpf ogt, %rev3A_343, %get3A_350 : vector<16xf32>
        %select_n3A = arith.select %gt3A_357, %rev3A_343, %get3A_350 : vector<16xi1>, vector<16xf32>
        %select_n3A_358 = arith.select %gt3A_357, %rev3A_348, %get3A_352 : vector<16xi1>, vector<16xi32>
        %gt3A_359 = arith.cmpf ogt, %select_n3A, %get3A_354 : vector<16xf32>
        %select_n3A_360 = arith.select %gt3A_359, %get3A_354, %select_n3A : vector<16xi1>, vector<16xf32>
        %select_n3A_361 = arith.select %gt3A_359, %get3A_356, %select_n3A_358 : vector<16xi1>, vector<16xi32>
        %select_n3A_362 = arith.select %gt3A_359, %select_n3A, %get3A_354 : vector<16xi1>, vector<16xf32>
        %select_n3A_363 = arith.select %gt3A_359, %select_n3A_358, %get3A_356 : vector<16xi1>, vector<16xi32>
        %masked_sort3A_364 = arith.constant dense<true> : vector<16xi1>
        %masked_sort3A_365, %masked_sort3A_366, %masked_sort3A_367 = tpu.sort %select_n3A_360, %select_n3A_361 masked %masked_sort3A_364 : (vector<16xf32>, vector<16xi32>, vector<16xi1>) -> (vector<16xi1>, vector<16xf32>, vector<16xi32>)
        %masked_sort3A_368 = arith.constant dense<true> : vector<16xi1>
        %masked_sort3A_369, %masked_sort3A_370, %masked_sort3A_371 = tpu.sort %select_n3A_362, %select_n3A_363 masked %masked_sort3A_368 : (vector<16xf32>, vector<16xi32>, vector<16xi1>) -> (vector<16xi1>, vector<16xf32>, vector<16xi32>)
        %swap3A_372 = arith.constant 0 : index
        %swap3A_373 = tpu.vector_load %arg6[%swap3A_372] {strides = array<i32>} : memref<32xf32, #tpu.memory_space<vmem>>, vector<16xf32>,
        tpu.vector_store %arg6[%swap3A_372], %masked_sort3A_366 {strides = array<i32>} : memref<32xf32, #tpu.memory_space<vmem>>, vector<16xf32>,
        %swap3A_374 = arith.constant 0 : index
        %swap3A_375 = tpu.vector_load %arg7[%swap3A_374] {strides = array<i32>} : memref<32xi32, #tpu.memory_space<vmem>>, vector<16xi32>,
        tpu.vector_store %arg7[%swap3A_374], %masked_sort3A_367 {strides = array<i32>} : memref<32xi32, #tpu.memory_space<vmem>>, vector<16xi32>,
        %swap3A_376 = arith.constant 16 : index
        %swap3A_377 = tpu.vector_load %arg6[%swap3A_376] {strides = array<i32>} : memref<32xf32, #tpu.memory_space<vmem>>, vector<16xf32>,
        tpu.vector_store %arg6[%swap3A_376], %masked_sort3A_370 {strides = array<i32>} : memref<32xf32, #tpu.memory_space<vmem>>, vector<16xf32>,
        %swap3A_378 = arith.constant 16 : index
        %swap3A_379 = tpu.vector_load %arg7[%swap3A_378] {strides = array<i32>} : memref<32xi32, #tpu.memory_space<vmem>>, vector<16xi32>,
        tpu.vector_store %arg7[%swap3A_378], %masked_sort3A_371 {strides = array<i32>} : memref<32xi32, #tpu.memory_space<vmem>>, vector<16xi32>,
        %reshape3A_380 = vector.shape_cast %broadcast_in_dim3A_3 : vector<16xi32> to vector<16x1xi32>
        %gather3A_381 = vector.shape_cast %reshape3A_380 : vector<16x1xi32> to vector<16xi32>
        %gather3A_382 = tpu.dynamic_gather %masked_sort3A_366[%gather3A_381] in [0] : vector<16xf32>, vector<16xi32> -> vector<16xf32>
        %swap3A_383 = arith.constant 0 : index
        %swap3A_384 = tpu.vector_load %arg8[%swap3A_383] {strides = array<i32>} : memref<16xf32, #tpu.memory_space<vmem>>, vector<16xf32>,
        tpu.vector_store %arg8[%swap3A_383], %gather3A_382 {strides = array<i32>} : memref<16xf32, #tpu.memory_space<vmem>>, vector<16xf32>,
      } else {
      }
      %get3A_231 = arith.constant 99968 : index
      %get3A_232 = tpu.vector_load %arg5[%get3A_231] {strides = array<i32>} : memref<100000xf32, #tpu.memory_space<vmem>>, vector<16xf32>,
      %get3A_233 = arith.constant 0 : index
      %get3A_234 = tpu.vector_load %arg8[%get3A_233] {strides = array<i32>} : memref<16xf32, #tpu.memory_space<vmem>>, vector<16xf32>,
      %gt3A_235 = arith.cmpf ogt, %get3A_232, %get3A_234 : vector<16xf32>
      %all_reduce_population_count3A_236 = tpu.all_reduce %gt3A_235 {dim = 0 : i64, kind = #tpu.reduction_kind<sum>} : vector<16xi1> -> vector<16xi32>
      %slice3A_237 = vector.extract_strided_slice %all_reduce_population_count3A_236 {offsets = [0], sizes = [1], strides = [1]} : vector<16xi32> to vector<1xi32>
      %squeeze3A_238 = vector.extract %slice3A_237[0] : i32 from vector<1xi32>
      %gt3A_239 = arith.constant 0 : i32
      %gt3A_240 = arith.cmpi sgt, %squeeze3A_238, %gt3A_239 : i32
      %convert_element_type3A_241 = arith.extui %gt3A_240 : i1 to i32
      %cond3A_242 = arith.constant 0 : i32
      %cond3A_243 = arith.cmpi ne, %convert_element_type3A_241, %cond3A_242 : i32
      scf.if %cond3A_243 {
        %add3A_334 = arith.constant 99968 : i32
        %add3A_335 = vector.broadcast %add3A_334 : i32 to vector<16xi32>
        %add3A_336 = arith.addi %iota3A, %add3A_335 : vector<16xi32>
        %masked_sort3A = arith.constant dense<true> : vector<16xi1>
        %masked_sort3A_337, %masked_sort3A_338, %masked_sort3A_339 = tpu.sort %get3A_232, %add3A_336 masked %masked_sort3A : (vector<16xf32>, vector<16xi32>, vector<16xi1>) -> (vector<16xi1>, vector<16xf32>, vector<16xi32>)
        %rev3A = arith.constant 15 : i32
        %rev3A_340 = vector.broadcast %rev3A : i32 to vector<16xi32>
        %rev3A_341 = tpu.iota {dimensions = array<i32: 0>} : vector<16xi32>
        %rev3A_342 = arith.subi %rev3A_340, %rev3A_341 : vector<16xi32>
        %rev3A_343 = tpu.dynamic_gather %masked_sort3A_338[%rev3A_342] in [0] : vector<16xf32>, vector<16xi32> -> vector<16xf32>
        %rev3A_344 = arith.constant 15 : i32
        %rev3A_345 = vector.broadcast %rev3A_344 : i32 to vector<16xi32>
        %rev3A_346 = tpu.iota {dimensions = array<i32: 0>} : vector<16xi32>
        %rev3A_347 = arith.subi %rev3A_345, %rev3A_346 : vector<16xi32>
        %rev3A_348 = tpu.dynamic_gather %masked_sort3A_339[%rev3A_347] in [0] : vector<16xi32>, vector<16xi32> -> vector<16xi32>
        %get3A_349 = arith.constant 0 : index
        %get3A_350 = tpu.vector_load %arg6[%get3A_349] {strides = array<i32>} : memref<32xf32, #tpu.memory_space<vmem>>, vector<16xf32>,
        %get3A_351 = arith.constant 0 : index
        %get3A_352 = tpu.vector_load %arg7[%get3A_351] {strides = array<i32>} : memref<32xi32, #tpu.memory_space<vmem>>, vector<16xi32>,
        %get3A_353 = arith.constant 16 : index
        %get3A_354 = tpu.vector_load %arg6[%get3A_353] {strides = array<i32>} : memref<32xf32, #tpu.memory_space<vmem>>, vector<16xf32>,
        %get3A_355 = arith.constant 16 : index
        %get3A_356 = tpu.vector_load %arg7[%get3A_355] {strides = array<i32>} : memref<32xi32, #tpu.memory_space<vmem>>, vector<16xi32>,
        %gt3A_357 = arith.cmpf ogt, %rev3A_343, %get3A_350 : vector<16xf32>
        %select_n3A = arith.select %gt3A_357, %rev3A_343, %get3A_350 : vector<16xi1>, vector<16xf32>
        %select_n3A_358 = arith.select %gt3A_357, %rev3A_348, %get3A_352 : vector<16xi1>, vector<16xi32>
        %gt3A_359 = arith.cmpf ogt, %select_n3A, %get3A_354 : vector<16xf32>
        %select_n3A_360 = arith.select %gt3A_359, %get3A_354, %select_n3A : vector<16xi1>, vector<16xf32>
        %select_n3A_361 = arith.select %gt3A_359, %get3A_356, %select_n3A_358 : vector<16xi1>, vector<16xi32>
        %select_n3A_362 = arith.select %gt3A_359, %select_n3A, %get3A_354 : vector<16xi1>, vector<16xf32>
        %select_n3A_363 = arith.select %gt3A_359, %select_n3A_358, %get3A_356 : vector<16xi1>, vector<16xi32>
        %masked_sort3A_364 = arith.constant dense<true> : vector<16xi1>
        %masked_sort3A_365, %masked_sort3A_366, %masked_sort3A_367 = tpu.sort %select_n3A_360, %select_n3A_361 masked %masked_sort3A_364 : (vector<16xf32>, vector<16xi32>, vector<16xi1>) -> (vector<16xi1>, vector<16xf32>, vector<16xi32>)
        %masked_sort3A_368 = arith.constant dense<true> : vector<16xi1>
        %masked_sort3A_369, %masked_sort3A_370, %masked_sort3A_371 = tpu.sort %select_n3A_362, %select_n3A_363 masked %masked_sort3A_368 : (vector<16xf32>, vector<16xi32>, vector<16xi1>) -> (vector<16xi1>, vector<16xf32>, vector<16xi32>)
        %swap3A_372 = arith.constant 0 : index
        %swap3A_373 = tpu.vector_load %arg6[%swap3A_372] {strides = array<i32>} : memref<32xf32, #tpu.memory_space<vmem>>, vector<16xf32>,
        tpu.vector_store %arg6[%swap3A_372], %masked_sort3A_366 {strides = array<i32>} : memref<32xf32, #tpu.memory_space<vmem>>, vector<16xf32>,
        %swap3A_374 = arith.constant 0 : index
        %swap3A_375 = tpu.vector_load %arg7[%swap3A_374] {strides = array<i32>} : memref<32xi32, #tpu.memory_space<vmem>>, vector<16xi32>,
        tpu.vector_store %arg7[%swap3A_374], %masked_sort3A_367 {strides = array<i32>} : memref<32xi32, #tpu.memory_space<vmem>>, vector<16xi32>,
        %swap3A_376 = arith.constant 16 : index
        %swap3A_377 = tpu.vector_load %arg6[%swap3A_376] {strides = array<i32>} : memref<32xf32, #tpu.memory_space<vmem>>, vector<16xf32>,
        tpu.vector_store %arg6[%swap3A_376], %masked_sort3A_370 {strides = array<i32>} : memref<32xf32, #tpu.memory_space<vmem>>, vector<16xf32>,
        %swap3A_378 = arith.constant 16 : index
        %swap3A_379 = tpu.vector_load %arg7[%swap3A_378] {strides = array<i32>} : memref<32xi32, #tpu.memory_space<vmem>>, vector<16xi32>,
        tpu.vector_store %arg7[%swap3A_378], %masked_sort3A_371 {strides = array<i32>} : memref<32xi32, #tpu.memory_space<vmem>>, vector<16xi32>,
        %reshape3A_380 = vector.shape_cast %broadcast_in_dim3A_3 : vector<16xi32> to vector<16x1xi32>
        %gather3A_381 = vector.shape_cast %reshape3A_380 : vector<16x1xi32> to vector<16xi32>
        %gather3A_382 = tpu.dynamic_gather %masked_sort3A_366[%gather3A_381] in [0] : vector<16xf32>, vector<16xi32> -> vector<16xf32>
        %swap3A_383 = arith.constant 0 : index
        %swap3A_384 = tpu.vector_load %arg8[%swap3A_383] {strides = array<i32>} : memref<16xf32, #tpu.memory_space<vmem>>, vector<16xf32>,
        tpu.vector_store %arg8[%swap3A_383], %gather3A_382 {strides = array<i32>} : memref<16xf32, #tpu.memory_space<vmem>>, vector<16xf32>,
      } else {
      }
      %get3A_244 = arith.constant 99984 : index
      %get3A_245 = tpu.vector_load %arg5[%get3A_244] {strides = array<i32>} : memref<100000xf32, #tpu.memory_space<vmem>>, vector<16xf32>,
      %get3A_246 = arith.constant 0 : index
      %get3A_247 = tpu.vector_load %arg8[%get3A_246] {strides = array<i32>} : memref<16xf32, #tpu.memory_space<vmem>>, vector<16xf32>,
      %gt3A_248 = arith.cmpf ogt, %get3A_245, %get3A_247 : vector<16xf32>
      %all_reduce_population_count3A_249 = tpu.all_reduce %gt3A_248 {dim = 0 : i64, kind = #tpu.reduction_kind<sum>} : vector<16xi1> -> vector<16xi32>
      %slice3A_250 = vector.extract_strided_slice %all_reduce_population_count3A_249 {offsets = [0], sizes = [1], strides = [1]} : vector<16xi32> to vector<1xi32>
      %squeeze3A_251 = vector.extract %slice3A_250[0] : i32 from vector<1xi32>
      %gt3A_252 = arith.constant 0 : i32
      %gt3A_253 = arith.cmpi sgt, %squeeze3A_251, %gt3A_252 : i32
      %convert_element_type3A_254 = arith.extui %gt3A_253 : i1 to i32
      %cond3A_255 = arith.constant 0 : i32
      %cond3A_256 = arith.cmpi ne, %convert_element_type3A_254, %cond3A_255 : i32
      scf.if %cond3A_256 {
        %add3A_334 = arith.constant 99984 : i32
        %add3A_335 = vector.broadcast %add3A_334 : i32 to vector<16xi32>
        %add3A_336 = arith.addi %iota3A, %add3A_335 : vector<16xi32>
        %masked_sort3A = arith.constant dense<true> : vector<16xi1>
        %masked_sort3A_337, %masked_sort3A_338, %masked_sort3A_339 = tpu.sort %get3A_245, %add3A_336 masked %masked_sort3A : (vector<16xf32>, vector<16xi32>, vector<16xi1>) -> (vector<16xi1>, vector<16xf32>, vector<16xi32>)
        %rev3A = arith.constant 15 : i32
        %rev3A_340 = vector.broadcast %rev3A : i32 to vector<16xi32>
        %rev3A_341 = tpu.iota {dimensions = array<i32: 0>} : vector<16xi32>
        %rev3A_342 = arith.subi %rev3A_340, %rev3A_341 : vector<16xi32>
        %rev3A_343 = tpu.dynamic_gather %masked_sort3A_338[%rev3A_342] in [0] : vector<16xf32>, vector<16xi32> -> vector<16xf32>
        %rev3A_344 = arith.constant 15 : i32
        %rev3A_345 = vector.broadcast %rev3A_344 : i32 to vector<16xi32>
        %rev3A_346 = tpu.iota {dimensions = array<i32: 0>} : vector<16xi32>
        %rev3A_347 = arith.subi %rev3A_345, %rev3A_346 : vector<16xi32>
        %rev3A_348 = tpu.dynamic_gather %masked_sort3A_339[%rev3A_347] in [0] : vector<16xi32>, vector<16xi32> -> vector<16xi32>
        %get3A_349 = arith.constant 0 : index
        %get3A_350 = tpu.vector_load %arg6[%get3A_349] {strides = array<i32>} : memref<32xf32, #tpu.memory_space<vmem>>, vector<16xf32>,
        %get3A_351 = arith.constant 0 : index
        %get3A_352 = tpu.vector_load %arg7[%get3A_351] {strides = array<i32>} : memref<32xi32, #tpu.memory_space<vmem>>, vector<16xi32>,
        %get3A_353 = arith.constant 16 : index
        %get3A_354 = tpu.vector_load %arg6[%get3A_353] {strides = array<i32>} : memref<32xf32, #tpu.memory_space<vmem>>, vector<16xf32>,
        %get3A_355 = arith.constant 16 : index
        %get3A_356 = tpu.vector_load %arg7[%get3A_355] {strides = array<i32>} : memref<32xi32, #tpu.memory_space<vmem>>, vector<16xi32>,
        %gt3A_357 = arith.cmpf ogt, %rev3A_343, %get3A_350 : vector<16xf32>
        %select_n3A = arith.select %gt3A_357, %rev3A_343, %get3A_350 : vector<16xi1>, vector<16xf32>
        %select_n3A_358 = arith.select %gt3A_357, %rev3A_348, %get3A_352 : vector<16xi1>, vector<16xi32>
        %gt3A_359 = arith.cmpf ogt, %select_n3A, %get3A_354 : vector<16xf32>
        %select_n3A_360 = arith.select %gt3A_359, %get3A_354, %select_n3A : vector<16xi1>, vector<16xf32>
        %select_n3A_361 = arith.select %gt3A_359, %get3A_356, %select_n3A_358 : vector<16xi1>, vector<16xi32>
        %select_n3A_362 = arith.select %gt3A_359, %select_n3A, %get3A_354 : vector<16xi1>, vector<16xf32>
        %select_n3A_363 = arith.select %gt3A_359, %select_n3A_358, %get3A_356 : vector<16xi1>, vector<16xi32>
        %masked_sort3A_364 = arith.constant dense<true> : vector<16xi1>
        %masked_sort3A_365, %masked_sort3A_366, %masked_sort3A_367 = tpu.sort %select_n3A_360, %select_n3A_361 masked %masked_sort3A_364 : (vector<16xf32>, vector<16xi32>, vector<16xi1>) -> (vector<16xi1>, vector<16xf32>, vector<16xi32>)
        %masked_sort3A_368 = arith.constant dense<true> : vector<16xi1>
        %masked_sort3A_369, %masked_sort3A_370, %masked_sort3A_371 = tpu.sort %select_n3A_362, %select_n3A_363 masked %masked_sort3A_368 : (vector<16xf32>, vector<16xi32>, vector<16xi1>) -> (vector<16xi1>, vector<16xf32>, vector<16xi32>)
        %swap3A_372 = arith.constant 0 : index
        %swap3A_373 = tpu.vector_load %arg6[%swap3A_372] {strides = array<i32>} : memref<32xf32, #tpu.memory_space<vmem>>, vector<16xf32>,
        tpu.vector_store %arg6[%swap3A_372], %masked_sort3A_366 {strides = array<i32>} : memref<32xf32, #tpu.memory_space<vmem>>, vector<16xf32>,
        %swap3A_374 = arith.constant 0 : index
        %swap3A_375 = tpu.vector_load %arg7[%swap3A_374] {strides = array<i32>} : memref<32xi32, #tpu.memory_space<vmem>>, vector<16xi32>,
        tpu.vector_store %arg7[%swap3A_374], %masked_sort3A_367 {strides = array<i32>} : memref<32xi32, #tpu.memory_space<vmem>>, vector<16xi32>,
        %swap3A_376 = arith.constant 16 : index
        %swap3A_377 = tpu.vector_load %arg6[%swap3A_376] {strides = array<i32>} : memref<32xf32, #tpu.memory_space<vmem>>, vector<16xf32>,
        tpu.vector_store %arg6[%swap3A_376], %masked_sort3A_370 {strides = array<i32>} : memref<32xf32, #tpu.memory_space<vmem>>, vector<16xf32>,
        %swap3A_378 = arith.constant 16 : index
        %swap3A_379 = tpu.vector_load %arg7[%swap3A_378] {strides = array<i32>} : memref<32xi32, #tpu.memory_space<vmem>>, vector<16xi32>,
        tpu.vector_store %arg7[%swap3A_378], %masked_sort3A_371 {strides = array<i32>} : memref<32xi32, #tpu.memory_space<vmem>>, vector<16xi32>,
        %reshape3A_380 = vector.shape_cast %broadcast_in_dim3A_3 : vector<16xi32> to vector<16x1xi32>
        %gather3A_381 = vector.shape_cast %reshape3A_380 : vector<16x1xi32> to vector<16xi32>
        %gather3A_382 = tpu.dynamic_gather %masked_sort3A_366[%gather3A_381] in [0] : vector<16xf32>, vector<16xi32> -> vector<16xf32>
        %swap3A_383 = arith.constant 0 : index
        %swap3A_384 = tpu.vector_load %arg8[%swap3A_383] {strides = array<i32>} : memref<16xf32, #tpu.memory_space<vmem>>, vector<16xf32>,
        tpu.vector_store %arg8[%swap3A_383], %gather3A_382 {strides = array<i32>} : memref<16xf32, #tpu.memory_space<vmem>>, vector<16xf32>,
      } else {
      }
      %get3A_257 = arith.constant 0 : index
      %get3A_258 = tpu.vector_load %arg6[%get3A_257] {strides = array<i32>} : memref<32xf32, #tpu.memory_space<vmem>>, vector<16xf32>,
      %get3A_259 = arith.constant 16 : index
      %get3A_260 = tpu.vector_load %arg6[%get3A_259] {strides = array<i32>} : memref<32xf32, #tpu.memory_space<vmem>>, vector<16xf32>,
      %reshape3A = vector.shape_cast %broadcast_in_dim3A_5 : vector<16xi32> to vector<16x1xi32>
      %gather3A = vector.shape_cast %reshape3A : vector<16x1xi32> to vector<16xi32>
      %gather3A_261 = tpu.dynamic_gather %get3A_260[%gather3A] in [0] : vector<16xf32>, vector<16xi32> -> vector<16xf32>
      %sub3A = arith.subf %get3A_258, %gather3A_261 : vector<16xf32>
      %mul3A_262 = arith.constant 1.000000e+01 : f32
      %mul3A_263 = vector.broadcast %mul3A_262 : f32 to vector<16xf32>
      %mul3A_264 = arith.mulf %sub3A, %mul3A_263 : vector<16xf32>
      %exp3A = math.exp %mul3A_264 : vector<16xf32>
      %sub3A_265 = arith.subf %get3A_260, %gather3A_261 : vector<16xf32>
      %mul3A_266 = arith.constant 1.000000e+01 : f32
      %mul3A_267 = vector.broadcast %mul3A_266 : f32 to vector<16xf32>
      %mul3A_268 = arith.mulf %sub3A_265, %mul3A_267 : vector<16xf32>
      %exp3A_269 = math.exp %mul3A_268 : vector<16xf32>
      %add3A_270 = arith.addf %exp3A, %exp3A_269 : vector<16xf32>
      %broadcast_in_dim3A_271 = arith.constant true
      %broadcast_in_dim3A_272 = vector.broadcast %broadcast_in_dim3A_271 : i1 to vector<16xi1>
      %masked_cumsum3A = tpu.scan <sum>, %add3A_270 masked %broadcast_in_dim3A_272 : vector<16xf32>, vector<16xi1> -> vector<16xf32>
      %reshape3A_273 = vector.shape_cast %broadcast_in_dim3A_5 : vector<16xi32> to vector<16x1xi32>
      %gather3A_274 = vector.shape_cast %reshape3A_273 : vector<16x1xi32> to vector<16xi32>
      %gather3A_275 = tpu.dynamic_gather %masked_cumsum3A[%gather3A_274] in [0] : vector<16xf32>, vector<16xi32> -> vector<16xf32>
      %div3A = arith.divf %exp3A, %gather3A_275 : vector<16xf32>
      %div3A_276 = arith.divf %exp3A_269, %gather3A_275 : vector<16xf32>
      "tpu.region"() ({
        %run_scoped3A = tpu.sem_alloc : memref<!tpu.dma_semaphore, #tpu.memory_space<semaphore_mem>>
        %dma_start3A = arith.constant 0 : i32
        %dma_start3A_334 = tpu.memref_slice %arg3[%dma_start3A] : memref<100000xi32, #tpu.memory_space<hbm>> -> memref<100000xi32, #tpu.memory_space<hbm>>
        tpu.enqueue_indirect_dma source(%dma_start3A_334 : memref<100000xi32, #tpu.memory_space<hbm>>) target(%arg9 : memref<32xi32, #tpu.memory_space<vmem>>) offsets(%arg7 : memref<32xi32, #tpu.memory_space<vmem>>) semaphore(%run_scoped3A : memref<!tpu.dma_semaphore, #tpu.memory_space<semaphore_mem>>)
        %dma_wait3A = arith.constant 0 : i32
        %dma_wait3A_335 = tpu.memref_slice %arg3[%dma_wait3A] : memref<100000xi32, #tpu.memory_space<hbm>> -> memref<100000xi32, #tpu.memory_space<hbm>>
        tpu.wait_indirect_dma semaphore(%run_scoped3A : memref<!tpu.dma_semaphore, #tpu.memory_space<semaphore_mem>>) src(%dma_wait3A_335 : memref<100000xi32, #tpu.memory_space<hbm>>) dst(%arg9 : memref<32xi32, #tpu.memory_space<vmem>>)
        tpu.yield
      }) : () -> ()
      %get3A_277 = arith.constant 0 : index
      %get3A_278 = tpu.vector_load %arg9[%get3A_277] {strides = array<i32>} : memref<32xi32, #tpu.memory_space<vmem>>, vector<16xi32>,
      %get3A_279 = arith.constant 16 : index
      %get3A_280 = tpu.vector_load %arg9[%get3A_279] {strides = array<i32>} : memref<32xi32, #tpu.memory_space<vmem>>, vector<16xi32>,
      %eq3A = arith.constant 0 : i32
      %eq3A_281 = vector.broadcast %eq3A : i32 to vector<16xi32>
      %eq3A_282 = arith.cmpi eq, %iota3A, %eq3A_281 : vector<16xi32>
      tpu.vector_store_idx %arg10[%get3A_278], %div3A masked %eq3A_282 {add = true} : memref<1024xf32, #tpu.memory_space<vmem>>[vector<16xi32>], vector<16xf32>, vector<16xi1>
      tpu.vector_store_idx %arg10[%get3A_280], %div3A_276 masked %eq3A_282 {add = true} : memref<1024xf32, #tpu.memory_space<vmem>>[vector<16xi32>], vector<16xf32>, vector<16xi1>
      %eq3A_283 = arith.constant 1 : i32
      %eq3A_284 = vector.broadcast %eq3A_283 : i32 to vector<16xi32>
      %eq3A_285 = arith.cmpi eq, %iota3A, %eq3A_284 : vector<16xi32>
      tpu.vector_store_idx %arg10[%get3A_278], %div3A masked %eq3A_285 {add = true} : memref<1024xf32, #tpu.memory_space<vmem>>[vector<16xi32>], vector<16xf32>, vector<16xi1>
      tpu.vector_store_idx %arg10[%get3A_280], %div3A_276 masked %eq3A_285 {add = true} : memref<1024xf32, #tpu.memory_space<vmem>>[vector<16xi32>], vector<16xf32>, vector<16xi1>
      %eq3A_286 = arith.constant 2 : i32
      %eq3A_287 = vector.broadcast %eq3A_286 : i32 to vector<16xi32>
      %eq3A_288 = arith.cmpi eq, %iota3A, %eq3A_287 : vector<16xi32>
      tpu.vector_store_idx %arg10[%get3A_278], %div3A masked %eq3A_288 {add = true} : memref<1024xf32, #tpu.memory_space<vmem>>[vector<16xi32>], vector<16xf32>, vector<16xi1>
      tpu.vector_store_idx %arg10[%get3A_280], %div3A_276 masked %eq3A_288 {add = true} : memref<1024xf32, #tpu.memory_space<vmem>>[vector<16xi32>], vector<16xf32>, vector<16xi1>
      %eq3A_289 = arith.constant 3 : i32
      %eq3A_290 = vector.broadcast %eq3A_289 : i32 to vector<16xi32>
      %eq3A_291 = arith.cmpi eq, %iota3A, %eq3A_290 : vector<16xi32>
      tpu.vector_store_idx %arg10[%get3A_278], %div3A masked %eq3A_291 {add = true} : memref<1024xf32, #tpu.memory_space<vmem>>[vector<16xi32>], vector<16xf32>, vector<16xi1>
      tpu.vector_store_idx %arg10[%get3A_280], %div3A_276 masked %eq3A_291 {add = true} : memref<1024xf32, #tpu.memory_space<vmem>>[vector<16xi32>], vector<16xf32>, vector<16xi1>
      %eq3A_292 = arith.constant 4 : i32
      %eq3A_293 = vector.broadcast %eq3A_292 : i32 to vector<16xi32>
      %eq3A_294 = arith.cmpi eq, %iota3A, %eq3A_293 : vector<16xi32>
      tpu.vector_store_idx %arg10[%get3A_278], %div3A masked %eq3A_294 {add = true} : memref<1024xf32, #tpu.memory_space<vmem>>[vector<16xi32>], vector<16xf32>, vector<16xi1>
      tpu.vector_store_idx %arg10[%get3A_280], %div3A_276 masked %eq3A_294 {add = true} : memref<1024xf32, #tpu.memory_space<vmem>>[vector<16xi32>], vector<16xf32>, vector<16xi1>
      %eq3A_295 = arith.constant 5 : i32
      %eq3A_296 = vector.broadcast %eq3A_295 : i32 to vector<16xi32>
      %eq3A_297 = arith.cmpi eq, %iota3A, %eq3A_296 : vector<16xi32>
      tpu.vector_store_idx %arg10[%get3A_278], %div3A masked %eq3A_297 {add = true} : memref<1024xf32, #tpu.memory_space<vmem>>[vector<16xi32>], vector<16xf32>, vector<16xi1>
      tpu.vector_store_idx %arg10[%get3A_280], %div3A_276 masked %eq3A_297 {add = true} : memref<1024xf32, #tpu.memory_space<vmem>>[vector<16xi32>], vector<16xf32>, vector<16xi1>
      %eq3A_298 = arith.constant 6 : i32
      %eq3A_299 = vector.broadcast %eq3A_298 : i32 to vector<16xi32>
      %eq3A_300 = arith.cmpi eq, %iota3A, %eq3A_299 : vector<16xi32>
      tpu.vector_store_idx %arg10[%get3A_278], %div3A masked %eq3A_300 {add = true} : memref<1024xf32, #tpu.memory_space<vmem>>[vector<16xi32>], vector<16xf32>, vector<16xi1>
      tpu.vector_store_idx %arg10[%get3A_280], %div3A_276 masked %eq3A_300 {add = true} : memref<1024xf32, #tpu.memory_space<vmem>>[vector<16xi32>], vector<16xf32>, vector<16xi1>
      %eq3A_301 = arith.constant 7 : i32
      %eq3A_302 = vector.broadcast %eq3A_301 : i32 to vector<16xi32>
      %eq3A_303 = arith.cmpi eq, %iota3A, %eq3A_302 : vector<16xi32>
      tpu.vector_store_idx %arg10[%get3A_278], %div3A masked %eq3A_303 {add = true} : memref<1024xf32, #tpu.memory_space<vmem>>[vector<16xi32>], vector<16xf32>, vector<16xi1>
      tpu.vector_store_idx %arg10[%get3A_280], %div3A_276 masked %eq3A_303 {add = true} : memref<1024xf32, #tpu.memory_space<vmem>>[vector<16xi32>], vector<16xf32>, vector<16xi1>
      %eq3A_304 = arith.constant 8 : i32
      %eq3A_305 = vector.broadcast %eq3A_304 : i32 to vector<16xi32>
      %eq3A_306 = arith.cmpi eq, %iota3A, %eq3A_305 : vector<16xi32>
      tpu.vector_store_idx %arg10[%get3A_278], %div3A masked %eq3A_306 {add = true} : memref<1024xf32, #tpu.memory_space<vmem>>[vector<16xi32>], vector<16xf32>, vector<16xi1>
      tpu.vector_store_idx %arg10[%get3A_280], %div3A_276 masked %eq3A_306 {add = true} : memref<1024xf32, #tpu.memory_space<vmem>>[vector<16xi32>], vector<16xf32>, vector<16xi1>
      %eq3A_307 = arith.constant 9 : i32
      %eq3A_308 = vector.broadcast %eq3A_307 : i32 to vector<16xi32>
      %eq3A_309 = arith.cmpi eq, %iota3A, %eq3A_308 : vector<16xi32>
      tpu.vector_store_idx %arg10[%get3A_278], %div3A masked %eq3A_309 {add = true} : memref<1024xf32, #tpu.memory_space<vmem>>[vector<16xi32>], vector<16xf32>, vector<16xi1>
      tpu.vector_store_idx %arg10[%get3A_280], %div3A_276 masked %eq3A_309 {add = true} : memref<1024xf32, #tpu.memory_space<vmem>>[vector<16xi32>], vector<16xf32>, vector<16xi1>
      %eq3A_310 = arith.constant 10 : i32
      %eq3A_311 = vector.broadcast %eq3A_310 : i32 to vector<16xi32>
      %eq3A_312 = arith.cmpi eq, %iota3A, %eq3A_311 : vector<16xi32>
      tpu.vector_store_idx %arg10[%get3A_278], %div3A masked %eq3A_312 {add = true} : memref<1024xf32, #tpu.memory_space<vmem>>[vector<16xi32>], vector<16xf32>, vector<16xi1>
      tpu.vector_store_idx %arg10[%get3A_280], %div3A_276 masked %eq3A_312 {add = true} : memref<1024xf32, #tpu.memory_space<vmem>>[vector<16xi32>], vector<16xf32>, vector<16xi1>
      %eq3A_313 = arith.constant 11 : i32
      %eq3A_314 = vector.broadcast %eq3A_313 : i32 to vector<16xi32>
      %eq3A_315 = arith.cmpi eq, %iota3A, %eq3A_314 : vector<16xi32>
      tpu.vector_store_idx %arg10[%get3A_278], %div3A masked %eq3A_315 {add = true} : memref<1024xf32, #tpu.memory_space<vmem>>[vector<16xi32>], vector<16xf32>, vector<16xi1>
      tpu.vector_store_idx %arg10[%get3A_280], %div3A_276 masked %eq3A_315 {add = true} : memref<1024xf32, #tpu.memory_space<vmem>>[vector<16xi32>], vector<16xf32>, vector<16xi1>
      %eq3A_316 = arith.constant 12 : i32
      %eq3A_317 = vector.broadcast %eq3A_316 : i32 to vector<16xi32>
      %eq3A_318 = arith.cmpi eq, %iota3A, %eq3A_317 : vector<16xi32>
      tpu.vector_store_idx %arg10[%get3A_278], %div3A masked %eq3A_318 {add = true} : memref<1024xf32, #tpu.memory_space<vmem>>[vector<16xi32>], vector<16xf32>, vector<16xi1>
      tpu.vector_store_idx %arg10[%get3A_280], %div3A_276 masked %eq3A_318 {add = true} : memref<1024xf32, #tpu.memory_space<vmem>>[vector<16xi32>], vector<16xf32>, vector<16xi1>
      %eq3A_319 = arith.constant 13 : i32
      %eq3A_320 = vector.broadcast %eq3A_319 : i32 to vector<16xi32>
      %eq3A_321 = arith.cmpi eq, %iota3A, %eq3A_320 : vector<16xi32>
      tpu.vector_store_idx %arg10[%get3A_278], %div3A masked %eq3A_321 {add = true} : memref<1024xf32, #tpu.memory_space<vmem>>[vector<16xi32>], vector<16xf32>, vector<16xi1>
      tpu.vector_store_idx %arg10[%get3A_280], %div3A_276 masked %eq3A_321 {add = true} : memref<1024xf32, #tpu.memory_space<vmem>>[vector<16xi32>], vector<16xf32>, vector<16xi1>
      %eq3A_322 = arith.constant 14 : i32
      %eq3A_323 = vector.broadcast %eq3A_322 : i32 to vector<16xi32>
      %eq3A_324 = arith.cmpi eq, %iota3A, %eq3A_323 : vector<16xi32>
      tpu.vector_store_idx %arg10[%get3A_278], %div3A masked %eq3A_324 {add = true} : memref<1024xf32, #tpu.memory_space<vmem>>[vector<16xi32>], vector<16xf32>, vector<16xi1>
      tpu.vector_store_idx %arg10[%get3A_280], %div3A_276 masked %eq3A_324 {add = true} : memref<1024xf32, #tpu.memory_space<vmem>>[vector<16xi32>], vector<16xf32>, vector<16xi1>
      %eq3A_325 = arith.constant 15 : i32
      %eq3A_326 = vector.broadcast %eq3A_325 : i32 to vector<16xi32>
      %eq3A_327 = arith.cmpi eq, %iota3A, %eq3A_326 : vector<16xi32>
      tpu.vector_store_idx %arg10[%get3A_278], %div3A masked %eq3A_327 {add = true} : memref<1024xf32, #tpu.memory_space<vmem>>[vector<16xi32>], vector<16xf32>, vector<16xi1>
      tpu.vector_store_idx %arg10[%get3A_280], %div3A_276 masked %eq3A_327 {add = true} : memref<1024xf32, #tpu.memory_space<vmem>>[vector<16xi32>], vector<16xf32>, vector<16xi1>
      %scan3A_328 = arith.constant 0 : i32
      %scan3A_329 = arith.constant 0 : i32
      %scan3A_330 = arith.constant 64 : i32
      %scan3A_331 = arith.addi %scan3A_329, %scan3A_330 : i32
      %scan3A_332 = arith.constant 1 : i32
      scf.for %scan3A_334 = %scan3A_329 to %scan3A_331 step %scan3A_332  : i32 {
        %mul3A_335 = arith.constant 16 : i32
        %mul3A_336 = arith.muli %scan3A_334, %mul3A_335 : i32
        %get3A_337 = arith.index_cast %mul3A_336 : i32 to index
        %get3A_338 = tpu.vector_load %arg10[%get3A_337] {strides = array<i32>} : memref<1024xf32, #tpu.memory_space<vmem>>, vector<16xf32>,
        %add3A_339 = arith.constant 9.99999974E-6 : f32
        %add3A_340 = vector.broadcast %add3A_339 : f32 to vector<16xf32>
        %add3A_341 = arith.addf %get3A_338, %add3A_340 : vector<16xf32>
        %min3A = arith.constant 1.000000e+00 : f32
        %min3A_342 = vector.broadcast %min3A : f32 to vector<16xf32>
        %min3A_343 = arith.minimumf %add3A_341, %min3A_342 : vector<16xf32>
        %mul3A_344 = arith.constant 16 : i32
        %mul3A_345 = arith.muli %scan3A_334, %mul3A_344 : i32
        %swap3A_346 = arith.index_cast %mul3A_345 : i32 to index
        %swap3A_347 = tpu.vector_load %arg11[%swap3A_346] {strides = array<i32>} : memref<1024xf32, #tpu.memory_space<vmem>>, vector<16xf32>,
        tpu.vector_store %arg11[%swap3A_346], %min3A_343 {strides = array<i32>} : memref<1024xf32, #tpu.memory_space<vmem>>, vector<16xf32>,
      }
      %scan3A_333 = arith.constant 64 : i32
      tpu.vector_store_idx %arg10[%get3A_278], %broadcast_in_dim3A_1 : memref<1024xf32, #tpu.memory_space<vmem>>[vector<16xi32>], vector<16xf32>,
      tpu.vector_store_idx %arg10[%get3A_280], %broadcast_in_dim3A_1 : memref<1024xf32, #tpu.memory_space<vmem>>[vector<16xi32>], vector<16xf32>,
      "tpu.region"() ({
        %run_scoped3A = tpu.sem_alloc : memref<!tpu.dma_semaphore, #tpu.memory_space<semaphore_mem>>
        %dma_start3A = arith.constant 0 : i32
        %dma_start3A_334 = tpu.memref_slice %arg4[%add3A_20, %dma_start3A] : memref<1024x1024xf32, #tpu.memory_space<hbm>> -> memref<1x1024xf32, #tpu.memory_space<hbm>>
        %dma_start3A_335 = tpu.memref_squeeze %dma_start3A_334 : memref<1x1024xf32, #tpu.memory_space<hbm>> -> memref<1024xf32, #tpu.memory_space<hbm>>
        %dma_start3A_336 = arith.constant 0 : i32
        %dma_start3A_337 = tpu.memref_slice %arg4[%add3A_20, %dma_start3A_336] : memref<1024x1024xf32, #tpu.memory_space<hbm>> -> memref<1x1024xf32, #tpu.memory_space<hbm>>
        %dma_start3A_338 = tpu.memref_squeeze %dma_start3A_337 : memref<1x1024xf32, #tpu.memory_space<hbm>> -> memref<1024xf32, #tpu.memory_space<hbm>>
        tpu.enqueue_dma source(%arg11 : memref<1024xf32, #tpu.memory_space<vmem>>) target(%dma_start3A_338 : memref<1024xf32, #tpu.memory_space<hbm>>) target_semaphore(%run_scoped3A : memref<!tpu.dma_semaphore, #tpu.memory_space<semaphore_mem>>)
        %dma_wait3A = arith.constant 0 : i32
        %dma_wait3A_339 = tpu.memref_slice %arg4[%add3A_20, %dma_wait3A] : memref<1024x1024xf32, #tpu.memory_space<hbm>> -> memref<1x1024xf32, #tpu.memory_space<hbm>>
        %dma_wait3A_340 = tpu.memref_squeeze %dma_wait3A_339 : memref<1x1024xf32, #tpu.memory_space<hbm>> -> memref<1024xf32, #tpu.memory_space<hbm>>
        %dma_wait3A_341 = arith.constant 0 : i32
        %dma_wait3A_342 = tpu.memref_slice %arg4[%add3A_20, %dma_wait3A_341] : memref<1024x1024xf32, #tpu.memory_space<hbm>> -> memref<1x1024xf32, #tpu.memory_space<hbm>>
        %dma_wait3A_343 = tpu.memref_squeeze %dma_wait3A_342 : memref<1x1024xf32, #tpu.memory_space<hbm>> -> memref<1024xf32, #tpu.memory_space<hbm>>
        tpu.wait_dma2 semaphore(%run_scoped3A : memref<!tpu.dma_semaphore, #tpu.memory_space<semaphore_mem>>) src(%arg11 : memref<1024xf32, #tpu.memory_space<vmem>>) dst(%dma_wait3A_343 : memref<1024xf32, #tpu.memory_space<hbm>>)
        tpu.yield
      }) : () -> ()
    }
    %scan3A_16 = arith.constant 32 : i32
    return
  }
}

module attributes {stable_mosaic.version = 14 : i64} {
  func.func @_mm_body(%arg0: i32, %arg1: memref<1024x512xf32, #tpu.memory_space<vmem>>, %arg2: memref<2048x512xf32, #tpu.memory_space<vmem>>, %arg3: memref<1024x2048xf32, #tpu.memory_space<vmem>>, %arg4: memref<1024x512xf32, #tpu.memory_space<vmem>>) attributes {dimension_semantics = [#tpu.dimension_semantics<arbitrary>], iteration_bounds = array<i64: 49>, scalar_prefetch = 0 : i64, scratch_operands = 1 : i64, tpu.core_type = #tpu.core_type<tc>, window_params = [{pipeline_mode = #tpu.pipeline_mode<synchronous>, transform_indices = @transform_0, window_bounds = array<i64: 1024, 512>}, {transform_indices = @transform_1, window_bounds = array<i64: 2048, 512>}, {transform_indices = @transform_2, window_bounds = array<i64: 1024, 2048>}]} {
    %eq3A = arith.constant 0 : i32
    %eq3A_0 = arith.cmpi eq, %arg0, %eq3A : i32
    %convert_element_type3A = arith.extui %eq3A_0 : i1 to i32
    %cond3A = arith.constant 0 : i32
    %cond3A_1 = arith.cmpi ne, %convert_element_type3A, %cond3A : i32
    scf.if %cond3A_1 {
      %get3A_10 = arith.constant 0 : index
      %get3A_11 = arith.constant 0 : index
      %get3A_12 = vector.load %arg1[%get3A_10, %get3A_11] : memref<1024x512xf32, #tpu.memory_space<vmem>>, vector<1024x512xf32>
      %mul3A = arith.mulf %get3A_12, %get3A_12 : vector<1024x512xf32>
      %reduce_sum3A = arith.constant dense<0.000000e+00> : vector<1024xf32>
      %reduce_sum3A_13 = vector.multi_reduction <add>, %mul3A, %reduce_sum3A [1] : vector<1024x512xf32> to vector<1024xf32>
      %broadcast_in_dim3A = vector.shape_cast %reduce_sum3A_13 : vector<1024xf32> to vector<1024x1xf32>
      %sqrt3A = math.sqrt %broadcast_in_dim3A : vector<1024x1xf32>
      %max3A = arith.constant 9.99999996E-13 : f32
      %max3A_14 = vector.broadcast %max3A : f32 to vector<1024x1xf32>
      %max3A_15 = arith.maximumf %sqrt3A, %max3A_14 : vector<1024x1xf32>
      %div3A = vector.broadcast %max3A_15 : vector<1024x1xf32> to vector<1024x512xf32>
      %div3A_16 = arith.divf %get3A_12, %div3A : vector<1024x512xf32>
      %swap3A_17 = arith.constant 0 : index
      %swap3A_18 = arith.constant 0 : index
      %swap3A_19 = vector.load %arg4[%swap3A_17, %swap3A_18] : memref<1024x512xf32, #tpu.memory_space<vmem>>, vector<1024x512xf32>
      tpu.vector_store %arg4[%swap3A_17, %swap3A_18], %div3A_16 {strides = array<i32>} : memref<1024x512xf32, #tpu.memory_space<vmem>>, vector<1024x512xf32>,
    } else {
    }
    %get3A = arith.constant 0 : index
    %get3A_2 = arith.constant 0 : index
    %get3A_3 = vector.load %arg4[%get3A, %get3A_2] : memref<1024x512xf32, #tpu.memory_space<vmem>>, vector<1024x512xf32>
    %get3A_4 = arith.constant 0 : index
    %get3A_5 = arith.constant 0 : index
    %get3A_6 = vector.load %arg2[%get3A_4, %get3A_5] : memref<2048x512xf32, #tpu.memory_space<vmem>>, vector<2048x512xf32>
    %dot_general3A = arith.constant dense<0.000000e+00> : vector<1024x2048xf32>
    %dot_general3A_7 = tpu.matmul %get3A_3, %get3A_6, %dot_general3A {dimension_numbers = #tpu.dot_dimension_numbers<[1], [1], [0], [0], [0, 0, 1, 0], [], []>, transpose_lhs_hint = false} : vector<1024x512xf32>, vector<2048x512xf32>, vector<1024x2048xf32> -> vector<1024x2048xf32>
    %swap3A = arith.constant 0 : index
    %swap3A_8 = arith.constant 0 : index
    %swap3A_9 = vector.load %arg3[%swap3A, %swap3A_8] : memref<1024x2048xf32, #tpu.memory_space<vmem>>, vector<1024x2048xf32>
    tpu.vector_store %arg3[%swap3A, %swap3A_8], %dot_general3A_7 {strides = array<i32>} : memref<1024x2048xf32, #tpu.memory_space<vmem>>, vector<1024x2048xf32>,
    return
  }
  func.func @transform_0(%arg0: i32) -> (i32, i32) {
    %c0_i32 = arith.constant 0 : i32
    %c0_i32_0 = arith.constant 0 : i32
    %c0_i32_1 = arith.constant 0 : i32
    return %c0_i32, %c0_i32_0 : i32, i32
  }
  func.func @transform_1(%arg0: i32) -> (i32, i32) {
    %c0_i32 = arith.constant 0 : i32
    %c0_i32_0 = arith.constant 0 : i32
    return %arg0, %c0_i32 : i32, i32
  }
  func.func @transform_2(%arg0: i32) -> (i32, i32) {
    %c0_i32 = arith.constant 0 : i32
    %c0_i32_0 = arith.constant 0 : i32
    return %c0_i32, %arg0 : i32, i32
  }
}

</mosaic_0001>

<sc_bundles>
// kernel: kernel.4.cloned.1.call-start
scs
__scs_entry_jumppad:
0x0: {  	(pc) =	sbr.rel $0x88, $3  }
0x1: {  	(tag) =	ssettag $0x0;
	lr =	simm.s32 $0x1  }
0x2: {  	[smem:$0x3F9E] =	sst lr;
	_ =	strace $0xD0000000  }
0x3: {  	_ = 	snop  }
0x4: {  	_ = 	snop  }
0x5: {  	_ = 	snop  }
0x6: {  	_ = 	snop  }
0x7: {  	_ = 	snop  }
__scs_overlays_trampoline_lowered:
0x8: {  	[smem:$0x3FAD] =	sst s0  }
0x9: {  	[smem:$0x3FAE] =	sst s1  }
0xa: {  	[smem:$0x3FAF] =	sst s2  }
0xb: {  	[smem:$0x3FB0] =	sst s3  }
0xc: {  	[smem:$0x3FB1] =	sst s4  }
0xd: {  	[smem:$0x3FB2] =	sst s5  }
0xe: {  	[smem:$0x3FB3] =	sst s6  }
0xf: {  	[smem:$0x3FB4] =	sst s7  }
0x10: {  	[smem:$0x3FB5] =	sst s8  }
0x11: {  	[smem:$0x3FB6] =	sst s9;
	s0 =	simm.s32 @!p0 $0x0  }
0x12: {  	s1 =	sld [smem:$0x3F9C];
	s0 =	simm.s32 @p0 $0x1  }
0x13: {  	[smem:$0x3FB7] =	sst s0;
	s0 =	simm.s32 @!p1 $0x0  }
0x14: {  	s2 =	sld [smem:$0x3F9B];
	s0 =	simm.s32 @p1 $0x1  }
0x15: {  	[smem:$0x3FB8] =	sst s0;
	s0 =	simm.s32 @!p2 $0x0  }
0x16: {  	s3 =	sld [smem:$0x3FDB];
	s0 =	simm.s32 @p2 $0x1  }
0x17: {  	s4 =	simm.s32 $0x1BF5;
	[smem:$0x3FBA] =	sst s0  }
0x18: {  	s0 =	sld [smem:$0x3F9D];
	_ =	swait.ge [sflag:s4], $0x0  }
0x19: {  	s7 =	sld [smem:$0x3F9E]  }
0x1a: {  	s8 =	sadd.s32 $0xFFFFE003, lr  }
0x1b: {  	s9 =	sadd.s32 $0xFFFFFEF7, lr;
	s5 =	simm.s32 $0xFFFFFFFF;
	p2 =	slt.u32 s8, $0xFFFFF086  }
0x1c: {  	p1 =	slt.u32 s9, $0xF7A;
	s5 =	simm.s32 @!p2 $0x0  }
0x1d: {  	s5 =	simm.s32 @p1 $0x1;
	p0 =	seq.s32 s7, s2  }
0x1e: {  	s7 =	smul.u32 @!p0 $0xF7A, s2;
	p2 =	seq.s32 @!p0 s5, $0x0  }
0x1f: {  	s9 =	smul.u32 $0xF7A, s1;
	s8 =	simm.s32 @!p0 $0x1BF5;
	p2 =	por !p2, p0  }
0x20: {  	[sflag:s8] =	ssyncset.s32 @!p0 $0xFFFFF086;
	s6 =	sadd.s32 @!p0 s3, s7;
	s7 =	simm.s32 @!p0 $0x108  }
0x21: {  	s3 =	sadd.s32 s3, s9;
	s6 =	sadd.s32 @!p0 $0x88, s6;
	s7 =	simm.s32 @p2 $0x1082  }
0x22: {  	[simem:s7], [sflag:s8] =	dma.local @!p0 [hbm:s6], $0xF7A  }
0x23: {  	s9 =	sor.u32 $0xD0000000, s2;
	s6 =	simm.s32 $0x108;
	_ =	swait.ge @!p0 [sflag:s8], $0x0  }
0x24: {  	s3 =	sadd.s32 $0x88, s3;
	s6 =	simm.s32 @!p1 $0x1082;
	[sflag:s4] =	ssyncset.s32 $0xFFFFF086  }
0x25: {  	[simem:s6], [sflag:s4] =	dma.local [hbm:s3], $0xF7A  }
0x26: {  	[smem:$0x3F9E] =	sst s1;
	(tag) =	ssettag s2;
	_ =	strace s9  }
0x27: {  	s1 =	sld [smem:$0x3FAE]  }
0x28: {  	s2 =	sld [smem:$0x3FAF]  }
0x29: {  	s4 =	sld [smem:$0x3FB1]  }
0x2a: {  	p0 =	seq.s32 s5, $0x0;
	s5 =	sld [smem:$0x3FB2]  }
0x2b: {  	s6 =	sld [smem:$0x3FB3]  }
0x2c: {  	s7 =	sld [smem:$0x3FB4]  }
0x2d: {  	s3 =	simm.s32 $0x108;
	s8 =	sld [smem:$0x3FB5]  }
0x2e: {  	s3 =	simm.s32 @!p0 $0x1082;
	s9 =	sld [smem:$0x3FB6]  }
0x2f: {  	lr =	sadd.s32 s0, s3;
	s0 =	sld [smem:$0x3FAD]  }
0x30: {  	s3 =	sld [smem:$0x3FB0]  }
0x31: {  	[smem:$0x3FB9] =	sst s10  }
0x32: {  	s10 =	sld [smem:$0x3FB7];
	_ =	sdelay $0x3  }
0x33: {  	p0 =	seq.s32 s10, $0x1;
	s10 =	sld [smem:$0x3FB9];
	_ =	sdelay $0x3  }
0x34: {  	[smem:$0x3FB9] =	sst s10  }
0x35: {  	s10 =	sld [smem:$0x3FB8];
	_ =	sdelay $0x3  }
0x36: {  	p1 =	seq.s32 s10, $0x1;
	s10 =	sld [smem:$0x3FB9];
	_ =	sdelay $0x3  }
0x37: {  	[smem:$0x3FB9] =	sst s10  }
0x38: {  	s10 =	sld [smem:$0x3FBA]  }
0x39: {  	_ = 	snop;
	(pc) =	sbr.ind lr, $3  }
0x3a: {  	_ = 	snop  }
0x3b: {  	_ = 	snop  }
0x3c: {  	p2 =	seq.s32 s10, $0x1;
	s10 =	sld [smem:$0x3FB9]  }
0x3d: {  	_ =	shalt  }
0x3e: {  	_ =	shalt  }
0x3f: {  	_ =	shalt  }
0x40: {  	_ =	shalt  }
0x41: {  	_ =	shalt  }
0x42: {  	_ =	shalt  }
0x43: {  	_ =	shalt  }
0x44: {  	_ =	shalt  }
0x45: {  	_ =	shalt  }
0x46: {  	_ =	shalt  }
0x47: {  	_ =	shalt  }
0x48: {  	_ =	shalt  }
0x49: {  	_ =	shalt  }
0x4a: {  	_ =	shalt  }
0x4b: {  	_ =	shalt  }
0x4c: {  	_ =	shalt  }
0x4d: {  	_ =	shalt  }
0x4e: {  	_ =	shalt  }
0x4f: {  	_ =	shalt  }
0x50: {  	_ =	shalt  }
0x51: {  	_ =	shalt  }
0x52: {  	_ =	shalt  }
0x53: {  	_ =	shalt  }
0x54: {  	_ =	shalt  }
0x55: {  	_ =	shalt  }
0x56: {  	_ =	shalt  }
0x57: {  	_ =	shalt  }
0x58: {  	_ =	shalt  }
0x59: {  	_ =	shalt  }
0x5a: {  	_ =	shalt  }
0x5b: {  	_ =	shalt  }
0x5c: {  	_ =	shalt  }
0x5d: {  	_ =	shalt  }
0x5e: {  	_ =	shalt  }
0x5f: {  	_ =	shalt  }
0x60: {  	_ =	shalt  }
0x61: {  	_ =	shalt  }
0x62: {  	_ =	shalt  }
0x63: {  	_ =	shalt  }
0x64: {  	_ =	shalt  }
0x65: {  	_ =	shalt  }
0x66: {  	_ =	shalt  }
0x67: {  	_ =	shalt  }
0x68: {  	_ =	shalt  }
0x69: {  	_ =	shalt  }
0x6a: {  	_ =	shalt  }
0x6b: {  	_ =	shalt  }
0x6c: {  	_ =	shalt  }
0x6d: {  	_ =	shalt  }
0x6e: {  	_ =	shalt  }
0x6f: {  	_ =	shalt  }
0x70: {  	_ =	shalt  }
0x71: {  	_ =	shalt  }
0x72: {  	_ =	shalt  }
0x73: {  	_ =	shalt  }
0x74: {  	_ =	shalt  }
0x75: {  	_ =	shalt  }
0x76: {  	_ =	shalt  }
0x77: {  	_ =	shalt  }
0x78: {  	_ =	shalt  }
0x79: {  	_ =	shalt  }
0x7a: {  	_ =	shalt  }
0x7b: {  	_ =	shalt  }
0x7c: {  	_ =	shalt  }
0x7d: {  	_ =	shalt  }
0x7e: {  	_ =	shalt  }
0x7f: {  	_ =	shalt  }
0x80: {  	_ =	shalt  }
0x81: {  	_ =	shalt  }
0x82: {  	_ =	shalt  }
0x83: {  	_ =	shalt  }
0x84: {  	_ =	shalt  }
0x85: {  	_ =	shalt  }
0x86: {  	_ =	shalt  }
0x87: {  	_ =	shalt  }
.Lfunc_end0:
.L_simem_size_0:
called_computation_lowered:
.L_overlay_start_0:
0x88: {  	s2 =	sld [smem:$0x3FD9]  }
0x89: {  	s3 =	sld [smem:$0x3FFE];
	_ =	sdelay $0x1  }
0x8a: {  	s1 =	srdreg.scid  }
0x8b: {  	s0 =	sand.u32 $0x1, s1  }
0x8c: {  	s17 =	sshll.u32 s0, $0xA;
	s2 =	sadd.s32 s3, s2  }
0x8d: {  	s2 =	sadd.s32 s2, s17  }
0x8e: {  	[smem:$0x3FC5] =	sst s2  }
0x8f: {  	_ = 	snop  }
0x90: {  	s2 =	sld [smem:$0x3FC7];
	(tm) =	ssettm $0x1  }
0x91: {  	s18 =	sld [smem:$0x3FFB];
	_ =	sdelay $0x3  }
0x92: {  	_ =	strace s18  }
0x93: {  	s3 =	sld [smem:$0x3FFC];
	_ =	sdelay $0x3  }
0x94: {  	_ =	strace s3  }
0x95: {  	s3 =	sld [smem:$0x3FFD];
	_ =	sdelay $0x3  }
0x96: {  	_ =	strace s3  }
0x97: {  	_ =	strace $0x8FFFFFFF  }
0x98: {  	s19 =	sld [smem:$0x3FDB];
	_ =	sdelay $0x1  }
0x99: {  	s4 =	simm.s32 $_scs_section_size  }
0x9a: {  	s5 =	simm.s32 $_size__tile_overlayer_lowered;
	s6 =	simm.s32 $_tile_overlayer_lowered  }
0x9b: {  	s22 =	simm.s32 $0x1BFF;
	s21 =	sshll.u32 s6, $0x1;
	s3 =	sadd.s32 s4, s19  }
0x9c: {  	s7 =	simm.s32 $0x0;
	s20 =	sshll.u32 s5, $0x1;
	s5 =	sadd.s32 s21, s3  }
0x9d: {  	[timem:s7], [sflag:s22] =	dma.local [hbm:s5], s20  }
0x9e: {  	_ =	swait.ge [sflag:s22], s20  }
0x9f: {  	s4 =	ssub.s32 $0x0, s20;
	[sflag:s22] =	ssyncset.done $0x0  }
0xa0: {  	[sflag:s22] =	ssyncadd.s32 s4;
	_ =	sdelay $0x1  }
0xa1: {  	s23 =	simm.s32 $0x1B8B  }
0xa2: {  	_ =	swait.ge [sflag:s23], $0x1  }
0xa3: {  	[sflag:s23] =	ssyncset.done $0x0  }
0xa4: {  	s25 =	simm.s32 $0x1B8E;
	s24 =	sld [smem:$0x3FFE];
	[sflag:s23] =	ssyncadd.s32 $0xFFFFFFFF  }
0xa5: {  	s26 =	simm.s32 $execute0_lowered;
	[smem:$0x3FD2] =	sst s25  }
0xa6: {  	s5 =	sshll.u32 s26, $0x1;
	_ =	strace $0x80000046;
	[dreg:$0x1] =	wrdreg $0xFFFFFFFF  }
0xa7: {  	s28 =	simm.s32 $_size_execute0_lowered;
	s3 =	sadd.s32 s3, s5;
	[dreg:$0x0] =	wrdreg $0x0  }
0xa8: {  	s5 =	sshll.u32 s28, $0x1;
	[dreg:$0x2] =	wrdreg s3  }
0xa9: {  	[dreg:$0x3] =	wrdreg s5  }
0xaa: {  	[dreg:$0x4] =	wrdreg $0xC0  }
0xab: {  	_ =	task [dreg:s7], $0x5FFFF  }
0xac: {  	[dreg:$0x1] =	wrdreg $0xFFFFFFFF  }
0xad: {  	[dreg:$0x0] =	wrdreg $0x60  }
0xae: {  	[dreg:$0x2] =	wrdreg s24  }
0xaf: {  	[dreg:$0x3] =	wrdreg s2  }
0xb0: {  	[dreg:$0x4] =	wrdreg $0x9  }
0xb1: {  	_ =	task.clear_ibuf [dreg:s7], $0x5FFFF;
	_ =	strace $0x90000046  }
0xb2: {  	s29 =	simm.s32 $0x9;
	_ =	strace $0x80000048  }
0xb3: {  	_ =	swait.ge [sflag:s29], $0x1  }
0xb4: {  	[sflag:s29] =	ssyncadd.s32 $0xFFFFFFFF  }
0xb5: {  	_ =	strace $0x90000048  }
0xb6: {  	_ =	sfence  }
0xb7: {  	s30 =	sld [smem:$0x0];
	_ =	sdelay $0x2  }
0xb8: {  	s31 =	sshll.u32 s1, $0xD;
	s1 =	sshrl.u32 s1, $0x2  }
0xb9: {  	s3 =	sand.u32 $0x4000, s31;
	s1 =	sadd.s32 s1, s30  }
0xba: {  	s0 =	sor.u32 s3, s0;
	s1 =	sshll.u32 s1, $0x11  }
0xbb: {  	s0 =	sor.u32 s1, s0  }
0xbc: {  	s0 =	sadd.s32 $0x8F2B, s0  }
0xbd: {  	[sflag:s0] =	ssyncadd.remote.s32 $0x1  }
0xbe: {  	_ =	sfence.sel $0xFFFF  }
0xbf: {  	[dreg:$0x0] =	wrdreg $0xFFFFFFFF;
	(pc) =	sbr.abs _section_cstart, $3  }
0xc0: {  	[dreg:$0x1] =	wrdreg $0xFFFFFFFF  }
0xc1: {  	_ =	task.clear_ibuf [dreg:s7], $0x2FFFF;
	_ =	strace $0x9FFFFFFF  }
0xc2: {  	(tm) =	ssettm $0x7FFFFFFF  }
0xc3: {  	_ =	shalt  }
tec
execute0_lowered:
.L_overlay_start_1:
0x0: {  	(tag) =	ssettag $0x1  }
0x1: {  	s5 =	rddreg [dreg:$0x0]  }
0x2: {  	s1 =	rddreg [dreg:$0x1]  }
0x3: {  	s0 =	rddreg [dreg:$0x2]  }
0x4: {  	s2 =	simm.s32 $0x0;
	s3 =	srdreg.scid;
	s9 =	simm.s32 $0x400  }
0x5: {  	s10 =	simm.s32 $0x1;
	s11 =	simm.s32 $0x20;
	s12 =	simm.s32 $0x18780  }
0x6: {  	v0 =	vimm.f32 $0.0e+00;
	v2 =	vimm.s32 $0xF;
	s13 =	simm.s32 $0x18880;
	s14 =	simm.s32 $0x18900;
	s15 =	simm.s32 $0x18D00  }
0x7: {  	vm1 =	vcmask $0xB08;
	vm2 =	vcmask $0xF0C;
	vm3 =	vcmask $0x1310;
	s16 =	simm.s32 $0x0;
	[smem:$0x7FF] =	sst s2;
	s6 =	sand.u32 $0x1, s3  }
0x8: {  	vm4 =	vcmask $0x1714;
	vm5 =	vcmask $0x1B18;
	vm6 =	vcmask $0x1F1C;
	s4 =	sadd.s32 $0x600, s5;
	s3 =	stileid.u32;
	s7 =	ssub.s32 $0x2, s6  }
0x9: {  	v1 =	vimm.s32 $0x0;
	vm7 =	vcmask $0x2320;
	vm8 =	vcmask $0x2724;
	s5 =	sadd.s32 $0xC38600, s5;
	_ =	strace $0x80000047;
	s8 =	sshrl.u32 s7, $0x1  }
0xa: {  	vm9 =	vcmask $0x2B28;
	vm10 =	vcmask $0x2F2C;
	vm11 =	vcmask $0x3330;
	s31 =	sshll.u32 s3, $0x6;
	s6 =	sshll.u32 s6, $0x5;
	s7 =	ssub.s32 s7, s8  }
0xb: {  	vm12 =	vcmask $0x3734;
	vm13 =	vcmask $0x3B38;
	vm14 =	vcmask $0x3F3C;
	s6 =	sor.u32 s6, s31;
	s8 =	simm.s32 $0x80;
	s7 =	smax.u32 s7, $0x1  }
.LBB2_1:
0xc: {  	s17 =	simm.s32 $0x0  }
.LBB2_2:
0xd: {  	p0 =	sne.s32 s17, $0xFC0  }
.Ltmp0:
0xe: {  	_ = 	snop;
	(pc) =	sbr.rel @p0 .LBB2_2-.Ltmp0, $3  }
0xf: {  	_ =	sdelay $0x1  }
0x10: {  	s18 =	sshra.s32 s17, $0x2  }
0x11: {  	s17 =	sadd.s32 $0x40, s17;
	[tilespmem:s18+$0x18900] =	vst v0  }
0x12: {  	s17 =	simm.s32 $0x0  }
.LBB2_4:
0x13: {  	s18 =	sadd.s32 s6, s17  }
0x14: {  	s18 =	sshrl.u32 s18, $0x3  }
0x15: {  	s19 =	sshll.u32 s17, $0x7;
	s20 =	smul.u32 $0xC3800, s18  }
0x16: {  	s19 =	sand.u32 $0x380, s19  }
0x17: {  	s20 =	sor.u32 s19, s20  }
0x18: {  	s20 =	sshrl.u32 s20, $0x3  }
0x19: {  	s20 =	sadd.s32 s4, s20  }
0x1a: {  	[tilespmem:s2], [sflag:$0x1] =	stream.strided.gather [hbm4b:s20+s8], $0x18700, s9, s8, $0x38;
	[tilespmem:$0x19100] =	vst v63  }
0x1b: {  	_ =	swait.ge [sflag:s10], $0x18700  }
0x1c: {  	[sflag:s10] =	ssyncset.done $0x0  }
0x1d: {  	[sflag:s10] =	ssyncadd.s32 $0xFFFE7900  }
0x1e: {  	v3 =	vld [tilespmem:$0x0]  }
0x1f: {  	v4 =	vld [tilespmem:$0x10]  }
0x20: {  	v5 =	vld [tilespmem:$0x20]  }
0x21: {  	v6 =	vld [tilespmem:$0x30]  }
0x22: {  	v7 =	vld [tilespmem:$0x40]  }
0x23: {  	v8 =	vld [tilespmem:$0x50]  }
0x24: {  	v9 =	vld [tilespmem:$0x60]  }
0x25: {  	v10 =	vld [tilespmem:$0x70]  }
0x26: {  	v11 =	vld [tilespmem:$0x80]  }
0x27: {  	v12 =	vld [tilespmem:$0x90]  }
0x28: {  	v13 =	vld [tilespmem:$0xA0]  }
0x29: {  	v14 =	vld [tilespmem:$0xB0]  }
0x2a: {  	v15 =	vld [tilespmem:$0xC0]  }
0x2b: {  	v16 =	vld [tilespmem:$0xD0]  }
0x2c: {  	v17 =	vld [tilespmem:$0xE0]  }
0x2d: {  	v18 =	vld [tilespmem:$0xF0];
	_ =	sdelay $0x2  }
0x2e: {  	v4 =	vmax.f32 v3, v4;
	v5 =	vmax.f32 v5, v6;
	v6 =	vmax.f32 v7, v8  }
0x2f: {  	v7 =	vmax.f32 v9, v10;
	v60 =	vmax.f32 v11, v12;
	v61 =	vmax.f32 v13, v14  }
0x30: {  	v62 =	vmax.f32 v15, v16;
	v63 =	vmax.f32 v17, v18;
	v4 =	vmax.f32 v4, v5  }
0x31: {  	v5 =	vmax.f32 v6, v7;
	v6 =	vmax.f32 v60, v61;
	v7 =	vmax.f32 v62, v63  }
0x32: {  	v4 =	vmax.f32 v4, v5;
	v5 =	vmax.f32 v6, v7  }
0x33: {  	v4 =	vmax.f32 v4, v5  }
0x34: {  	vm15 =	vgt.f32 v4, $-1.000000020e+30  }
0x35: {  	v4 =	vmpcnt.ones.xlane vm15;
	_ =	sdelay $0x1  }
0x36: {  	(v2sf) =	vpush v4, $0x0;
	_ =	sdelay $0xe  }
0x37: {  	s31 =	spop (v2sf)  }
0x38: {  	p0 =	slt.s32 s31, $0x1  }
.Ltmp1:
0x39: {  	[tilespmem:$0x18780] =	vst v1;
	(pc) =	sbr.rel @p0 .LBB2_6-.Ltmp1, $4  }
0x3a: {  	[tilespmem:$0x18790] =	vst v1;
	v4 =	vimm.f32 $-1.000000020e+30  }
0x3b: {  	[tilespmem:$0x18700] =	vst v4  }
0x3c: {  	[tilespmem:$0x18710] =	vst v4  }
0x3d: {  	[tilespmem:$0x18800] =	vst v4  }
0x3e: {  	vm15 =	vgt.f32 v3, $-1.000000020e+30  }
0x3f: {  	v4 =	vmpcnt.ones.xlane vm15;
	_ =	sdelay $0x1  }
0x40: {  	(v2sf) =	vpush v4, $0x0;
	_ =	sdelay $0xe  }
0x41: {  	s20 =	spop (v2sf)  }
0x42: {  	p0 =	slt.s32 s20, $0x1  }
0x43: {  	v4 =	vlaneseq.u32 @!p0  }
0x44: {  	(xrf1) =	vsort.ascd.msk.f32 @!p0 $0xffff, v3, v4;
	_ =	sdelay $0xb  }
0x45: {  	v3 =	vmul.u32 @!p0 $0xFFFFFFFF, v4;
	v4 =	vld @!p0 [tilespmem:$0x18700]  }
0x46: {  	v5 =	vld @!p0 [tilespmem:$0x18780]  }
0x47: {  	v8 =	vld @!p0 [tilespmem:$0x18710];
	v3 =	vadd.s32 @!p0 $0xF, v3;
	v6, v7, _ =	vpop @!p0 (xrf1)  }
0x48: {  	v9 =	vld @!p0 [tilespmem:$0x18790];
	v6 =	vperm.xlane @!p0 v6, v3;
	_ =	sdelay $0x1  }
0x49: {  	v3 =	vperm.xlane @!p0 v7, v3;
	vm15 =	vgt.f32 @!p0 v6, v4  }
0x4a: {  	v4 =	vsel @!p0 vm15, v6, v4  }
0x4b: {  	v5 =	vsel @!p0 vm15, v3, v5;
	vm15 =	vgt.f32 @!p0 v4, v8  }
0x4c: {  	v3 =	vsel @!p0 vm15, v8, v4;
	v6 =	vsel @!p0 vm15, v9, v5  }
0x4d: {  	(xrf1) =	vsort.ascd.msk.f32 @!p0 $0xffff, v3, v6;
	_ =	sdelay $0xc  }
0x4e: {  	v6 =	vld [tilespmem:$0x10]  }
0x4f: {  	v3 =	vimm.s32 @!p0 $0x0;
	v7, v10, _ =	vpop @!p0 (xrf1)  }
0x50: {  	v3 =	vperm.xlane @!p0 v7, v3;
	_ =	sdelay $0x1  }
0x51: {  	v11 =	vpsel p0, $0xF149F2CA, v3  }
0x52: {  	vm0 =	vgt.f32 v6, v11  }
0x53: {  	v12 =	vmpcnt.ones.xlane vm0;
	_ =	sdelay $0x1  }
0x54: {  	(v2sf) =	vpush v12, $0x0;
	_ =	sdelay $0xe  }
0x55: {  	s26 =	spop (v2sf)  }
0x56: {  	v4 =	vsel @!p0 vm15, v4, v8;
	v5 =	vsel @!p0 vm15, v5, v9;
	p1 =	slt.s32 s26, $0x1  }
0x57: {  	(xrf1) =	vsort.ascd.msk.f32 @!p0 $0xffff, v4, v5;
	v4 =	vlaneseq.u32 @!p1  }
0x58: {  	v5 =	vor.u32 @!p1 $0x10, v4  }
0x59: {  	(xrf1) =	vsort.ascd.msk.f32 @!p1 $0xffff, v6, v5;
	_ =	sdelay $0xa  }
0x5a: {  	[tilespmem:$0x18700] =	vst @!p0 v7  }
0x5b: {  	[tilespmem:$0x18780] =	vst @!p0 v10;
	v7 =	vld @!p1 [tilespmem:$0x18700];
	v4 =	vmul.u32 @!p1 $0xFFFFFFFF, v4;
	v5, v6, _ =	vpop @!p0 (xrf1)  }
0x5c: {  	[tilespmem:$0x18710] =	vst @!p0 v5;
	v5 =	vld @!p1 [tilespmem:$0x18780]  }
0x5d: {  	v4 =	vadd.s32 @!p1 $0xF, v4;
	[tilespmem:$0x18790] =	vst @!p0 v6;
	v9 =	vld @!p1 [tilespmem:$0x18710];
	v6, v8, _ =	vpop @!p1 (xrf1)  }
0x5e: {  	v10 =	vld @!p1 [tilespmem:$0x18790];
	v6 =	vperm.xlane @!p1 v6, v4;
	_ =	sdelay $0x1  }
0x5f: {  	v4 =	vperm.xlane @!p1 v8, v4;
	vm0 =	vgt.f32 @!p1 v6, v7  }
0x60: {  	v6 =	vsel @!p1 vm0, v6, v7  }
0x61: {  	v5 =	vsel @!p1 vm0, v4, v5;
	vm0 =	vgt.f32 @!p1 v6, v9  }
0x62: {  	v4 =	vsel @!p1 vm0, v9, v6;
	v7 =	vsel @!p1 vm0, v10, v5  }
0x63: {  	(xrf1) =	vsort.ascd.msk.f32 @!p1 $0xffff, v4, v7;
	_ =	sdelay $0xc  }
0x64: {  	v7 =	vld [tilespmem:$0x20]  }
0x65: {  	v4 =	vimm.s32 @!p1 $0x0;
	v8, v12, _ =	vpop @!p1 (xrf1)  }
0x66: {  	v4 =	vperm.xlane @!p1 v8, v4;
	_ =	sdelay $0x1  }
0x67: {  	v11 =	vpsel p1, v11, v4  }
0x68: {  	vm15 =	vgt.f32 v7, v11  }
0x69: {  	v13 =	vmpcnt.ones.xlane vm15;
	_ =	sdelay $0x1  }
0x6a: {  	(v2sf) =	vpush v13, $0x0;
	_ =	sdelay $0xe  }
0x6b: {  	s20 =	simm.s32 @!p0 $0x0;
	s28 =	spop (v2sf)  }
0x6c: {  	s20 =	simm.s32 @p0 $0x1;
	v6 =	vsel @!p1 vm0, v6, v9;
	v5 =	vsel @!p1 vm0, v5, v10;
	p0 =	slt.s32 s28, $0x1  }
0x6d: {  	(xrf1) =	vsort.ascd.msk.f32 @!p1 $0xffff, v6, v5;
	v5 =	vlaneseq.u32 @!p0  }
0x6e: {  	v6 =	vor.u32 @!p0 $0x20, v5  }
0x6f: {  	(xrf1) =	vsort.ascd.msk.f32 @!p0 $0xffff, v7, v6;
	_ =	sdelay $0xa  }
0x70: {  	[tilespmem:$0x18700] =	vst @!p1 v8  }
0x71: {  	[tilespmem:$0x18780] =	vst @!p1 v12;
	v8 =	vld @!p0 [tilespmem:$0x18700];
	v5 =	vmul.u32 @!p0 $0xFFFFFFFF, v5;
	v6, v7, _ =	vpop @!p1 (xrf1)  }
0x72: {  	[tilespmem:$0x18710] =	vst @!p1 v6;
	v6 =	vld @!p0 [tilespmem:$0x18780]  }
0x73: {  	v5 =	vadd.s32 @!p0 $0xF, v5;
	[tilespmem:$0x18790] =	vst @!p1 v7;
	v10 =	vld @!p0 [tilespmem:$0x18710];
	v7, v9, _ =	vpop @!p0 (xrf1)  }
0x74: {  	v12 =	vld @!p0 [tilespmem:$0x18790];
	v7 =	vperm.xlane @!p0 v7, v5;
	_ =	sdelay $0x1  }
0x75: {  	v5 =	vperm.xlane @!p0 v9, v5;
	vm0 =	vgt.f32 @!p0 v7, v8  }
0x76: {  	v7 =	vsel @!p0 vm0, v7, v8  }
0x77: {  	v6 =	vsel @!p0 vm0, v5, v6;
	vm0 =	vgt.f32 @!p0 v7, v10  }
0x78: {  	v5 =	vsel @!p0 vm0, v10, v7;
	v8 =	vsel @!p0 vm0, v12, v6  }
0x79: {  	(xrf1) =	vsort.ascd.msk.f32 @!p0 $0xffff, v5, v8;
	_ =	sdelay $0xc  }
0x7a: {  	v8 =	vld [tilespmem:$0x30]  }
0x7b: {  	v5 =	vimm.s32 @!p0 $0x0;
	v9, v13, _ =	vpop @!p0 (xrf1)  }
0x7c: {  	v5 =	vperm.xlane @!p0 v9, v5;
	_ =	sdelay $0x1  }
0x7d: {  	v11 =	vpsel p0, v11, v5  }
0x7e: {  	vm15 =	vgt.f32 v8, v11  }
0x7f: {  	v14 =	vmpcnt.ones.xlane vm15;
	_ =	sdelay $0x1  }
0x80: {  	(v2sf) =	vpush v14, $0x0;
	_ =	sdelay $0xe  }
0x81: {  	[smem:$0x7F4] =	sst s20;
	s20 =	simm.s32 @!p1 $0x0;
	s29 =	spop (v2sf)  }
0x82: {  	s20 =	simm.s32 @p1 $0x1;
	v7 =	vsel @!p0 vm0, v7, v10;
	v6 =	vsel @!p0 vm0, v6, v12;
	p1 =	slt.s32 s29, $0x1  }
0x83: {  	(xrf1) =	vsort.ascd.msk.f32 @!p0 $0xffff, v7, v6;
	v6 =	vlaneseq.u32 @!p1  }
0x84: {  	v7 =	vor.u32 @!p1 $0x30, v6  }
0x85: {  	(xrf1) =	vsort.ascd.msk.f32 @!p1 $0xffff, v8, v7;
	_ =	sdelay $0xa  }
0x86: {  	[tilespmem:$0x18700] =	vst @!p0 v9  }
0x87: {  	[tilespmem:$0x18780] =	vst @!p0 v13;
	v9 =	vld @!p1 [tilespmem:$0x18700];
	v6 =	vmul.u32 @!p1 $0xFFFFFFFF, v6;
	v7, v8, _ =	vpop @!p0 (xrf1)  }
0x88: {  	[tilespmem:$0x18710] =	vst @!p0 v7;
	v7 =	vld @!p1 [tilespmem:$0x18780]  }
0x89: {  	v6 =	vadd.s32 @!p1 $0xF, v6;
	[tilespmem:$0x18790] =	vst @!p0 v8;
	v12 =	vld @!p1 [tilespmem:$0x18710];
	v8, v10, _ =	vpop @!p1 (xrf1)  }
0x8a: {  	v13 =	vld @!p1 [tilespmem:$0x18790];
	v8 =	vperm.xlane @!p1 v8, v6;
	_ =	sdelay $0x1  }
0x8b: {  	v6 =	vperm.xlane @!p1 v10, v6;
	vm0 =	vgt.f32 @!p1 v8, v9  }
0x8c: {  	v8 =	vsel @!p1 vm0, v8, v9  }
0x8d: {  	v7 =	vsel @!p1 vm0, v6, v7;
	vm0 =	vgt.f32 @!p1 v8, v12  }
0x8e: {  	v6 =	vsel @!p1 vm0, v12, v8;
	v9 =	vsel @!p1 vm0, v13, v7  }
0x8f: {  	(xrf1) =	vsort.ascd.msk.f32 @!p1 $0xffff, v6, v9;
	_ =	sdelay $0xc  }
0x90: {  	v9 =	vld [tilespmem:$0x40]  }
0x91: {  	v6 =	vimm.s32 @!p1 $0x0;
	v10, v14, _ =	vpop @!p1 (xrf1)  }
0x92: {  	v6 =	vperm.xlane @!p1 v10, v6;
	_ =	sdelay $0x1  }
0x93: {  	v11 =	vpsel p1, v11, v6  }
0x94: {  	vm15 =	vgt.f32 v9, v11  }
0x95: {  	v15 =	vmpcnt.ones.xlane vm15;
	_ =	sdelay $0x1  }
0x96: {  	(v2sf) =	vpush v15, $0x0;
	_ =	sdelay $0xe  }
0x97: {  	[smem:$0x7F5] =	sst s20;
	s20 =	simm.s32 @!p0 $0x0;
	s30 =	spop (v2sf)  }
0x98: {  	s20 =	simm.s32 @p0 $0x1;
	v8 =	vsel @!p1 vm0, v8, v12;
	v7 =	vsel @!p1 vm0, v7, v13;
	p0 =	slt.s32 s30, $0x1  }
0x99: {  	(xrf1) =	vsort.ascd.msk.f32 @!p1 $0xffff, v8, v7;
	v7 =	vlaneseq.u32 @!p0  }
0x9a: {  	v8 =	vor.u32 @!p0 $0x40, v7  }
0x9b: {  	(xrf1) =	vsort.ascd.msk.f32 @!p0 $0xffff, v9, v8;
	_ =	sdelay $0xa  }
0x9c: {  	[tilespmem:$0x18700] =	vst @!p1 v10  }
0x9d: {  	[tilespmem:$0x18780] =	vst @!p1 v14;
	v10 =	vld @!p0 [tilespmem:$0x18700];
	v7 =	vmul.u32 @!p0 $0xFFFFFFFF, v7;
	v8, v9, _ =	vpop @!p1 (xrf1)  }
0x9e: {  	[tilespmem:$0x18710] =	vst @!p1 v8;
	v8 =	vld @!p0 [tilespmem:$0x18780]  }
0x9f: {  	v7 =	vadd.s32 @!p0 $0xF, v7;
	[tilespmem:$0x18790] =	vst @!p1 v9;
	v13 =	vld @!p0 [tilespmem:$0x18710];
	v9, v12, _ =	vpop @!p0 (xrf1)  }
0xa0: {  	v14 =	vld @!p0 [tilespmem:$0x18790];
	v9 =	vperm.xlane @!p0 v9, v7;
	_ =	sdelay $0x1  }
0xa1: {  	v7 =	vperm.xlane @!p0 v12, v7;
	vm0 =	vgt.f32 @!p0 v9, v10  }
0xa2: {  	v9 =	vsel @!p0 vm0, v9, v10  }
0xa3: {  	v8 =	vsel @!p0 vm0, v7, v8;
	vm0 =	vgt.f32 @!p0 v9, v13  }
0xa4: {  	v7 =	vsel @!p0 vm0, v13, v9;
	v10 =	vsel @!p0 vm0, v14, v8  }
0xa5: {  	(xrf1) =	vsort.ascd.msk.f32 @!p0 $0xffff, v7, v10;
	_ =	sdelay $0xc  }
0xa6: {  	v10 =	vld [tilespmem:$0x50]  }
0xa7: {  	v7 =	vimm.s32 @!p0 $0x0;
	v12, v15, _ =	vpop @!p0 (xrf1)  }
0xa8: {  	v7 =	vperm.xlane @!p0 v12, v7;
	_ =	sdelay $0x1  }
0xa9: {  	v11 =	vpsel p0, v11, v7  }
0xaa: {  	vm15 =	vgt.f32 v10, v11  }
0xab: {  	v16 =	vmpcnt.ones.xlane vm15;
	_ =	sdelay $0x1  }
0xac: {  	(v2sf) =	vpush v16, $0x0;
	_ =	sdelay $0xe  }
0xad: {  	[smem:$0x7F6] =	sst s20;
	s20 =	simm.s32 @!p1 $0x0;
	s31 =	spop (v2sf)  }
0xae: {  	s20 =	simm.s32 @p1 $0x1;
	v9 =	vsel @!p0 vm0, v9, v13;
	v8 =	vsel @!p0 vm0, v8, v14;
	p1 =	slt.s32 s31, $0x1  }
0xaf: {  	(xrf1) =	vsort.ascd.msk.f32 @!p0 $0xffff, v9, v8;
	v8 =	vlaneseq.u32 @!p1  }
0xb0: {  	v9 =	vor.u32 @!p1 $0x50, v8  }
0xb1: {  	(xrf1) =	vsort.ascd.msk.f32 @!p1 $0xffff, v10, v9;
	_ =	sdelay $0xa  }
0xb2: {  	[tilespmem:$0x18700] =	vst @!p0 v12  }
0xb3: {  	[tilespmem:$0x18780] =	vst @!p0 v15;
	v12 =	vld @!p1 [tilespmem:$0x18700];
	v8 =	vmul.u32 @!p1 $0xFFFFFFFF, v8;
	v9, v10, _ =	vpop @!p0 (xrf1)  }
0xb4: {  	[tilespmem:$0x18710] =	vst @!p0 v9;
	v9 =	vld @!p1 [tilespmem:$0x18780]  }
0xb5: {  	v8 =	vadd.s32 @!p1 $0xF, v8;
	[tilespmem:$0x18790] =	vst @!p0 v10;
	v14 =	vld @!p1 [tilespmem:$0x18710];
	v10, v13, _ =	vpop @!p1 (xrf1)  }
0xb6: {  	v15 =	vld @!p1 [tilespmem:$0x18790];
	v10 =	vperm.xlane @!p1 v10, v8;
	_ =	sdelay $0x1  }
0xb7: {  	v8 =	vperm.xlane @!p1 v13, v8;
	vm0 =	vgt.f32 @!p1 v10, v12  }
0xb8: {  	v10 =	vsel @!p1 vm0, v10, v12  }
0xb9: {  	v9 =	vsel @!p1 vm0, v8, v9;
	vm0 =	vgt.f32 @!p1 v10, v14  }
0xba: {  	v8 =	vsel @!p1 vm0, v14, v10;
	v12 =	vsel @!p1 vm0, v15, v9  }
0xbb: {  	(xrf1) =	vsort.ascd.msk.f32 @!p1 $0xffff, v8, v12;
	_ =	sdelay $0xc  }
0xbc: {  	v12 =	vld [tilespmem:$0x60]  }
0xbd: {  	v8 =	vimm.s32 @!p1 $0x0;
	v13, v16, _ =	vpop @!p1 (xrf1)  }
0xbe: {  	v8 =	vperm.xlane @!p1 v13, v8;
	_ =	sdelay $0x1  }
0xbf: {  	v11 =	vpsel p1, v11, v8  }
0xc0: {  	vm15 =	vgt.f32 v12, v11  }
0xc1: {  	v17 =	vmpcnt.ones.xlane vm15;
	_ =	sdelay $0x1  }
0xc2: {  	(v2sf) =	vpush v17, $0x0;
	_ =	sdelay $0xe  }
0xc3: {  	[smem:$0x7F7] =	sst s20;
	s20 =	simm.s32 @!p0 $0x0;
	s21 =	spop (v2sf)  }
0xc4: {  	s20 =	simm.s32 @p0 $0x1;
	v10 =	vsel @!p1 vm0, v10, v14;
	v9 =	vsel @!p1 vm0, v9, v15;
	p0 =	slt.s32 s21, $0x1  }
0xc5: {  	(xrf1) =	vsort.ascd.msk.f32 @!p1 $0xffff, v10, v9;
	v9 =	vlaneseq.u32 @!p0  }
0xc6: {  	v10 =	vor.u32 @!p0 $0x60, v9  }
0xc7: {  	(xrf1) =	vsort.ascd.msk.f32 @!p0 $0xffff, v12, v10;
	_ =	sdelay $0xa  }
0xc8: {  	[tilespmem:$0x18700] =	vst @!p1 v13  }
0xc9: {  	[tilespmem:$0x18780] =	vst @!p1 v16;
	v13 =	vld @!p0 [tilespmem:$0x18700];
	v9 =	vmul.u32 @!p0 $0xFFFFFFFF, v9;
	v10, v12, _ =	vpop @!p1 (xrf1)  }
0xca: {  	[tilespmem:$0x18710] =	vst @!p1 v10;
	v10 =	vld @!p0 [tilespmem:$0x18780]  }
0xcb: {  	v9 =	vadd.s32 @!p0 $0xF, v9;
	[tilespmem:$0x18790] =	vst @!p1 v12;
	v15 =	vld @!p0 [tilespmem:$0x18710];
	v12, v14, _ =	vpop @!p0 (xrf1)  }
0xcc: {  	v16 =	vld @!p0 [tilespmem:$0x18790];
	v12 =	vperm.xlane @!p0 v12, v9;
	_ =	sdelay $0x1  }
0xcd: {  	v9 =	vperm.xlane @!p0 v14, v9;
	vm0 =	vgt.f32 @!p0 v12, v13  }
0xce: {  	v12 =	vsel @!p0 vm0, v12, v13  }
0xcf: {  	v10 =	vsel @!p0 vm0, v9, v10;
	vm0 =	vgt.f32 @!p0 v12, v15  }
0xd0: {  	v9 =	vsel @!p0 vm0, v15, v12;
	v13 =	vsel @!p0 vm0, v16, v10  }
0xd1: {  	(xrf1) =	vsort.ascd.msk.f32 @!p0 $0xffff, v9, v13;
	_ =	sdelay $0xc  }
0xd2: {  	v13 =	vld [tilespmem:$0x70]  }
0xd3: {  	v9 =	vimm.s32 @!p0 $0x0;
	v14, v17, _ =	vpop @!p0 (xrf1)  }
0xd4: {  	v9 =	vperm.xlane @!p0 v14, v9;
	_ =	sdelay $0x1  }
0xd5: {  	v11 =	vpsel p0, v11, v9  }
0xd6: {  	vm15 =	vgt.f32 v13, v11  }
0xd7: {  	v18 =	vmpcnt.ones.xlane vm15;
	_ =	sdelay $0x1  }
0xd8: {  	(v2sf) =	vpush v18, $0x0;
	_ =	sdelay $0xe  }
0xd9: {  	[smem:$0x7F8] =	sst s20;
	s20 =	simm.s32 @!p1 $0x0;
	s22 =	spop (v2sf)  }
0xda: {  	s20 =	simm.s32 @p1 $0x1;
	v12 =	vsel @!p0 vm0, v12, v15;
	v10 =	vsel @!p0 vm0, v10, v16;
	p1 =	slt.s32 s22, $0x1  }
0xdb: {  	(xrf1) =	vsort.ascd.msk.f32 @!p0 $0xffff, v12, v10;
	v10 =	vlaneseq.u32 @!p1  }
0xdc: {  	v12 =	vor.u32 @!p1 $0x70, v10  }
0xdd: {  	(xrf1) =	vsort.ascd.msk.f32 @!p1 $0xffff, v13, v12;
	_ =	sdelay $0xa  }
0xde: {  	[tilespmem:$0x18700] =	vst @!p0 v14  }
0xdf: {  	[tilespmem:$0x18780] =	vst @!p0 v17;
	v14 =	vld @!p1 [tilespmem:$0x18700];
	v10 =	vmul.u32 @!p1 $0xFFFFFFFF, v10;
	v12, v13, _ =	vpop @!p0 (xrf1)  }
0xe0: {  	[tilespmem:$0x18710] =	vst @!p0 v12;
	v12 =	vld @!p1 [tilespmem:$0x18780]  }
0xe1: {  	v10 =	vadd.s32 @!p1 $0xF, v10;
	[tilespmem:$0x18790] =	vst @!p0 v13;
	v16 =	vld @!p1 [tilespmem:$0x18710];
	v13, v15, _ =	vpop @!p1 (xrf1)  }
0xe2: {  	v17 =	vld @!p1 [tilespmem:$0x18790];
	v13 =	vperm.xlane @!p1 v13, v10;
	_ =	sdelay $0x1  }
0xe3: {  	v10 =	vperm.xlane @!p1 v15, v10;
	vm0 =	vgt.f32 @!p1 v13, v14  }
0xe4: {  	v13 =	vsel @!p1 vm0, v13, v14  }
0xe5: {  	v12 =	vsel @!p1 vm0, v10, v12;
	vm0 =	vgt.f32 @!p1 v13, v16  }
0xe6: {  	v10 =	vsel @!p1 vm0, v16, v13;
	v14 =	vsel @!p1 vm0, v17, v12  }
0xe7: {  	(xrf1) =	vsort.ascd.msk.f32 @!p1 $0xffff, v10, v14;
	_ =	sdelay $0xc  }
0xe8: {  	v14 =	vld [tilespmem:$0x80]  }
0xe9: {  	v10 =	vimm.s32 @!p1 $0x0;
	v15, v18, _ =	vpop @!p1 (xrf1)  }
0xea: {  	v10 =	vperm.xlane @!p1 v15, v10;
	_ =	sdelay $0x1  }
0xeb: {  	v19 =	vpsel p1, v11, v10  }
0xec: {  	vm15 =	vgt.f32 v14, v19  }
0xed: {  	v63 =	vmpcnt.ones.xlane vm15;
	_ =	sdelay $0x1  }
0xee: {  	(v2sf) =	vpush v63, $0x0;
	_ =	sdelay $0xe  }
0xef: {  	[smem:$0x7F9] =	sst s20;
	s20 =	simm.s32 @!p0 $0x0;
	s23 =	spop (v2sf)  }
0xf0: {  	s20 =	simm.s32 @p0 $0x1;
	v12 =	vsel @!p1 vm0, v12, v17;
	v11 =	vsel @!p1 vm0, v13, v16;
	p0 =	slt.s32 s23, $0x1  }
0xf1: {  	(xrf1) =	vsort.ascd.msk.f32 @!p1 $0xffff, v11, v12;
	v11 =	vlaneseq.u32 @!p0  }
0xf2: {  	v12 =	vor.u32 @!p0 $0x80, v11  }
0xf3: {  	(xrf1) =	vsort.ascd.msk.f32 @!p0 $0xffff, v14, v12;
	_ =	sdelay $0xa  }
0xf4: {  	[tilespmem:$0x18700] =	vst @!p1 v15  }
0xf5: {  	[tilespmem:$0x18780] =	vst @!p1 v18;
	v11 =	vmul.u32 @!p0 $0xFFFFFFFF, v11;
	v14 =	vld @!p0 [tilespmem:$0x18700];
	v12, v13, _ =	vpop @!p1 (xrf1)  }
0xf6: {  	[tilespmem:$0x18710] =	vst @!p1 v12;
	v12 =	vld @!p0 [tilespmem:$0x18780]  }
0xf7: {  	v11 =	vadd.s32 @!p0 $0xF, v11;
	[tilespmem:$0x18790] =	vst @!p1 v13;
	v16 =	vld @!p0 [tilespmem:$0x18710];
	v13, v15, _ =	vpop @!p0 (xrf1)  }
0xf8: {  	v17 =	vld @!p0 [tilespmem:$0x18790];
	v13 =	vperm.xlane @!p0 v13, v11;
	_ =	sdelay $0x1  }
0xf9: {  	v11 =	vperm.xlane @!p0 v15, v11;
	vm0 =	vgt.f32 @!p0 v13, v14  }
0xfa: {  	v13 =	vsel @!p0 vm0, v13, v14  }
0xfb: {  	v12 =	vsel @!p0 vm0, v11, v12;
	vm0 =	vgt.f32 @!p0 v13, v16  }
0xfc: {  	v11 =	vsel @!p0 vm0, v16, v13;
	v14 =	vsel @!p0 vm0, v17, v12  }
0xfd: {  	(xrf1) =	vsort.ascd.msk.f32 @!p0 $0xffff, v11, v14;
	_ =	sdelay $0xc  }
0xfe: {  	v14 =	vld [tilespmem:$0x90]  }
0xff: {  	v11 =	vimm.s32 @!p0 $0x0;
	v15, v18, _ =	vpop @!p0 (xrf1)  }
0x100: {  	v11 =	vperm.xlane @!p0 v15, v11;
	_ =	sdelay $0x1  }
0x101: {  	v19 =	vpsel p0, v19, v11  }
0x102: {  	vm15 =	vgt.f32 v14, v19  }
0x103: {  	v20 =	vmpcnt.ones.xlane vm15;
	_ =	sdelay $0x1  }
0x104: {  	(v2sf) =	vpush v20, $0x0;
	_ =	sdelay $0xe  }
0x105: {  	[smem:$0x7FA] =	sst s20;
	s20 =	simm.s32 @!p1 $0x0;
	s24 =	spop (v2sf)  }
0x106: {  	s20 =	simm.s32 @p1 $0x1;
	v13 =	vsel @!p0 vm0, v13, v16;
	v12 =	vsel @!p0 vm0, v12, v17;
	p1 =	slt.s32 s24, $0x1  }
0x107: {  	(xrf1) =	vsort.ascd.msk.f32 @!p0 $0xffff, v13, v12;
	v12 =	vlaneseq.u32 @!p1  }
0x108: {  	v13 =	vor.u32 @!p1 $0x90, v12  }
0x109: {  	(xrf1) =	vsort.ascd.msk.f32 @!p1 $0xffff, v14, v13;
	_ =	sdelay $0xa  }
0x10a: {  	[tilespmem:$0x18700] =	vst @!p0 v15  }
0x10b: {  	[tilespmem:$0x18780] =	vst @!p0 v18;
	v15 =	vld @!p1 [tilespmem:$0x18700];
	v12 =	vmul.u32 @!p1 $0xFFFFFFFF, v12;
	v13, v14, _ =	vpop @!p0 (xrf1)  }
0x10c: {  	[tilespmem:$0x18710] =	vst @!p0 v13;
	v13 =	vld @!p1 [tilespmem:$0x18780]  }
0x10d: {  	v12 =	vadd.s32 @!p1 $0xF, v12;
	[tilespmem:$0x18790] =	vst @!p0 v14;
	v17 =	vld @!p1 [tilespmem:$0x18710];
	v14, v16, _ =	vpop @!p1 (xrf1)  }
0x10e: {  	v18 =	vld @!p1 [tilespmem:$0x18790];
	v14 =	vperm.xlane @!p1 v14, v12;
	_ =	sdelay $0x1  }
0x10f: {  	v12 =	vperm.xlane @!p1 v16, v12;
	vm0 =	vgt.f32 @!p1 v14, v15  }
0x110: {  	v14 =	vsel @!p1 vm0, v14, v15  }
0x111: {  	v13 =	vsel @!p1 vm0, v12, v13;
	vm0 =	vgt.f32 @!p1 v14, v17  }
0x112: {  	v12 =	vsel @!p1 vm0, v17, v14;
	v15 =	vsel @!p1 vm0, v18, v13  }
0x113: {  	(xrf1) =	vsort.ascd.msk.f32 @!p1 $0xffff, v12, v15;
	_ =	sdelay $0xc  }
0x114: {  	v15 =	vld [tilespmem:$0xA0]  }
0x115: {  	v12 =	vimm.s32 @!p1 $0x0;
	v16, v20, _ =	vpop @!p1 (xrf1)  }
0x116: {  	v12 =	vperm.xlane @!p1 v16, v12;
	_ =	sdelay $0x1  }
0x117: {  	v19 =	vpsel p1, v19, v12  }
0x118: {  	vm15 =	vgt.f32 v15, v19  }
0x119: {  	v21 =	vmpcnt.ones.xlane vm15;
	_ =	sdelay $0x1  }
0x11a: {  	(v2sf) =	vpush v21, $0x0;
	_ =	sdelay $0xe  }
0x11b: {  	s25 =	spop (v2sf)  }
0x11c: {  	v14 =	vsel @!p1 vm0, v14, v17;
	v13 =	vsel @!p1 vm0, v13, v18;
	p5 =	slt.s32 s25, $0x1  }
0x11d: {  	(xrf1) =	vsort.ascd.msk.f32 @!p1 $0xffff, v14, v13;
	v13 =	vlaneseq.u32 @!p5  }
0x11e: {  	v14 =	vor.u32 @!p5 $0xA0, v13  }
0x11f: {  	(xrf1) =	vsort.ascd.msk.f32 @!p5 $0xffff, v15, v14;
	_ =	sdelay $0xa  }
0x120: {  	[tilespmem:$0x18700] =	vst @!p1 v16  }
0x121: {  	[tilespmem:$0x18780] =	vst @!p1 v20;
	v16 =	vld @!p5 [tilespmem:$0x18700];
	v13 =	vmul.u32 @!p5 $0xFFFFFFFF, v13;
	v14, v15, _ =	vpop @!p1 (xrf1)  }
0x122: {  	[tilespmem:$0x18710] =	vst @!p1 v14;
	v14 =	vld @!p5 [tilespmem:$0x18780]  }
0x123: {  	v13 =	vadd.s32 @!p5 $0xF, v13;
	[tilespmem:$0x18790] =	vst @!p1 v15;
	v18 =	vld @!p5 [tilespmem:$0x18710];
	v15, v17, _ =	vpop @!p5 (xrf1)  }
0x124: {  	v20 =	vld @!p5 [tilespmem:$0x18790];
	v15 =	vperm.xlane @!p5 v15, v13;
	_ =	sdelay $0x1  }
0x125: {  	v13 =	vperm.xlane @!p5 v17, v13;
	vm0 =	vgt.f32 @!p5 v15, v16  }
0x126: {  	v15 =	vsel @!p5 vm0, v15, v16  }
0x127: {  	v14 =	vsel @!p5 vm0, v13, v14;
	vm0 =	vgt.f32 @!p5 v15, v18  }
0x128: {  	v13 =	vsel @!p5 vm0, v18, v15;
	v16 =	vsel @!p5 vm0, v20, v14  }
0x129: {  	(xrf1) =	vsort.ascd.msk.f32 @!p5 $0xffff, v13, v16;
	_ =	sdelay $0xc  }
0x12a: {  	v16 =	vld [tilespmem:$0xB0]  }
0x12b: {  	v13 =	vimm.s32 @!p5 $0x0;
	v17, v21, _ =	vpop @!p5 (xrf1)  }
0x12c: {  	v13 =	vperm.xlane @!p5 v17, v13;
	_ =	sdelay $0x1  }
0x12d: {  	v19 =	vpsel p5, v19, v13  }
0x12e: {  	vm15 =	vgt.f32 v16, v19  }
0x12f: {  	v22 =	vmpcnt.ones.xlane vm15;
	_ =	sdelay $0x1  }
0x130: {  	(v2sf) =	vpush v22, $0x0;
	_ =	sdelay $0xe  }
0x131: {  	s26 =	spop (v2sf)  }
0x132: {  	v15 =	vsel @!p5 vm0, v15, v18;
	v14 =	vsel @!p5 vm0, v14, v20;
	p4 =	slt.s32 s26, $0x1  }
0x133: {  	(xrf1) =	vsort.ascd.msk.f32 @!p5 $0xffff, v15, v14;
	v14 =	vlaneseq.u32 @!p4  }
0x134: {  	v15 =	vor.u32 @!p4 $0xB0, v14  }
0x135: {  	(xrf1) =	vsort.ascd.msk.f32 @!p4 $0xffff, v16, v15;
	_ =	sdelay $0xa  }
0x136: {  	[tilespmem:$0x18700] =	vst @!p5 v17  }
0x137: {  	[tilespmem:$0x18780] =	vst @!p5 v21;
	v17 =	vld @!p4 [tilespmem:$0x18700];
	v14 =	vmul.u32 @!p4 $0xFFFFFFFF, v14;
	v15, v16, _ =	vpop @!p5 (xrf1)  }
0x138: {  	[tilespmem:$0x18710] =	vst @!p5 v15;
	v15 =	vld @!p4 [tilespmem:$0x18780]  }
0x139: {  	v14 =	vadd.s32 @!p4 $0xF, v14;
	[tilespmem:$0x18790] =	vst @!p5 v16;
	v20 =	vld @!p4 [tilespmem:$0x18710];
	v16, v18, _ =	vpop @!p4 (xrf1)  }
0x13a: {  	v21 =	vld @!p4 [tilespmem:$0x18790];
	v16 =	vperm.xlane @!p4 v16, v14;
	_ =	sdelay $0x1  }
0x13b: {  	v14 =	vperm.xlane @!p4 v18, v14;
	vm0 =	vgt.f32 @!p4 v16, v17  }
0x13c: {  	v16 =	vsel @!p4 vm0, v16, v17  }
0x13d: {  	v15 =	vsel @!p4 vm0, v14, v15;
	vm0 =	vgt.f32 @!p4 v16, v20  }
0x13e: {  	v14 =	vsel @!p4 vm0, v20, v16;
	v17 =	vsel @!p4 vm0, v21, v15  }
0x13f: {  	(xrf1) =	vsort.ascd.msk.f32 @!p4 $0xffff, v14, v17;
	_ =	sdelay $0xc  }
0x140: {  	v17 =	vld [tilespmem:$0xC0]  }
0x141: {  	v14 =	vimm.s32 @!p4 $0x0;
	v18, v22, _ =	vpop @!p4 (xrf1)  }
0x142: {  	v14 =	vperm.xlane @!p4 v18, v14;
	_ =	sdelay $0x1  }
0x143: {  	v19 =	vpsel p4, v19, v14  }
0x144: {  	vm15 =	vgt.f32 v17, v19  }
0x145: {  	v23 =	vmpcnt.ones.xlane vm15;
	_ =	sdelay $0x1  }
0x146: {  	(v2sf) =	vpush v23, $0x0;
	_ =	sdelay $0xe  }
0x147: {  	s28 =	spop (v2sf)  }
0x148: {  	v16 =	vsel @!p4 vm0, v16, v20;
	v15 =	vsel @!p4 vm0, v15, v21;
	p3 =	slt.s32 s28, $0x1  }
0x149: {  	(xrf1) =	vsort.ascd.msk.f32 @!p4 $0xffff, v16, v15;
	v15 =	vlaneseq.u32 @!p3  }
0x14a: {  	v16 =	vor.u32 @!p3 $0xC0, v15  }
0x14b: {  	(xrf1) =	vsort.ascd.msk.f32 @!p3 $0xffff, v17, v16;
	_ =	sdelay $0xa  }
0x14c: {  	[tilespmem:$0x18700] =	vst @!p4 v18  }
0x14d: {  	[tilespmem:$0x18780] =	vst @!p4 v22;
	v18 =	vld @!p3 [tilespmem:$0x18700];
	v15 =	vmul.u32 @!p3 $0xFFFFFFFF, v15;
	v16, v17, _ =	vpop @!p4 (xrf1)  }
0x14e: {  	[tilespmem:$0x18710] =	vst @!p4 v16;
	v16 =	vld @!p3 [tilespmem:$0x18780]  }
0x14f: {  	v15 =	vadd.s32 @!p3 $0xF, v15;
	[tilespmem:$0x18790] =	vst @!p4 v17;
	v21 =	vld @!p3 [tilespmem:$0x18710];
	v17, v20, _ =	vpop @!p3 (xrf1)  }
0x150: {  	v22 =	vld @!p3 [tilespmem:$0x18790];
	v17 =	vperm.xlane @!p3 v17, v15;
	_ =	sdelay $0x1  }
0x151: {  	v15 =	vperm.xlane @!p3 v20, v15;
	vm0 =	vgt.f32 @!p3 v17, v18  }
0x152: {  	v17 =	vsel @!p3 vm0, v17, v18  }
0x153: {  	v15 =	vsel @!p3 vm0, v15, v16;
	vm0 =	vgt.f32 @!p3 v17, v21  }
0x154: {  	v16 =	vsel @!p3 vm0, v21, v17;
	v18 =	vsel @!p3 vm0, v22, v15  }
0x155: {  	(xrf1) =	vsort.ascd.msk.f32 @!p3 $0xffff, v16, v18;
	_ =	sdelay $0xc  }
0x156: {  	v16 =	vld [tilespmem:$0xD0]  }
0x157: {  	v23 =	vimm.s32 @!p3 $0x0;
	v18, v20, _ =	vpop @!p3 (xrf1)  }
0x158: {  	v23 =	vperm.xlane @!p3 v18, v23;
	_ =	sdelay $0x1  }
0x159: {  	v19 =	vpsel p3, v19, v23  }
0x15a: {  	vm15 =	vgt.f32 v16, v19  }
0x15b: {  	v24 =	vmpcnt.ones.xlane vm15;
	_ =	sdelay $0x1  }
0x15c: {  	(v2sf) =	vpush v24, $0x0;
	_ =	sdelay $0xe  }
0x15d: {  	s29 =	spop (v2sf)  }
0x15e: {  	v17 =	vsel @!p3 vm0, v17, v21;
	v15 =	vsel @!p3 vm0, v15, v22;
	p2 =	slt.s32 s29, $0x1  }
0x15f: {  	(xrf1) =	vsort.ascd.msk.f32 @!p3 $0xffff, v17, v15;
	v15 =	vlaneseq.u32 @!p2  }
0x160: {  	v17 =	vor.u32 @!p2 $0xD0, v15  }
0x161: {  	(xrf1) =	vsort.ascd.msk.f32 @!p2 $0xffff, v16, v17;
	_ =	sdelay $0xa  }
0x162: {  	[tilespmem:$0x18700] =	vst @!p3 v18  }
0x163: {  	[tilespmem:$0x18780] =	vst @!p3 v20;
	v18 =	vld @!p2 [tilespmem:$0x18700];
	v15 =	vmul.u32 @!p2 $0xFFFFFFFF, v15;
	v16, v17, _ =	vpop @!p3 (xrf1)  }
0x164: {  	[tilespmem:$0x18710] =	vst @!p3 v16;
	v16 =	vld @!p2 [tilespmem:$0x18780]  }
0x165: {  	v15 =	vadd.s32 @!p2 $0xF, v15;
	[tilespmem:$0x18790] =	vst @!p3 v17;
	v21 =	vld @!p2 [tilespmem:$0x18710];
	v17, v20, _ =	vpop @!p2 (xrf1)  }
0x166: {  	v22 =	vld @!p2 [tilespmem:$0x18790];
	v17 =	vperm.xlane @!p2 v17, v15;
	_ =	sdelay $0x1  }
0x167: {  	v15 =	vperm.xlane @!p2 v20, v15;
	vm0 =	vgt.f32 @!p2 v17, v18  }
0x168: {  	v17 =	vsel @!p2 vm0, v17, v18  }
0x169: {  	v15 =	vsel @!p2 vm0, v15, v16;
	vm0 =	vgt.f32 @!p2 v17, v21  }
0x16a: {  	v16 =	vsel @!p2 vm0, v21, v17;
	v18 =	vsel @!p2 vm0, v22, v15  }
0x16b: {  	(xrf1) =	vsort.ascd.msk.f32 @!p2 $0xffff, v16, v18;
	_ =	sdelay $0xc  }
0x16c: {  	v16 =	vld [tilespmem:$0xE0]  }
0x16d: {  	v24 =	vimm.s32 @!p2 $0x0;
	v18, v20, _ =	vpop @!p2 (xrf1)  }
0x16e: {  	v24 =	vperm.xlane @!p2 v18, v24;
	_ =	sdelay $0x1  }
0x16f: {  	v19 =	vpsel p2, v19, v24  }
0x170: {  	vm15 =	vgt.f32 v16, v19  }
0x171: {  	v25 =	vmpcnt.ones.xlane vm15;
	_ =	sdelay $0x1  }
0x172: {  	(v2sf) =	vpush v25, $0x0;
	_ =	sdelay $0xc  }
0x173: {  	[smem:$0x7FB] =	sst s20;
	s20 =	simm.s32 @!p0 $0x0  }
0x174: {  	s20 =	simm.s32 @p0 $0x1  }
0x175: {  	[smem:$0x7FC] =	sst s20;
	s20 =	simm.s32 @!p1 $0x0;
	s30 =	spop (v2sf)  }
0x176: {  	s20 =	simm.s32 @p1 $0x1;
	v17 =	vsel @!p2 vm0, v17, v21;
	v15 =	vsel @!p2 vm0, v15, v22;
	p1 =	slt.s32 s30, $0x1  }
0x177: {  	(xrf1) =	vsort.ascd.msk.f32 @!p2 $0xffff, v17, v15;
	v15 =	vlaneseq.u32 @!p1  }
0x178: {  	v17 =	vor.u32 @!p1 $0xE0, v15  }
0x179: {  	(xrf1) =	vsort.ascd.msk.f32 @!p1 $0xffff, v16, v17;
	_ =	sdelay $0xa  }
0x17a: {  	[tilespmem:$0x18700] =	vst @!p2 v18  }
0x17b: {  	[tilespmem:$0x18780] =	vst @!p2 v20;
	v18 =	vld @!p1 [tilespmem:$0x18700];
	v15 =	vmul.u32 @!p1 $0xFFFFFFFF, v15;
	v16, v17, _ =	vpop @!p2 (xrf1)  }
0x17c: {  	[tilespmem:$0x18710] =	vst @!p2 v16;
	v16 =	vld @!p1 [tilespmem:$0x18780]  }
0x17d: {  	v15 =	vadd.s32 @!p1 $0xF, v15;
	[tilespmem:$0x18790] =	vst @!p2 v17;
	v21 =	vld @!p1 [tilespmem:$0x18710];
	v17, v20, _ =	vpop @!p1 (xrf1)  }
0x17e: {  	v22 =	vld @!p1 [tilespmem:$0x18790];
	v17 =	vperm.xlane @!p1 v17, v15;
	_ =	sdelay $0x1  }
0x17f: {  	v15 =	vperm.xlane @!p1 v20, v15;
	vm0 =	vgt.f32 @!p1 v17, v18  }
0x180: {  	v17 =	vsel @!p1 vm0, v17, v18  }
0x181: {  	v15 =	vsel @!p1 vm0, v15, v16;
	vm0 =	vgt.f32 @!p1 v17, v21  }
0x182: {  	v16 =	vsel @!p1 vm0, v21, v17;
	v18 =	vsel @!p1 vm0, v22, v15  }
0x183: {  	(xrf1) =	vsort.ascd.msk.f32 @!p1 $0xffff, v16, v18;
	_ =	sdelay $0xc  }
0x184: {  	v16 =	vld [tilespmem:$0xF0]  }
0x185: {  	v25 =	vimm.s32 @!p1 $0x0;
	v18, v20, _ =	vpop @!p1 (xrf1)  }
0x186: {  	v25 =	vperm.xlane @!p1 v18, v25;
	_ =	sdelay $0x1  }
0x187: {  	v19 =	vpsel p1, v19, v25  }
0x188: {  	vm15 =	vgt.f32 v16, v19  }
0x189: {  	v26 =	vmpcnt.ones.xlane vm15;
	_ =	sdelay $0x1  }
0x18a: {  	(v2sf) =	vpush v26, $0x0;
	_ =	sdelay $0xe  }
0x18b: {  	s31 =	spop (v2sf)  }
0x18c: {  	v17 =	vsel @!p1 vm0, v17, v21;
	v15 =	vsel @!p1 vm0, v15, v22;
	p0 =	slt.s32 s31, $0x1  }
0x18d: {  	(xrf1) =	vsort.ascd.msk.f32 @!p1 $0xffff, v17, v15;
	v15 =	vlaneseq.u32 @!p0  }
0x18e: {  	v17 =	vor.u32 @!p0 $0xF0, v15  }
0x18f: {  	(xrf1) =	vsort.ascd.msk.f32 @!p0 $0xffff, v16, v17;
	_ =	sdelay $0xa  }
0x190: {  	[tilespmem:$0x18700] =	vst @!p1 v18  }
0x191: {  	[tilespmem:$0x18780] =	vst @!p1 v20;
	v18 =	vld @!p0 [tilespmem:$0x18700];
	v15 =	vmul.u32 @!p0 $0xFFFFFFFF, v15;
	v16, v17, _ =	vpop @!p1 (xrf1)  }
0x192: {  	[tilespmem:$0x18710] =	vst @!p1 v16;
	v16 =	vld @!p0 [tilespmem:$0x18780]  }
0x193: {  	v15 =	vadd.s32 @!p0 $0xF, v15;
	[tilespmem:$0x18790] =	vst @!p1 v17;
	v21 =	vld @!p0 [tilespmem:$0x18710];
	v17, v20, _ =	vpop @!p0 (xrf1)  }
0x194: {  	v22 =	vld @!p0 [tilespmem:$0x18790];
	v17 =	vperm.xlane @!p0 v17, v15  }
0x195: {  	s21 =	sld [smem:$0x7F4]  }
0x196: {  	s22 =	sld [smem:$0x7F5];
	v15 =	vperm.xlane @!p0 v20, v15;
	vm0 =	vgt.f32 @!p0 v17, v18  }
0x197: {  	s23 =	sld [smem:$0x7F6];
	v17 =	vsel @!p0 vm0, v17, v18  }
0x198: {  	s24 =	sld [smem:$0x7F7];
	v15 =	vsel @!p0 vm0, v15, v16;
	vm0 =	vgt.f32 @!p0 v17, v21  }
0x199: {  	p6 =	seq.s32 s21, $0x1;
	[smem:$0x7FD] =	sst s20;
	v16 =	vsel @!p0 vm0, v21, v17;
	v18 =	vsel @!p0 vm0, v22, v15  }
0x19a: {  	[tilespmem:$0x18800] =	vst @!p6 v3;
	p6 =	seq.s32 s22, $0x1;
	s25 =	sld [smem:$0x7F8];
	(xrf1) =	vsort.ascd.msk.f32 @!p0 $0xffff, v16, v18  }
0x19b: {  	[tilespmem:$0x18800] =	vst @!p6 v4;
	p6 =	seq.s32 s23, $0x1;
	s26 =	sld [smem:$0x7F9];
	v3 =	vsel @!p0 vm0, v17, v21;
	v4 =	vsel @!p0 vm0, v15, v22  }
0x19c: {  	[tilespmem:$0x18800] =	vst @!p6 v5;
	p6 =	seq.s32 s24, $0x1;
	s28 =	sld [smem:$0x7FA];
	(xrf1) =	vsort.ascd.msk.f32 @!p0 $0xffff, v3, v4  }
0x19d: {  	[tilespmem:$0x18800] =	vst @!p6 v6;
	p6 =	seq.s32 s25, $0x1;
	s29 =	sld [smem:$0x7FB]  }
0x19e: {  	[tilespmem:$0x18800] =	vst @!p6 v7;
	p6 =	seq.s32 s26, $0x1;
	s30 =	sld [smem:$0x7FC]  }
0x19f: {  	[tilespmem:$0x18800] =	vst @!p6 v8;
	p6 =	seq.s32 s28, $0x1;
	s31 =	sld [smem:$0x7FD]  }
0x1a0: {  	[tilespmem:$0x18800] =	vst @!p6 v9;
	p6 =	seq.s32 s29, $0x1  }
0x1a1: {  	[tilespmem:$0x18800] =	vst @!p6 v10;
	p6 =	seq.s32 s30, $0x1  }
0x1a2: {  	[tilespmem:$0x18800] =	vst @!p6 v11;
	p6 =	seq.s32 s31, $0x1  }
0x1a3: {  	[tilespmem:$0x18800] =	vst @!p6 v12  }
0x1a4: {  	[tilespmem:$0x18800] =	vst @!p5 v13  }
0x1a5: {  	[tilespmem:$0x18800] =	vst @!p4 v14  }
0x1a6: {  	[tilespmem:$0x18800] =	vst @!p3 v23  }
0x1a7: {  	[tilespmem:$0x18800] =	vst @!p2 v24  }
0x1a8: {  	[tilespmem:$0x18800] =	vst @!p1 v25;
	v3, v4, _ =	vpop @!p0 (xrf1)  }
0x1a9: {  	[tilespmem:$0x18700] =	vst @!p0 v3  }
0x1aa: {  	v5, v6, _ =	vpop @!p0 (xrf1);
	[tilespmem:$0x18780] =	vst @!p0 v4;
	v4 =	vimm.s32 @!p0 $0x0  }
0x1ab: {  	[tilespmem:$0x18710] =	vst @!p0 v5;
	v3 =	vperm.xlane @!p0 v3, v4  }
0x1ac: {  	[tilespmem:$0x18790] =	vst @!p0 v6  }
0x1ad: {  	[tilespmem:$0x18800] =	vst @!p0 v3;
	v4 =	vpsel p0, v19, v3  }
.LBB2_6:
0x1ae: {  	v3 =	vld [tilespmem:$0x18600];
	_ =	sdelay $0x4  }
0x1af: {  	vm0 =	vgt.f32 v3, v4  }
0x1b0: {  	v5 =	vmpcnt.ones.xlane vm0;
	_ =	sdelay $0x1  }
0x1b1: {  	(v2sf) =	vpush v5, $0x0;
	_ =	sdelay $0xe  }
0x1b2: {  	s20 =	spop (v2sf)  }
0x1b3: {  	p0 =	slt.s32 s20, $0x1  }
0x1b4: {  	v5 =	vlaneseq.u32 @!p0  }
0x1b5: {  	v6 =	vor.u32 @!p0 $0x18600, v5  }
0x1b6: {  	(xrf1) =	vsort.ascd.msk.f32 @!p0 $0xffff, v3, v6;
	_ =	sdelay $0xb  }
0x1b7: {  	v3 =	vmul.u32 @!p0 $0xFFFFFFFF, v5;
	v5 =	vld @!p0 [tilespmem:$0x18700]  }
0x1b8: {  	v9 =	vld @!p0 [tilespmem:$0x18710]  }
0x1b9: {  	v6 =	vld @!p0 [tilespmem:$0x18780];
	v3 =	vadd.s32 @!p0 $0xF, v3;
	v7, v8, _ =	vpop @!p0 (xrf1)  }
0x1ba: {  	v10 =	vld @!p0 [tilespmem:$0x18790];
	v7 =	vperm.xlane @!p0 v7, v3;
	_ =	sdelay $0x1  }
0x1bb: {  	v3 =	vperm.xlane @!p0 v8, v3;
	vm0 =	vgt.f32 @!p0 v7, v5  }
0x1bc: {  	v5 =	vsel @!p0 vm0, v7, v5  }
0x1bd: {  	v6 =	vsel @!p0 vm0, v3, v6;
	vm0 =	vgt.f32 @!p0 v5, v9  }
0x1be: {  	v3 =	vsel @!p0 vm0, v9, v5;
	v7 =	vsel @!p0 vm0, v10, v6  }
0x1bf: {  	(xrf1) =	vsort.ascd.msk.f32 @!p0 $0xffff, v3, v7;
	_ =	sdelay $0xc  }
0x1c0: {  	v7 =	vld [tilespmem:$0x18610]  }
0x1c1: {  	v3 =	vimm.s32 @!p0 $0x0;
	v8, v11, _ =	vpop @!p0 (xrf1)  }
0x1c2: {  	v3 =	vperm.xlane @!p0 v8, v3;
	_ =	sdelay $0x1  }
0x1c3: {  	v12 =	vpsel p0, v4, v3  }
0x1c4: {  	vm15 =	vgt.f32 v7, v12  }
0x1c5: {  	v4 =	vmpcnt.ones.xlane vm15;
	_ =	sdelay $0x1  }
0x1c6: {  	(v2sf) =	vpush v4, $0x0;
	_ =	sdelay $0xe  }
0x1c7: {  	s29 =	spop (v2sf)  }
0x1c8: {  	v4 =	vsel @!p0 vm0, v5, v9;
	v5 =	vsel @!p0 vm0, v6, v10;
	p1 =	slt.s32 s29, $0x1  }
0x1c9: {  	(xrf1) =	vsort.ascd.msk.f32 @!p0 $0xffff, v4, v5;
	v4 =	vlaneseq.u32 @!p1  }
0x1ca: {  	v5 =	vor.u32 @!p1 $0x18610, v4  }
0x1cb: {  	(xrf1) =	vsort.ascd.msk.f32 @!p1 $0xffff, v7, v5;
	_ =	sdelay $0xa  }
0x1cc: {  	[tilespmem:$0x18700] =	vst @!p0 v8  }
0x1cd: {  	[tilespmem:$0x18780] =	vst @!p0 v11;
	v4 =	vmul.u32 @!p1 $0xFFFFFFFF, v4;
	v7 =	vld @!p1 [tilespmem:$0x18700];
	v5, v6, _ =	vpop @!p0 (xrf1)  }
0x1ce: {  	[tilespmem:$0x18710] =	vst @!p0 v5;
	v5 =	vld @!p1 [tilespmem:$0x18780]  }
0x1cf: {  	v4 =	vadd.s32 @!p1 $0xF, v4;
	[tilespmem:$0x18790] =	vst @!p0 v6;
	v9 =	vld @!p1 [tilespmem:$0x18710];
	v6, v8, _ =	vpop @!p1 (xrf1)  }
0x1d0: {  	v10 =	vld @!p1 [tilespmem:$0x18790];
	v6 =	vperm.xlane @!p1 v6, v4;
	_ =	sdelay $0x1  }
0x1d1: {  	v4 =	vperm.xlane @!p1 v8, v4;
	vm0 =	vgt.f32 @!p1 v6, v7  }
0x1d2: {  	v6 =	vsel @!p1 vm0, v6, v7  }
0x1d3: {  	v5 =	vsel @!p1 vm0, v4, v5;
	vm0 =	vgt.f32 @!p1 v6, v9  }
0x1d4: {  	v4 =	vsel @!p1 vm0, v9, v6;
	v7 =	vsel @!p1 vm0, v10, v5  }
0x1d5: {  	(xrf1) =	vsort.ascd.msk.f32 @!p1 $0xffff, v4, v7;
	_ =	sdelay $0xc  }
0x1d6: {  	v7 =	vld [tilespmem:$0x18620]  }
0x1d7: {  	v4 =	vimm.s32 @!p1 $0x0;
	v8, v11, _ =	vpop @!p1 (xrf1)  }
0x1d8: {  	v4 =	vperm.xlane @!p1 v8, v4;
	_ =	sdelay $0x1  }
0x1d9: {  	v12 =	vpsel p1, v12, v4  }
0x1da: {  	vm15 =	vgt.f32 v7, v12  }
0x1db: {  	v13 =	vmpcnt.ones.xlane vm15;
	_ =	sdelay $0x1  }
0x1dc: {  	(v2sf) =	vpush v13, $0x0;
	_ =	sdelay $0xe  }
0x1dd: {  	s20 =	simm.s32 @!p0 $0x0;
	s30 =	spop (v2sf)  }
0x1de: {  	s20 =	simm.s32 @p0 $0x1;
	v6 =	vsel @!p1 vm0, v6, v9;
	v5 =	vsel @!p1 vm0, v5, v10;
	p0 =	slt.s32 s30, $0x1  }
0x1df: {  	(xrf1) =	vsort.ascd.msk.f32 @!p1 $0xffff, v6, v5;
	v5 =	vlaneseq.u32 @!p0  }
0x1e0: {  	v6 =	vor.u32 @!p0 $0x18620, v5  }
0x1e1: {  	(xrf1) =	vsort.ascd.msk.f32 @!p0 $0xffff, v7, v6;
	_ =	sdelay $0xa  }
0x1e2: {  	[tilespmem:$0x18700] =	vst @!p1 v8  }
0x1e3: {  	[tilespmem:$0x18780] =	vst @!p1 v11;
	v8 =	vld @!p0 [tilespmem:$0x18700];
	v5 =	vmul.u32 @!p0 $0xFFFFFFFF, v5;
	v6, v7, _ =	vpop @!p1 (xrf1)  }
0x1e4: {  	[tilespmem:$0x18710] =	vst @!p1 v6;
	v6 =	vld @!p0 [tilespmem:$0x18780]  }
0x1e5: {  	v5 =	vadd.s32 @!p0 $0xF, v5;
	[tilespmem:$0x18790] =	vst @!p1 v7;
	v10 =	vld @!p0 [tilespmem:$0x18710];
	v7, v9, _ =	vpop @!p0 (xrf1)  }
0x1e6: {  	v11 =	vld @!p0 [tilespmem:$0x18790];
	v7 =	vperm.xlane @!p0 v7, v5;
	_ =	sdelay $0x1  }
0x1e7: {  	v5 =	vperm.xlane @!p0 v9, v5;
	vm0 =	vgt.f32 @!p0 v7, v8  }
0x1e8: {  	v7 =	vsel @!p0 vm0, v7, v8  }
0x1e9: {  	v6 =	vsel @!p0 vm0, v5, v6;
	vm0 =	vgt.f32 @!p0 v7, v10  }
0x1ea: {  	v5 =	vsel @!p0 vm0, v10, v7;
	v8 =	vsel @!p0 vm0, v11, v6  }
0x1eb: {  	(xrf1) =	vsort.ascd.msk.f32 @!p0 $0xffff, v5, v8;
	_ =	sdelay $0xc  }
0x1ec: {  	v8 =	vld [tilespmem:$0x18630]  }
0x1ed: {  	v5 =	vimm.s32 @!p0 $0x0;
	v9, v13, _ =	vpop @!p0 (xrf1)  }
0x1ee: {  	v5 =	vperm.xlane @!p0 v9, v5;
	_ =	sdelay $0x1  }
0x1ef: {  	v12 =	vpsel p0, v12, v5  }
0x1f0: {  	vm15 =	vgt.f32 v8, v12  }
0x1f1: {  	v14 =	vmpcnt.ones.xlane vm15;
	_ =	sdelay $0x1  }
0x1f2: {  	(v2sf) =	vpush v14, $0x0;
	_ =	sdelay $0xe  }
0x1f3: {  	[smem:$0x7F0] =	sst s20;
	s20 =	simm.s32 @!p1 $0x0;
	s31 =	spop (v2sf)  }
0x1f4: {  	s20 =	simm.s32 @p1 $0x1;
	v7 =	vsel @!p0 vm0, v7, v10;
	v6 =	vsel @!p0 vm0, v6, v11;
	p1 =	slt.s32 s31, $0x1  }
0x1f5: {  	(xrf1) =	vsort.ascd.msk.f32 @!p0 $0xffff, v7, v6;
	v6 =	vlaneseq.u32 @!p1  }
0x1f6: {  	v7 =	vor.u32 @!p1 $0x18630, v6  }
0x1f7: {  	(xrf1) =	vsort.ascd.msk.f32 @!p1 $0xffff, v8, v7;
	_ =	sdelay $0xa  }
0x1f8: {  	[tilespmem:$0x18700] =	vst @!p0 v9  }
0x1f9: {  	[tilespmem:$0x18780] =	vst @!p0 v13;
	v9 =	vld @!p1 [tilespmem:$0x18700];
	v6 =	vmul.u32 @!p1 $0xFFFFFFFF, v6;
	v7, v8, _ =	vpop @!p0 (xrf1)  }
0x1fa: {  	[tilespmem:$0x18710] =	vst @!p0 v7;
	v7 =	vld @!p1 [tilespmem:$0x18780]  }
0x1fb: {  	v6 =	vadd.s32 @!p1 $0xF, v6;
	[tilespmem:$0x18790] =	vst @!p0 v8;
	v11 =	vld @!p1 [tilespmem:$0x18710];
	v8, v10, _ =	vpop @!p1 (xrf1)  }
0x1fc: {  	v13 =	vld @!p1 [tilespmem:$0x18790];
	v8 =	vperm.xlane @!p1 v8, v6;
	_ =	sdelay $0x1  }
0x1fd: {  	v6 =	vperm.xlane @!p1 v10, v6;
	vm0 =	vgt.f32 @!p1 v8, v9  }
0x1fe: {  	v8 =	vsel @!p1 vm0, v8, v9  }
0x1ff: {  	v7 =	vsel @!p1 vm0, v6, v7;
	vm0 =	vgt.f32 @!p1 v8, v11  }
0x200: {  	v6 =	vsel @!p1 vm0, v11, v8;
	v9 =	vsel @!p1 vm0, v13, v7  }
0x201: {  	(xrf1) =	vsort.ascd.msk.f32 @!p1 $0xffff, v6, v9;
	_ =	sdelay $0xc  }
0x202: {  	v9 =	vld [tilespmem:$0x18640]  }
0x203: {  	v6 =	vimm.s32 @!p1 $0x0;
	v10, v14, _ =	vpop @!p1 (xrf1)  }
0x204: {  	v6 =	vperm.xlane @!p1 v10, v6;
	_ =	sdelay $0x1  }
0x205: {  	v12 =	vpsel p1, v12, v6  }
0x206: {  	vm15 =	vgt.f32 v9, v12  }
0x207: {  	v15 =	vmpcnt.ones.xlane vm15;
	_ =	sdelay $0x1  }
0x208: {  	(v2sf) =	vpush v15, $0x0;
	_ =	sdelay $0xe  }
0x209: {  	s21 =	spop (v2sf)  }
0x20a: {  	v8 =	vsel @!p1 vm0, v8, v11;
	v7 =	vsel @!p1 vm0, v7, v13;
	p4 =	slt.s32 s21, $0x1  }
0x20b: {  	(xrf1) =	vsort.ascd.msk.f32 @!p1 $0xffff, v8, v7;
	v7 =	vlaneseq.u32 @!p4  }
0x20c: {  	v8 =	vor.u32 @!p4 $0x18640, v7  }
0x20d: {  	(xrf1) =	vsort.ascd.msk.f32 @!p4 $0xffff, v9, v8;
	_ =	sdelay $0xa  }
0x20e: {  	[tilespmem:$0x18700] =	vst @!p1 v10  }
0x20f: {  	[tilespmem:$0x18780] =	vst @!p1 v14;
	v10 =	vld @!p4 [tilespmem:$0x18700];
	v7 =	vmul.u32 @!p4 $0xFFFFFFFF, v7;
	v8, v9, _ =	vpop @!p1 (xrf1)  }
0x210: {  	[tilespmem:$0x18710] =	vst @!p1 v8;
	v8 =	vld @!p4 [tilespmem:$0x18780]  }
0x211: {  	v7 =	vadd.s32 @!p4 $0xF, v7;
	[tilespmem:$0x18790] =	vst @!p1 v9;
	v13 =	vld @!p4 [tilespmem:$0x18710];
	v9, v11, _ =	vpop @!p4 (xrf1)  }
0x212: {  	v14 =	vld @!p4 [tilespmem:$0x18790];
	v9 =	vperm.xlane @!p4 v9, v7;
	_ =	sdelay $0x1  }
0x213: {  	v7 =	vperm.xlane @!p4 v11, v7;
	vm0 =	vgt.f32 @!p4 v9, v10  }
0x214: {  	v9 =	vsel @!p4 vm0, v9, v10  }
0x215: {  	v8 =	vsel @!p4 vm0, v7, v8;
	vm0 =	vgt.f32 @!p4 v9, v13  }
0x216: {  	v7 =	vsel @!p4 vm0, v13, v9;
	v10 =	vsel @!p4 vm0, v14, v8  }
0x217: {  	(xrf1) =	vsort.ascd.msk.f32 @!p4 $0xffff, v7, v10;
	_ =	sdelay $0xc  }
0x218: {  	v10 =	vld [tilespmem:$0x18650]  }
0x219: {  	v7 =	vimm.s32 @!p4 $0x0;
	v11, v15, _ =	vpop @!p4 (xrf1)  }
0x21a: {  	v7 =	vperm.xlane @!p4 v11, v7;
	_ =	sdelay $0x1  }
0x21b: {  	v12 =	vpsel p4, v12, v7  }
0x21c: {  	vm15 =	vgt.f32 v10, v12  }
0x21d: {  	v16 =	vmpcnt.ones.xlane vm15;
	_ =	sdelay $0x1  }
0x21e: {  	(v2sf) =	vpush v16, $0x0;
	_ =	sdelay $0xe  }
0x21f: {  	s22 =	spop (v2sf)  }
0x220: {  	v9 =	vsel @!p4 vm0, v9, v13;
	v8 =	vsel @!p4 vm0, v8, v14;
	p5 =	slt.s32 s22, $0x1  }
0x221: {  	(xrf1) =	vsort.ascd.msk.f32 @!p4 $0xffff, v9, v8;
	v8 =	vlaneseq.u32 @!p5  }
0x222: {  	v9 =	vor.u32 @!p5 $0x18650, v8  }
0x223: {  	(xrf1) =	vsort.ascd.msk.f32 @!p5 $0xffff, v10, v9;
	_ =	sdelay $0xa  }
0x224: {  	[tilespmem:$0x18700] =	vst @!p4 v11  }
0x225: {  	[tilespmem:$0x18780] =	vst @!p4 v15;
	v11 =	vld @!p5 [tilespmem:$0x18700];
	v8 =	vmul.u32 @!p5 $0xFFFFFFFF, v8;
	v9, v10, _ =	vpop @!p4 (xrf1)  }
0x226: {  	[tilespmem:$0x18710] =	vst @!p4 v9;
	v9 =	vld @!p5 [tilespmem:$0x18780]  }
0x227: {  	v8 =	vadd.s32 @!p5 $0xF, v8;
	[tilespmem:$0x18790] =	vst @!p4 v10;
	v14 =	vld @!p5 [tilespmem:$0x18710];
	v10, v13, _ =	vpop @!p5 (xrf1)  }
0x228: {  	v15 =	vld @!p5 [tilespmem:$0x18790];
	v10 =	vperm.xlane @!p5 v10, v8;
	_ =	sdelay $0x1  }
0x229: {  	v8 =	vperm.xlane @!p5 v13, v8;
	vm0 =	vgt.f32 @!p5 v10, v11  }
0x22a: {  	v10 =	vsel @!p5 vm0, v10, v11  }
0x22b: {  	v9 =	vsel @!p5 vm0, v8, v9;
	vm0 =	vgt.f32 @!p5 v10, v14  }
0x22c: {  	v8 =	vsel @!p5 vm0, v14, v10;
	v11 =	vsel @!p5 vm0, v15, v9  }
0x22d: {  	(xrf1) =	vsort.ascd.msk.f32 @!p5 $0xffff, v8, v11;
	_ =	sdelay $0xc  }
0x22e: {  	v11 =	vld [tilespmem:$0x18660]  }
0x22f: {  	v8 =	vimm.s32 @!p5 $0x0;
	v13, v16, _ =	vpop @!p5 (xrf1)  }
0x230: {  	v8 =	vperm.xlane @!p5 v13, v8;
	_ =	sdelay $0x1  }
0x231: {  	v12 =	vpsel p5, v12, v8  }
0x232: {  	vm15 =	vgt.f32 v11, v12  }
0x233: {  	v17 =	vmpcnt.ones.xlane vm15;
	_ =	sdelay $0x1  }
0x234: {  	(v2sf) =	vpush v17, $0x0;
	_ =	sdelay $0xe  }
0x235: {  	s23 =	spop (v2sf)  }
0x236: {  	v10 =	vsel @!p5 vm0, v10, v14;
	v9 =	vsel @!p5 vm0, v9, v15;
	p6 =	slt.s32 s23, $0x1  }
0x237: {  	(xrf1) =	vsort.ascd.msk.f32 @!p5 $0xffff, v10, v9;
	v9 =	vlaneseq.u32 @!p6  }
0x238: {  	v10 =	vor.u32 @!p6 $0x18660, v9  }
0x239: {  	(xrf1) =	vsort.ascd.msk.f32 @!p6 $0xffff, v11, v10;
	_ =	sdelay $0xa  }
0x23a: {  	[tilespmem:$0x18700] =	vst @!p5 v13  }
0x23b: {  	[tilespmem:$0x18780] =	vst @!p5 v16;
	v13 =	vld @!p6 [tilespmem:$0x18700];
	v9 =	vmul.u32 @!p6 $0xFFFFFFFF, v9;
	v10, v11, _ =	vpop @!p5 (xrf1)  }
0x23c: {  	[tilespmem:$0x18710] =	vst @!p5 v10;
	v10 =	vld @!p6 [tilespmem:$0x18780]  }
0x23d: {  	v9 =	vadd.s32 @!p6 $0xF, v9;
	[tilespmem:$0x18790] =	vst @!p5 v11;
	v15 =	vld @!p6 [tilespmem:$0x18710];
	v11, v14, _ =	vpop @!p6 (xrf1)  }
0x23e: {  	v16 =	vld @!p6 [tilespmem:$0x18790];
	v11 =	vperm.xlane @!p6 v11, v9;
	_ =	sdelay $0x1  }
0x23f: {  	v9 =	vperm.xlane @!p6 v14, v9;
	vm0 =	vgt.f32 @!p6 v11, v13  }
0x240: {  	v11 =	vsel @!p6 vm0, v11, v13  }
0x241: {  	v10 =	vsel @!p6 vm0, v9, v10;
	vm0 =	vgt.f32 @!p6 v11, v15  }
0x242: {  	v9 =	vsel @!p6 vm0, v15, v11;
	v13 =	vsel @!p6 vm0, v16, v10  }
0x243: {  	(xrf1) =	vsort.ascd.msk.f32 @!p6 $0xffff, v9, v13;
	_ =	sdelay $0xc  }
0x244: {  	v13 =	vld [tilespmem:$0x18670]  }
0x245: {  	v9 =	vimm.s32 @!p6 $0x0;
	v14, v17, _ =	vpop @!p6 (xrf1)  }
0x246: {  	v9 =	vperm.xlane @!p6 v14, v9;
	_ =	sdelay $0x1  }
0x247: {  	v12 =	vpsel p6, v12, v9  }
0x248: {  	vm15 =	vgt.f32 v13, v12  }
0x249: {  	v18 =	vmpcnt.ones.xlane vm15;
	_ =	sdelay $0x1  }
0x24a: {  	(v2sf) =	vpush v18, $0x0;
	_ =	sdelay $0xe  }
0x24b: {  	s24 =	spop (v2sf)  }
0x24c: {  	v11 =	vsel @!p6 vm0, v11, v15;
	v10 =	vsel @!p6 vm0, v10, v16;
	p2 =	slt.s32 s24, $0x1  }
0x24d: {  	(xrf1) =	vsort.ascd.msk.f32 @!p6 $0xffff, v11, v10;
	v10 =	vlaneseq.u32 @!p2  }
0x24e: {  	v11 =	vor.u32 @!p2 $0x18670, v10  }
0x24f: {  	(xrf1) =	vsort.ascd.msk.f32 @!p2 $0xffff, v13, v11;
	_ =	sdelay $0xa  }
0x250: {  	[tilespmem:$0x18700] =	vst @!p6 v14  }
0x251: {  	[tilespmem:$0x18780] =	vst @!p6 v17;
	v14 =	vld @!p2 [tilespmem:$0x18700];
	v10 =	vmul.u32 @!p2 $0xFFFFFFFF, v10;
	v11, v13, _ =	vpop @!p6 (xrf1)  }
0x252: {  	[tilespmem:$0x18710] =	vst @!p6 v11;
	v11 =	vld @!p2 [tilespmem:$0x18780]  }
0x253: {  	v10 =	vadd.s32 @!p2 $0xF, v10;
	[tilespmem:$0x18790] =	vst @!p6 v13;
	v16 =	vld @!p2 [tilespmem:$0x18710];
	v13, v15, _ =	vpop @!p2 (xrf1)  }
0x254: {  	v17 =	vld @!p2 [tilespmem:$0x18790];
	v13 =	vperm.xlane @!p2 v13, v10;
	_ =	sdelay $0x1  }
0x255: {  	v10 =	vperm.xlane @!p2 v15, v10;
	vm0 =	vgt.f32 @!p2 v13, v14  }
0x256: {  	v13 =	vsel @!p2 vm0, v13, v14  }
0x257: {  	v10 =	vsel @!p2 vm0, v10, v11;
	vm0 =	vgt.f32 @!p2 v13, v16  }
0x258: {  	v11 =	vsel @!p2 vm0, v16, v13;
	v14 =	vsel @!p2 vm0, v17, v10  }
0x259: {  	(xrf1) =	vsort.ascd.msk.f32 @!p2 $0xffff, v11, v14;
	_ =	sdelay $0xc  }
0x25a: {  	v11 =	vld [tilespmem:$0x18680]  }
0x25b: {  	v18 =	vimm.s32 @!p2 $0x0;
	v14, v15, _ =	vpop @!p2 (xrf1)  }
0x25c: {  	v18 =	vperm.xlane @!p2 v14, v18;
	_ =	sdelay $0x1  }
0x25d: {  	v12 =	vpsel p2, v12, v18  }
0x25e: {  	vm15 =	vgt.f32 v11, v12  }
0x25f: {  	v19 =	vmpcnt.ones.xlane vm15;
	_ =	sdelay $0x1  }
0x260: {  	(v2sf) =	vpush v19, $0x0;
	_ =	sdelay $0xc  }
0x261: {  	[smem:$0x7F1] =	sst s20;
	s20 =	simm.s32 @!p0 $0x0  }
0x262: {  	s20 =	simm.s32 @p0 $0x1  }
0x263: {  	[smem:$0x7F2] =	sst s20;
	s20 =	simm.s32 @!p1 $0x0;
	s25 =	spop (v2sf)  }
0x264: {  	s20 =	simm.s32 @p1 $0x1;
	v13 =	vsel @!p2 vm0, v13, v16;
	v10 =	vsel @!p2 vm0, v10, v17;
	p1 =	slt.s32 s25, $0x1  }
0x265: {  	(xrf1) =	vsort.ascd.msk.f32 @!p2 $0xffff, v13, v10;
	v10 =	vlaneseq.u32 @!p1  }
0x266: {  	v13 =	vor.u32 @!p1 $0x18680, v10  }
0x267: {  	(xrf1) =	vsort.ascd.msk.f32 @!p1 $0xffff, v11, v13;
	_ =	sdelay $0xa  }
0x268: {  	[tilespmem:$0x18700] =	vst @!p2 v14  }
0x269: {  	[tilespmem:$0x18780] =	vst @!p2 v15;
	v14 =	vld @!p1 [tilespmem:$0x18700];
	v10 =	vmul.u32 @!p1 $0xFFFFFFFF, v10;
	v11, v13, _ =	vpop @!p2 (xrf1)  }
0x26a: {  	[tilespmem:$0x18710] =	vst @!p2 v11;
	v11 =	vld @!p1 [tilespmem:$0x18780]  }
0x26b: {  	v10 =	vadd.s32 @!p1 $0xF, v10;
	[tilespmem:$0x18790] =	vst @!p2 v13;
	v16 =	vld @!p1 [tilespmem:$0x18710];
	v13, v15, _ =	vpop @!p1 (xrf1)  }
0x26c: {  	v17 =	vld @!p1 [tilespmem:$0x18790];
	v13 =	vperm.xlane @!p1 v13, v10;
	_ =	sdelay $0x1  }
0x26d: {  	v10 =	vperm.xlane @!p1 v15, v10;
	vm0 =	vgt.f32 @!p1 v13, v14  }
0x26e: {  	v13 =	vsel @!p1 vm0, v13, v14  }
0x26f: {  	v10 =	vsel @!p1 vm0, v10, v11;
	vm0 =	vgt.f32 @!p1 v13, v16  }
0x270: {  	v11 =	vsel @!p1 vm0, v16, v13;
	v14 =	vsel @!p1 vm0, v17, v10  }
0x271: {  	(xrf1) =	vsort.ascd.msk.f32 @!p1 $0xffff, v11, v14;
	_ =	sdelay $0xc  }
0x272: {  	v11 =	vld [tilespmem:$0x18690]  }
0x273: {  	v19 =	vimm.s32 @!p1 $0x0;
	v14, v15, _ =	vpop @!p1 (xrf1)  }
0x274: {  	v19 =	vperm.xlane @!p1 v14, v19;
	_ =	sdelay $0x1  }
0x275: {  	v12 =	vpsel p1, v12, v19  }
0x276: {  	vm15 =	vgt.f32 v11, v12  }
0x277: {  	v12 =	vmpcnt.ones.xlane vm15;
	_ =	sdelay $0x1  }
0x278: {  	(v2sf) =	vpush v12, $0x0;
	_ =	sdelay $0xe  }
0x279: {  	s26 =	spop (v2sf)  }
0x27a: {  	v10 =	vsel @!p1 vm0, v10, v17;
	v12 =	vsel @!p1 vm0, v13, v16;
	p0 =	slt.s32 s26, $0x1  }
0x27b: {  	(xrf1) =	vsort.ascd.msk.f32 @!p1 $0xffff, v12, v10;
	v10 =	vlaneseq.u32 @!p0  }
0x27c: {  	v12 =	vor.u32 @!p0 $0x18690, v10  }
0x27d: {  	(xrf1) =	vsort.ascd.msk.f32 @!p0 $0xffff, v11, v12;
	_ =	sdelay $0xa  }
0x27e: {  	[tilespmem:$0x18700] =	vst @!p1 v14  }
0x27f: {  	[tilespmem:$0x18780] =	vst @!p1 v15;
	v13 =	vld @!p0 [tilespmem:$0x18700];
	v10 =	vmul.u32 @!p0 $0xFFFFFFFF, v10;
	v11, v12, _ =	vpop @!p1 (xrf1)  }
0x280: {  	[tilespmem:$0x18710] =	vst @!p1 v11;
	v11 =	vld @!p0 [tilespmem:$0x18780]  }
0x281: {  	v10 =	vadd.s32 @!p0 $0xF, v10;
	[tilespmem:$0x18790] =	vst @!p1 v12;
	v15 =	vld @!p0 [tilespmem:$0x18710];
	v12, v14, _ =	vpop @!p0 (xrf1)  }
0x282: {  	v16 =	vld @!p0 [tilespmem:$0x18790];
	v12 =	vperm.xlane @!p0 v12, v10;
	_ =	sdelay $0x1  }
0x283: {  	v10 =	vperm.xlane @!p0 v14, v10;
	vm0 =	vgt.f32 @!p0 v12, v13  }
0x284: {  	v12 =	vsel @!p0 vm0, v12, v13  }
0x285: {  	v10 =	vsel @!p0 vm0, v10, v11;
	vm0 =	vgt.f32 @!p0 v12, v15  }
0x286: {  	v11 =	vsel @!p0 vm0, v15, v12;
	v13 =	vsel @!p0 vm0, v16, v10  }
0x287: {  	v12 =	vsel @!p0 vm0, v12, v15;
	v10 =	vsel @!p0 vm0, v10, v16;
	(xrf1) =	vsort.ascd.msk.f32 @!p0 $0xffff, v11, v13  }
0x288: {  	(xrf1) =	vsort.ascd.msk.f32 @!p0 $0xffff, v12, v10;
	_ =	sdelay $0xc  }
0x289: {  	v10, v11, _ =	vpop @!p0 (xrf1)  }
0x28a: {  	v12, v13, _ =	vpop @!p0 (xrf1)  }
0x28b: {  	[tilespmem:$0x18710] =	vst @!p0 v12  }
0x28c: {  	v12 =	vld [tilespmem:$0x18710]  }
0x28d: {  	[tilespmem:$0x18700] =	vst @!p0 v10  }
0x28e: {  	v59 =	vld [tilespmem:$0x18700];
	_ =	sdelay $0x2  }
0x28f: {  	v60 =	vperm.xlane v12, v2;
	_ =	sdelay $0x1  }
0x290: {  	v14 =	vsub.f32 v59, v60  }
0x291: {  	v12 =	vsub.f32 v12, v60  }
0x292: {  	v14 =	vmul.f32 $1.000000000e+01, v14  }
0x293: {  	v12 =	vmul.f32 $1.000000000e+01, v12  }
0x294: {  	v14 =	vmul.f32 $1.442695020e+00, v14  }
0x295: {  	v12 =	vmul.f32 $1.442695020e+00, v12  }
0x296: {  	(erf) = vpow2.f32 v14  }
0x297: {  	(erf) = vpow2.f32 v12;
	_ =	sdelay $0x7  }
0x298: {  	v61 =	vpop (erf)  }
0x299: {  	v62 =	vpop (erf)  }
0x29a: {  	v63 =	vadd.f32 v62, v61;
	_ =	sdelay $0x1  }
0x29b: {  	(xrf2) =	vadd.scan.msk.f32 $0xffff, v63;
	_ =	sdelay $0x4  }
0x29c: {  	s28 =	sld [smem:$0x7F0]  }
0x29d: {  	s29 =	sld [smem:$0x7F1]  }
0x29e: {  	s30 =	sld [smem:$0x7F2]  }
0x29f: {  	[smem:$0x7F3] =	sst s20  }
0x2a0: {  	p3 =	seq.s32 s28, $0x1;
	s31 =	sld [smem:$0x7F3]  }
0x2a1: {  	[tilespmem:$0x18800] =	vst @!p3 v3;
	p3 =	seq.s32 s29, $0x1;
	v3, _, _ =	vpop (xrf2)  }
0x2a2: {  	[tilespmem:$0x18800] =	vst @!p3 v4;
	p3 =	seq.s32 s30, $0x1;
	v3 =	vperm.xlane v3, v2  }
0x2a3: {  	[tilespmem:$0x18800] =	vst @!p3 v5;
	p3 =	seq.s32 s31, $0x1  }
0x2a4: {  	[tilespmem:$0x18800] =	vst @!p3 v6;
	(erf) = vrcp.f32 v3  }
0x2a5: {  	[tilespmem:$0x18800] =	vst @!p4 v7  }
0x2a6: {  	[tilespmem:$0x18800] =	vst @!p5 v8  }
0x2a7: {  	[tilespmem:$0x18800] =	vst @!p6 v9  }
0x2a8: {  	[tilespmem:$0x18800] =	vst @!p2 v18  }
0x2a9: {  	[tilespmem:$0x18800] =	vst @!p1 v19;
	v3 =	vimm.s32 @!p0 $0x0  }
0x2aa: {  	[tilespmem:$0x18780] =	vst @!p0 v11;
	v3 =	vperm.xlane @!p0 v10, v3  }
0x2ab: {  	[tilespmem:$0x18790] =	vst @!p0 v13  }
0x2ac: {  	[tilespmem:$0x18800] =	vst @!p0 v3  }
0x2ad: {  	[tilespmem:s13], [sflag:$0x1] =	stream.indirect.gather [hbm4b:s1+s11], $0x1, s12, s11, $0xb8;
	v5 =	vpop (erf);
	[tilespmem:$0x19100] =	vst v63  }
0x2ae: {  	_ =	swait.ge [sflag:s10], $0x20  }
0x2af: {  	[sflag:s10] =	ssyncset.done $0x0  }
0x2b0: {  	[sflag:s10] =	ssyncadd.s32 $0xFFFFFFE0  }
0x2b1: {  	v4 =	vld [tilespmem:$0x18880]  }
0x2b2: {  	v3 =	vld [tilespmem:$0x18890];
	_ =	sdelay $0x2  }
0x2b3: {  	vm0 =	vcmask $0x704;
	_ =	sdelay $0x1  }
0x2b4: {  	v6 =	vmul.f32 v61, v5  }
0x2b5: {  	v5 =	vmul.f32 v62, v5  }
0x2b6: {  	[tilespmem:v4+s14+$0x0] =	vst.idx.add.f32.msk $0x1, v6  }
0x2b7: {  	[tilespmem:v3+s14+$0x0] =	vst.idx.add.f32.msk $0x1, v5  }
0x2b8: {  	[tilespmem:v4+s14+$0x0] =	vst.idx.add.f32.msk vm0, v6  }
0x2b9: {  	[tilespmem:v3+s14+$0x0] =	vst.idx.add.f32.msk vm0, v5  }
0x2ba: {  	[tilespmem:v4+s14+$0x0] =	vst.idx.add.f32.msk vm1, v6  }
0x2bb: {  	[tilespmem:v3+s14+$0x0] =	vst.idx.add.f32.msk vm1, v5  }
0x2bc: {  	[tilespmem:v4+s14+$0x0] =	vst.idx.add.f32.msk vm2, v6  }
0x2bd: {  	[tilespmem:v3+s14+$0x0] =	vst.idx.add.f32.msk vm2, v5  }
0x2be: {  	[tilespmem:v4+s14+$0x0] =	vst.idx.add.f32.msk vm3, v6  }
0x2bf: {  	[tilespmem:v3+s14+$0x0] =	vst.idx.add.f32.msk vm3, v5  }
0x2c0: {  	[tilespmem:v4+s14+$0x0] =	vst.idx.add.f32.msk vm4, v6  }
0x2c1: {  	[tilespmem:v3+s14+$0x0] =	vst.idx.add.f32.msk vm4, v5  }
0x2c2: {  	[tilespmem:v4+s14+$0x0] =	vst.idx.add.f32.msk vm5, v6  }
0x2c3: {  	[tilespmem:v3+s14+$0x0] =	vst.idx.add.f32.msk vm5, v5  }
0x2c4: {  	[tilespmem:v4+s14+$0x0] =	vst.idx.add.f32.msk vm6, v6  }
0x2c5: {  	[tilespmem:v3+s14+$0x0] =	vst.idx.add.f32.msk vm6, v5  }
0x2c6: {  	[tilespmem:v4+s14+$0x0] =	vst.idx.add.f32.msk vm7, v6  }
0x2c7: {  	[tilespmem:v3+s14+$0x0] =	vst.idx.add.f32.msk vm7, v5  }
0x2c8: {  	[tilespmem:v4+s14+$0x0] =	vst.idx.add.f32.msk vm8, v6  }
0x2c9: {  	[tilespmem:v3+s14+$0x0] =	vst.idx.add.f32.msk vm8, v5  }
0x2ca: {  	[tilespmem:v4+s14+$0x0] =	vst.idx.add.f32.msk vm9, v6  }
0x2cb: {  	[tilespmem:v3+s14+$0x0] =	vst.idx.add.f32.msk vm9, v5  }
0x2cc: {  	[tilespmem:v4+s14+$0x0] =	vst.idx.add.f32.msk vm10, v6  }
0x2cd: {  	[tilespmem:v3+s14+$0x0] =	vst.idx.add.f32.msk vm10, v5  }
0x2ce: {  	[tilespmem:v4+s14+$0x0] =	vst.idx.add.f32.msk vm11, v6  }
0x2cf: {  	[tilespmem:v3+s14+$0x0] =	vst.idx.add.f32.msk vm11, v5  }
0x2d0: {  	[tilespmem:v4+s14+$0x0] =	vst.idx.add.f32.msk vm12, v6  }
0x2d1: {  	[tilespmem:v3+s14+$0x0] =	vst.idx.add.f32.msk vm12, v5  }
0x2d2: {  	[tilespmem:v4+s14+$0x0] =	vst.idx.add.f32.msk vm13, v6  }
0x2d3: {  	[tilespmem:v3+s14+$0x0] =	vst.idx.add.f32.msk vm13, v5  }
0x2d4: {  	[tilespmem:v4+s14+$0x0] =	vst.idx.add.f32.msk vm14, v6  }
0x2d5: {  	s20 =	simm.s32 $0x0;
	[tilespmem:v3+s14+$0x0] =	vst.idx.add.f32.msk vm14, v5  }
0x2d6: {  	s21 =	simm.s32 $0x40;
	v5 =	vld [tilespmem:s20+$0x18900]  }
.LBB2_7:
0x2d7: {  	_ =	sdelay $0x1  }
0x2d8: {  	p0 =	sne.s32 s21, $0xFC0  }
.Ltmp2:
0x2d9: {  	_ = 	snop;
	(pc) =	sbr.rel @p0 .LBB2_7-.Ltmp2, $3  }
0x2da: {  	v6 =	vadd.f32 $9.999999740e-06, v5;
	_ =	sdelay $0x1  }
0x2db: {  	s22 =	sshra.s32 s21, $0x2;
	v6 =	vmin.f32 v6, $1.000000000e+00  }
0x2dc: {  	s21 =	sadd.s32 $0x40, s21;
	v5 =	vld [tilespmem:s22+$0x18900];
	[tilespmem:s20+$0x18D00] =	vst v6;
	s20 =	smov.u32 s22  }
0x2dd: {  	_ =	sdelay $0x3  }
0x2de: {  	v5 =	vadd.f32 $9.999999740e-06, v5;
	_ =	sdelay $0x1  }
0x2df: {  	s18 =	sshll.u32 s18, $0xD;
	v5 =	vmin.f32 v5, $1.000000000e+00  }
0x2e0: {  	s17 =	sadd.s32 $0x1, s17;
	s18 =	sor.u32 s19, s18;
	[tilespmem:s20+$0x18D00] =	vst v5  }
0x2e1: {  	p0 =	sne.s32 s17, $0x20;
	s18 =	sshrl.u32 s18, $0x3;
	[tilespmem:v4+s14+$0x0] =	vst.idx.msk $0xffff, v0  }
.Ltmp3:
0x2e2: {  	s18 =	sadd.s32 s5, s18;
	[tilespmem:v3+s14+$0x0] =	vst.idx.msk $0xffff, v0;
	(pc) =	sbr.rel @p0 .LBB2_4-.Ltmp3, $4  }
0x2e3: {  	[hbm4b:s18+s8] =	stream.strided.scatter [tilespmem:s15], [sflag:$0x1], $0x400, s9, s8, $0x38;
	[tilespmem:$0x19100] =	vst v63  }
0x2e4: {  	_ =	swait.ge [sflag:s10], $0x400  }
0x2e5: {  	[sflag:s10] =	ssyncset.done $0x0  }
0x2e6: {  	[sflag:s10] =	ssyncadd.s32 $0xFFFFFC00  }
0x2e7: {  	s16 =	sadd.s32 $0x1, s16  }
0x2e8: {  	p0 =	sne.s32 s16, s7  }
.Ltmp4:
0x2e9: {  	_ = 	snop;
	(pc) =	sbr.rel @p0 .LBB2_1-.Ltmp4, $1  }
0x2ea: {  	_ =	sdelay $0x3  }
0x2eb: {  	_ =	sfence.sel $0x180000  }
0x2ec: {  	[bflag:$0x0] =	sbarrier.arrive $0xFFFF  }
0x2ed: {  	p0 =	sne.s32 s3, $0x0;
	_ =	strace $0x90000047  }
0x2ee: {  	s0 =	sadd.s32 @!p0 $0x100000, s0;
	[bflag:$0x2] =	sbarrier.arrive $0xFFFF  }
0x2ef: {  	[sflag:s0] =	ssyncadd.tile.s32 @!p0 $0x1;
	_ =	shalt  }
.Lfunc_end2:
_tile_overlayer_lowered:
.L_overlay_start_2:
0x2f0: {  	(tag) =	ssettag $0x2  }
0x2f1: {  	s0 =	rddreg [dreg:$0x0];
	s2 =	stileid.u32  }
0x2f2: {  	s1 =	rddreg [dreg:$0x1];
	p0 =	sne.s32 s2, $0x0  }
0x2f3: {  	s3 =	rddreg [dreg:$0x2];
	[bflag:$0x3] =	sbarrier.arrive $0xFFFF;
	s2 =	simm.s32 @!p0 $0x1C01  }
0x2f4: {  	[timem:s3], [sflag:s2] =	dma.local @!p0 [hbm:s0], s1  }
0x2f5: {  	s0 =	simm.s32 @!p0 $0x1  }
0x2f6: {  	_ =	swait.ge @!p0 [sflag:s0], s1  }
0x2f7: {  	s1 =	ssub.s32 @!p0 $0x0, s1;
	[sflag:s0] =	ssyncset.done @!p0 $0x0  }
0x2f8: {  	[sflag:s0] =	ssyncadd.s32 @!p0 s1  }
0x2f9: {  	[bflag:$0x3] =	sbarrier.arrive $0xFFFF  }
0x2fa: {  	_ =	shalt  }

</sc_bundles>
